<compile_context>
chip_gen: v7x
topology: tpu7x:2x2x1
jax: 0.10.2.dev20260603
libtpu: 0.0.44.dev20260713+nightly
codegen_flags: <defaults>
</compile_context>

<pallas_src>
import functools

import jax
import jax.numpy as jnp
from jax import lax
from jax.experimental import pallas as pl
from jax.experimental.pallas import tpu as pltpu
from jax.experimental.pallas import tpu_sc as plsc

NC = 2
NS = 16
NW = NC * NS
EB = 128


def _sc_mesh():
    return plsc.VectorSubcoreMesh(core_axis_name="c", subcore_axis_name="s")


def _make_deg_kernel(npad, kb, d):
    rpt = npad // NS

    @functools.partial(
        pl.kernel,
        out_type=jax.ShapeDtypeStruct((NC, npad, d), jnp.float32),
        mesh=_sc_mesh(),
        scratch_types=[
            pltpu.VMEM((kb, EB), jnp.int32),
            pltpu.VMEM((EB, d), jnp.float32),
            pltpu.VMEM_SHARED((npad, d), jnp.float32),
        ],
    )
    def deg_kernel(col_hbm, out_hbm, col_v, buf_v, acc_sh):
        c = lax.axis_index("c")
        s = lax.axis_index("s")
        wid = c * NS + s

        @pl.loop(0, EB)
        def _(i):
            for j in range(d // 16):
                buf_v[i, pl.ds(j * 16, 16)] = jnp.zeros((16,), jnp.float32)

        base = s * rpt
        nfull = rpt // EB
        rem = rpt - nfull * EB

        @pl.loop(0, nfull)
        def _(k):
            pltpu.sync_copy(buf_v, acc_sh.at[pl.ds(base + k * EB, EB)])

        if rem:
            pltpu.sync_copy(buf_v.at[pl.ds(0, rem)],
                            acc_sh.at[pl.ds(base + nfull * EB, rem)])

        @pl.loop(0, EB)
        def _(i):
            for j in range(d // 16):
                buf_v[i, pl.ds(j * 16, 16)] = jnp.ones((16,), jnp.float32)

        pltpu.sync_copy(col_hbm.at[wid], col_v)
        plsc.subcore_barrier()

        @pl.loop(0, kb)
        def _(j):
            pltpu.sync_copy(buf_v, acc_sh.at[col_v.at[j]], add=True)

        plsc.subcore_barrier()

        @pl.loop(0, nfull)
        def _(k):
            pltpu.sync_copy(acc_sh.at[pl.ds(base + k * EB, EB)],
                            out_hbm.at[c, pl.ds(base + k * EB, EB)])

        if rem:
            pltpu.sync_copy(acc_sh.at[pl.ds(base + nfull * EB, rem)],
                            out_hbm.at[c, pl.ds(base + nfull * EB, rem)])

    return deg_kernel


def _make_layer_kernel(npad, kb, d):
    rpt = npad // NS

    @functools.partial(
        pl.kernel,
        out_type=jax.ShapeDtypeStruct((NC, npad, d), jnp.float32),
        mesh=_sc_mesh(),
        scratch_types=[
            pltpu.VMEM((kb, EB), jnp.int32),
            pltpu.VMEM((kb, EB), jnp.int32),
            pltpu.VMEM((EB, d), jnp.float32),
            pltpu.VMEM_SHARED((npad, d), jnp.float32),
        ],
    )
    def layer_kernel(g_hbm, row_hbm, col_hbm, out_hbm, row_v, col_v, buf_v, acc_sh):
        c = lax.axis_index("c")
        s = lax.axis_index("s")
        wid = c * NS + s

        @pl.loop(0, EB)
        def _(i):
            for j in range(d // 16):
                buf_v[i, pl.ds(j * 16, 16)] = jnp.zeros((16,), jnp.float32)

        base = s * rpt
        nfull = rpt // EB
        rem = rpt - nfull * EB

        @pl.loop(0, nfull)
        def _(k):
            pltpu.sync_copy(buf_v, acc_sh.at[pl.ds(base + k * EB, EB)])

        if rem:
            pltpu.sync_copy(buf_v.at[pl.ds(0, rem)],
                            acc_sh.at[pl.ds(base + nfull * EB, rem)])

        pltpu.sync_copy(row_hbm.at[wid], row_v)
        pltpu.sync_copy(col_hbm.at[wid], col_v)
        plsc.subcore_barrier()

        @pl.loop(0, kb)
        def _(j):
            pltpu.sync_copy(g_hbm.at[row_v.at[j]], buf_v)
            pltpu.sync_copy(buf_v, acc_sh.at[col_v.at[j]], add=True)

        plsc.subcore_barrier()

        @pl.loop(0, nfull)
        def _(k):
            pltpu.sync_copy(acc_sh.at[pl.ds(base + k * EB, EB)],
                            out_hbm.at[c, pl.ds(base + k * EB, EB)])

        if rem:
            pltpu.sync_copy(acc_sh.at[pl.ds(base + nfull * EB, rem)],
                            out_hbm.at[c, pl.ds(base + nfull * EB, rem)])

    return layer_kernel


def _deg_combine_body(pa_ref, pb_ref, u_ref, dv_ref, g_ref):
    dinv = lax.rsqrt(pa_ref[...] + pb_ref[...] + 1.0)
    dv_ref[...] = dinv
    g_ref[...] = dinv * u_ref[...]


def _tc_mm_body(x_ref, w_ref, o_ref):
    o_ref[...] = jnp.dot(x_ref[...], w_ref[...],
                         preferred_element_type=jnp.float32)


def _tc_mid_body(sa_ref, sb_ref, g_ref, dv_ref, b_ref, w_ref, o_ref):
    dinv = dv_ref[...]
    h = dinv * (sa_ref[...] + sb_ref[...] + g_ref[...]) + b_ref[...]
    h = jnp.maximum(h, 0.0)
    o_ref[...] = dinv * jnp.dot(h, w_ref[...], preferred_element_type=jnp.float32)


def _tc_last_body(sa_ref, sb_ref, g_ref, dv_ref, b_ref, o_ref):
    o_ref[...] = dv_ref[...] * (sa_ref[...] + sb_ref[...] + g_ref[...]) + b_ref[...]


def _row_spec(r, d):
    return pl.BlockSpec((r, d), lambda i: (i, 0))


def _full_spec(shape):
    return pl.BlockSpec(shape, lambda i: tuple(0 for _ in shape))


def _tc_call(body, in_specs, grid, npad, d, args):
    return pl.pallas_call(
        body,
        grid=(grid,),
        in_specs=in_specs,
        out_specs=_row_spec(npad // grid, d),
        out_shape=jax.ShapeDtypeStruct((npad, d), jnp.float32),
    )(*args)


def kernel(x, edge_index, W1, b1, W2, b2, W3, b3):
    n, d_in = x.shape
    e = edge_index.shape[1]
    d = W1.shape[1]

    npad = ((n + 1 + 127) // 128) * 128
    e_pad = ((e + NW * EB - 1) // (NW * EB)) * (NW * EB)
    kb = e_pad // (NW * EB)

    row = edge_index[0]
    col = edge_index[1]
    pad = e_pad - e
    row_p = jnp.concatenate([row, jnp.zeros((pad,), jnp.int32)]).reshape(NW, kb, EB)
    col_p = jnp.concatenate([col, jnp.full((pad,), n, jnp.int32)]).reshape(NW, kb, EB)
    x_p = jnp.pad(x, ((0, npad - n), (0, 0)))

    deg_kernel = _make_deg_kernel(npad, kb, d)
    layer_kernel = _make_layer_kernel(npad, kb, d)

    u1 = pl.pallas_call(
        _tc_mm_body,
        grid=(8,),
        in_specs=[_row_spec(npad // 8, d_in), _full_spec((d_in, d))],
        out_specs=_row_spec(npad // 8, d),
        out_shape=jax.ShapeDtypeStruct((npad, d), jnp.float32),
    )(x_p, W1)

    degp = deg_kernel(col_p)

    dinv_b, g1 = pl.pallas_call(
        _deg_combine_body,
        grid=(8,),
        in_specs=[_row_spec(npad // 8, d), _row_spec(npad // 8, d),
                  _row_spec(npad // 8, d)],
        out_specs=[_row_spec(npad // 8, d), _row_spec(npad // 8, d)],
        out_shape=[jax.ShapeDtypeStruct((npad, d), jnp.float32),
                   jax.ShapeDtypeStruct((npad, d), jnp.float32)],
    )(degp[0], degp[1], u1)

    grid = 8
    r = npad // grid
    b1r = b1.reshape(1, d)
    b2r = b2.reshape(1, d)
    b3r = b3.reshape(1, d)

    dv_spec = _row_spec(r, 128)
    w_spec = _full_spec((d_in, d))
    b_spec = _full_spec((1, d))

    s1 = layer_kernel(g1, row_p, col_p)
    g2 = _tc_call(_tc_mid_body,
                  [_row_spec(r, d), _row_spec(r, d), _row_spec(r, d),
                   dv_spec, b_spec, w_spec],
                  grid, npad, d, (s1[0], s1[1], g1, dinv_b, b1r, W2))
    s2 = layer_kernel(g2, row_p, col_p)
    g3 = _tc_call(_tc_mid_body,
                  [_row_spec(r, d), _row_spec(r, d), _row_spec(r, d),
                   dv_spec, b_spec, w_spec],
                  grid, npad, d, (s2[0], s2[1], g2, dinv_b, b2r, W3))
    s3 = layer_kernel(g3, row_p, col_p)
    out = _tc_call(_tc_last_body,
                   [_row_spec(r, d), _row_spec(r, d), _row_spec(r, d),
                    dv_spec, b_spec],
                   grid, npad, d, (s3[0], s3[1], g3, dinv_b, b3r))
    return out[:n]

# --- scband reference (transcript-rebuilt; emitter-appended) ---
"""Pipeline reference for scband-dynamic-gcn-69853348102243 (READ-ONLY COPY).

The authoritative reference and input builder live on the scoring server;
editing this copy changes nothing except your own understanding.
"""

import jax, jax.numpy as jnp
import numpy as np

N = 10000
E = 320000
D_IN = 128
D_HID = 128
D_OUT = 128


def setup_inputs(seed: int = 0) -> dict:
    key = jax.random.key(seed)
    ks = jax.random.split(key, 8)
    x = jax.random.normal(ks[0], (N, D_IN), dtype=jnp.float32)
    edge_index = jax.random.randint(ks[1], (2, E), 0, N, dtype=jnp.int32)
    W1 = jax.random.normal(ks[2], (D_IN, D_HID), dtype=jnp.float32) * (1.0 / np.sqrt(D_IN))
    b1 = jnp.zeros((D_HID,), dtype=jnp.float32)
    W2 = jax.random.normal(ks[3], (D_HID, D_HID), dtype=jnp.float32) * (1.0 / np.sqrt(D_HID))
    b2 = jnp.zeros((D_HID,), dtype=jnp.float32)
    W3 = jax.random.normal(ks[4], (D_HID, D_OUT), dtype=jnp.float32) * (1.0 / np.sqrt(D_HID))
    b3 = jnp.zeros((D_OUT,), dtype=jnp.float32)
    return {"x": x, "edge_index": edge_index, "W1": W1, "b1": b1, "W2": W2, "b2": b2, "W3": W3, "b3": b3}


def _gcn_conv(x, edge_index, W, b):
    # GCNConv: x' = D^{-1/2} (A + I) D^{-1/2} X W + b
    n = x.shape[0]
    loop = jnp.arange(n, dtype=edge_index.dtype)
    ei = jnp.concatenate([edge_index, jnp.stack([loop, loop])], axis=1)
    row, col = ei[0], ei[1]
    deg = jnp.zeros((n,), x.dtype).at[col].add(1.0)
    dinv = jnp.where(deg > 0, jax.lax.rsqrt(deg), 0.0)
    norm = dinv[row] * dinv[col]
    h = x @ W
    msg = jnp.take(h, row, axis=0) * norm[:, None]
    out = jnp.zeros((n, W.shape[1]), x.dtype).at[col].add(msg)
    return out + b


def reference(x, edge_index, W1, b1, W2, b2, W3, b3):
    h = jax.nn.relu(_gcn_conv(x, edge_index, W1, b1))
    h = jax.nn.relu(_gcn_conv(h, edge_index, W2, b2))
    out = _gcn_conv(h, edge_index, W3, b3)
    return out

if __name__ == "__main__":
    import jax
    _d = setup_inputs()
    print(jax.jit(kernel)(*tuple(_d.values())))

</pallas_src>

<mosaic_0001>
#map = affine_map<(d0, d1) -> (0, 0, 0)>
module attributes {stable_mosaic.version = 14 : i64} {
  func.func @deg_kernel(%arg0: i32, %arg1: i32, %arg2: memref<32x79x128xi32, #tpu.memory_space<hbm>>, %arg3: memref<2x10112x128xf32, #tpu.memory_space<hbm>>, %arg4: memref<79x128xi32, #tpu.memory_space<vmem>>, %arg5: memref<128x128xf32, #tpu.memory_space<vmem>>, %arg6: memref<10112x128xf32, #tpu.memory_space<vmem_shared>>) attributes {dimension_semantics = [#tpu.dimension_semantics<core_parallel>, #tpu.dimension_semantics<subcore_parallel>], iteration_bounds = array<i64: 2, 16>, scalar_prefetch = 0 : i64, scratch_operands = 3 : i64, tpu.core_type = #tpu.core_type<sc_vector_subcore>, window_params = [{transform_indices = #map}, {transform_indices = #map}]} {
    %mul3A = arith.constant 16 : i32
    %mul3A_0 = arith.muli %arg0, %mul3A : i32
    %add3A = arith.addi %mul3A_0, %arg1 : i32
    %scan3A = arith.constant 0 : i32
    %scan3A_1 = arith.constant 128 : i32
    %scan3A_2 = arith.addi %scan3A, %scan3A_1 : i32
    %scan3A_3 = arith.constant 1 : i32
    scf.for %scan3A_34 = %scan3A to %scan3A_2 step %scan3A_3  : i32 {
      %mul3A_35 = arith.constant 1 : i32
      %mul3A_36 = arith.muli %scan3A_34, %mul3A_35 : i32
      %add3A_37 = arith.constant 0 : i32
      %add3A_38 = arith.addi %add3A_37, %mul3A_36 : i32
      %broadcast_in_dim3A = arith.constant 0.000000e+00 : f32
      %broadcast_in_dim3A_39 = vector.broadcast %broadcast_in_dim3A : f32 to vector<16xf32>
      %swap3A = arith.index_cast %add3A_38 : i32 to index
      %swap3A_40 = arith.constant 0 : index
      %swap3A_41 = tpu.vector_load %arg5[%swap3A, %swap3A_40] {strides = array<i32>} : memref<128x128xf32, #tpu.memory_space<vmem>>, vector<1x16xf32>,
      %swap3A_42 = vector.shape_cast %swap3A_41 : vector<1x16xf32> to vector<16xf32>
      %swap3A_43 = vector.shape_cast %broadcast_in_dim3A_39 : vector<16xf32> to vector<1x16xf32>
      tpu.vector_store %arg5[%swap3A, %swap3A_40], %swap3A_43 {strides = array<i32>} : memref<128x128xf32, #tpu.memory_space<vmem>>, vector<1x16xf32>,
      %broadcast_in_dim3A_44 = arith.constant 0.000000e+00 : f32
      %broadcast_in_dim3A_45 = vector.broadcast %broadcast_in_dim3A_44 : f32 to vector<16xf32>
      %swap3A_46 = arith.index_cast %add3A_38 : i32 to index
      %swap3A_47 = arith.constant 16 : index
      %swap3A_48 = tpu.vector_load %arg5[%swap3A_46, %swap3A_47] {strides = array<i32>} : memref<128x128xf32, #tpu.memory_space<vmem>>, vector<1x16xf32>,
      %swap3A_49 = vector.shape_cast %swap3A_48 : vector<1x16xf32> to vector<16xf32>
      %swap3A_50 = vector.shape_cast %broadcast_in_dim3A_45 : vector<16xf32> to vector<1x16xf32>
      tpu.vector_store %arg5[%swap3A_46, %swap3A_47], %swap3A_50 {strides = array<i32>} : memref<128x128xf32, #tpu.memory_space<vmem>>, vector<1x16xf32>,
      %broadcast_in_dim3A_51 = arith.constant 0.000000e+00 : f32
      %broadcast_in_dim3A_52 = vector.broadcast %broadcast_in_dim3A_51 : f32 to vector<16xf32>
      %swap3A_53 = arith.index_cast %add3A_38 : i32 to index
      %swap3A_54 = arith.constant 32 : index
      %swap3A_55 = tpu.vector_load %arg5[%swap3A_53, %swap3A_54] {strides = array<i32>} : memref<128x128xf32, #tpu.memory_space<vmem>>, vector<1x16xf32>,
      %swap3A_56 = vector.shape_cast %swap3A_55 : vector<1x16xf32> to vector<16xf32>
      %swap3A_57 = vector.shape_cast %broadcast_in_dim3A_52 : vector<16xf32> to vector<1x16xf32>
      tpu.vector_store %arg5[%swap3A_53, %swap3A_54], %swap3A_57 {strides = array<i32>} : memref<128x128xf32, #tpu.memory_space<vmem>>, vector<1x16xf32>,
      %broadcast_in_dim3A_58 = arith.constant 0.000000e+00 : f32
      %broadcast_in_dim3A_59 = vector.broadcast %broadcast_in_dim3A_58 : f32 to vector<16xf32>
      %swap3A_60 = arith.index_cast %add3A_38 : i32 to index
      %swap3A_61 = arith.constant 48 : index
      %swap3A_62 = tpu.vector_load %arg5[%swap3A_60, %swap3A_61] {strides = array<i32>} : memref<128x128xf32, #tpu.memory_space<vmem>>, vector<1x16xf32>,
      %swap3A_63 = vector.shape_cast %swap3A_62 : vector<1x16xf32> to vector<16xf32>
      %swap3A_64 = vector.shape_cast %broadcast_in_dim3A_59 : vector<16xf32> to vector<1x16xf32>
      tpu.vector_store %arg5[%swap3A_60, %swap3A_61], %swap3A_64 {strides = array<i32>} : memref<128x128xf32, #tpu.memory_space<vmem>>, vector<1x16xf32>,
      %broadcast_in_dim3A_65 = arith.constant 0.000000e+00 : f32
      %broadcast_in_dim3A_66 = vector.broadcast %broadcast_in_dim3A_65 : f32 to vector<16xf32>
      %swap3A_67 = arith.index_cast %add3A_38 : i32 to index
      %swap3A_68 = arith.constant 64 : index
      %swap3A_69 = tpu.vector_load %arg5[%swap3A_67, %swap3A_68] {strides = array<i32>} : memref<128x128xf32, #tpu.memory_space<vmem>>, vector<1x16xf32>,
      %swap3A_70 = vector.shape_cast %swap3A_69 : vector<1x16xf32> to vector<16xf32>
      %swap3A_71 = vector.shape_cast %broadcast_in_dim3A_66 : vector<16xf32> to vector<1x16xf32>
      tpu.vector_store %arg5[%swap3A_67, %swap3A_68], %swap3A_71 {strides = array<i32>} : memref<128x128xf32, #tpu.memory_space<vmem>>, vector<1x16xf32>,
      %broadcast_in_dim3A_72 = arith.constant 0.000000e+00 : f32
      %broadcast_in_dim3A_73 = vector.broadcast %broadcast_in_dim3A_72 : f32 to vector<16xf32>
      %swap3A_74 = arith.index_cast %add3A_38 : i32 to index
      %swap3A_75 = arith.constant 80 : index
      %swap3A_76 = tpu.vector_load %arg5[%swap3A_74, %swap3A_75] {strides = array<i32>} : memref<128x128xf32, #tpu.memory_space<vmem>>, vector<1x16xf32>,
      %swap3A_77 = vector.shape_cast %swap3A_76 : vector<1x16xf32> to vector<16xf32>
      %swap3A_78 = vector.shape_cast %broadcast_in_dim3A_73 : vector<16xf32> to vector<1x16xf32>
      tpu.vector_store %arg5[%swap3A_74, %swap3A_75], %swap3A_78 {strides = array<i32>} : memref<128x128xf32, #tpu.memory_space<vmem>>, vector<1x16xf32>,
      %broadcast_in_dim3A_79 = arith.constant 0.000000e+00 : f32
      %broadcast_in_dim3A_80 = vector.broadcast %broadcast_in_dim3A_79 : f32 to vector<16xf32>
      %swap3A_81 = arith.index_cast %add3A_38 : i32 to index
      %swap3A_82 = arith.constant 96 : index
      %swap3A_83 = tpu.vector_load %arg5[%swap3A_81, %swap3A_82] {strides = array<i32>} : memref<128x128xf32, #tpu.memory_space<vmem>>, vector<1x16xf32>,
      %swap3A_84 = vector.shape_cast %swap3A_83 : vector<1x16xf32> to vector<16xf32>
      %swap3A_85 = vector.shape_cast %broadcast_in_dim3A_80 : vector<16xf32> to vector<1x16xf32>
      tpu.vector_store %arg5[%swap3A_81, %swap3A_82], %swap3A_85 {strides = array<i32>} : memref<128x128xf32, #tpu.memory_space<vmem>>, vector<1x16xf32>,
      %broadcast_in_dim3A_86 = arith.constant 0.000000e+00 : f32
      %broadcast_in_dim3A_87 = vector.broadcast %broadcast_in_dim3A_86 : f32 to vector<16xf32>
      %swap3A_88 = arith.index_cast %add3A_38 : i32 to index
      %swap3A_89 = arith.constant 112 : index
      %swap3A_90 = tpu.vector_load %arg5[%swap3A_88, %swap3A_89] {strides = array<i32>} : memref<128x128xf32, #tpu.memory_space<vmem>>, vector<1x16xf32>,
      %swap3A_91 = vector.shape_cast %swap3A_90 : vector<1x16xf32> to vector<16xf32>
      %swap3A_92 = vector.shape_cast %broadcast_in_dim3A_87 : vector<16xf32> to vector<1x16xf32>
      tpu.vector_store %arg5[%swap3A_88, %swap3A_89], %swap3A_92 {strides = array<i32>} : memref<128x128xf32, #tpu.memory_space<vmem>>, vector<1x16xf32>,
    }
    %scan3A_4 = arith.constant 128 : i32
    %mul3A_5 = arith.constant 632 : i32
    %mul3A_6 = arith.muli %arg1, %mul3A_5 : i32
    %scan3A_7 = arith.constant 0 : i32
    %scan3A_8 = arith.constant 4 : i32
    %scan3A_9 = arith.addi %scan3A_7, %scan3A_8 : i32
    %scan3A_10 = arith.constant 1 : i32
    scf.for %scan3A_34 = %scan3A_7 to %scan3A_9 step %scan3A_10  : i32 {
      %mul3A_35 = arith.constant 1 : i32
      %mul3A_36 = arith.muli %scan3A_34, %mul3A_35 : i32
      %add3A_37 = arith.constant 0 : i32
      %add3A_38 = arith.addi %add3A_37, %mul3A_36 : i32
      %mul3A_39 = arith.constant 128 : i32
      %mul3A_40 = arith.muli %add3A_38, %mul3A_39 : i32
      %add3A_41 = arith.addi %mul3A_6, %mul3A_40 : i32
      "tpu.region"() ({
        %run_scoped3A = tpu.sem_alloc : memref<!tpu.dma_semaphore, #tpu.memory_space<semaphore_mem>>
        %dma_start3A = arith.constant 0 : i32
        %dma_start3A_42 = tpu.memref_slice %arg6[%add3A_41, %dma_start3A] : memref<10112x128xf32, #tpu.memory_space<vmem_shared>> -> memref<128x128xf32, #tpu.memory_space<vmem_shared>>
        %dma_start3A_43 = arith.constant 0 : i32
        %dma_start3A_44 = tpu.memref_slice %arg6[%add3A_41, %dma_start3A_43] : memref<10112x128xf32, #tpu.memory_space<vmem_shared>> -> memref<128x128xf32, #tpu.memory_space<vmem_shared>>
        tpu.enqueue_dma source(%arg5 : memref<128x128xf32, #tpu.memory_space<vmem>>) target(%dma_start3A_44 : memref<128x128xf32, #tpu.memory_space<vmem_shared>>) target_semaphore(%run_scoped3A : memref<!tpu.dma_semaphore, #tpu.memory_space<semaphore_mem>>)
        %dma_wait3A = arith.constant 0 : i32
        %dma_wait3A_45 = tpu.memref_slice %arg6[%add3A_41, %dma_wait3A] : memref<10112x128xf32, #tpu.memory_space<vmem_shared>> -> memref<128x128xf32, #tpu.memory_space<vmem_shared>>
        %dma_wait3A_46 = arith.constant 0 : i32
        %dma_wait3A_47 = tpu.memref_slice %arg6[%add3A_41, %dma_wait3A_46] : memref<10112x128xf32, #tpu.memory_space<vmem_shared>> -> memref<128x128xf32, #tpu.memory_space<vmem_shared>>
        tpu.wait_dma2 semaphore(%run_scoped3A : memref<!tpu.dma_semaphore, #tpu.memory_space<semaphore_mem>>) src(%arg5 : memref<128x128xf32, #tpu.memory_space<vmem>>) dst(%dma_wait3A_47 : memref<128x128xf32, #tpu.memory_space<vmem_shared>>)
        tpu.yield
      }) : () -> ()
    }
    %scan3A_11 = arith.constant 4 : i32
    %add3A_12 = arith.constant 512 : i32
    %add3A_13 = arith.addi %mul3A_6, %add3A_12 : i32
    "tpu.region"() ({
      %run_scoped3A = tpu.sem_alloc : memref<!tpu.dma_semaphore, #tpu.memory_space<semaphore_mem>>
      %dma_start3A = arith.constant 0 : i32
      %dma_start3A_34 = arith.constant 0 : i32
      %dma_start3A_35 = tpu.memref_slice %arg5[%dma_start3A, %dma_start3A_34] : memref<128x128xf32, #tpu.memory_space<vmem>> -> memref<120x128xf32, #tpu.memory_space<vmem>>
      %dma_start3A_36 = arith.constant 0 : i32
      %dma_start3A_37 = tpu.memref_slice %arg6[%add3A_13, %dma_start3A_36] : memref<10112x128xf32, #tpu.memory_space<vmem_shared>> -> memref<120x128xf32, #tpu.memory_space<vmem_shared>>
      %dma_start3A_38 = arith.constant 0 : i32
      %dma_start3A_39 = tpu.memref_slice %arg6[%add3A_13, %dma_start3A_38] : memref<10112x128xf32, #tpu.memory_space<vmem_shared>> -> memref<120x128xf32, #tpu.memory_space<vmem_shared>>
      %dma_start3A_40 = arith.constant 0 : i32
      %dma_start3A_41 = arith.constant 0 : i32
      %dma_start3A_42 = tpu.memref_slice %arg5[%dma_start3A_40, %dma_start3A_41] : memref<128x128xf32, #tpu.memory_space<vmem>> -> memref<120x128xf32, #tpu.memory_space<vmem>>
      tpu.enqueue_dma source(%dma_start3A_42 : memref<120x128xf32, #tpu.memory_space<vmem>>) target(%dma_start3A_39 : memref<120x128xf32, #tpu.memory_space<vmem_shared>>) target_semaphore(%run_scoped3A : memref<!tpu.dma_semaphore, #tpu.memory_space<semaphore_mem>>)
      %dma_wait3A = arith.constant 0 : i32
      %dma_wait3A_43 = arith.constant 0 : i32
      %dma_wait3A_44 = tpu.memref_slice %arg5[%dma_wait3A, %dma_wait3A_43] : memref<128x128xf32, #tpu.memory_space<vmem>> -> memref<120x128xf32, #tpu.memory_space<vmem>>
      %dma_wait3A_45 = arith.constant 0 : i32
      %dma_wait3A_46 = tpu.memref_slice %arg6[%add3A_13, %dma_wait3A_45] : memref<10112x128xf32, #tpu.memory_space<vmem_shared>> -> memref<120x128xf32, #tpu.memory_space<vmem_shared>>
      %dma_wait3A_47 = arith.constant 0 : i32
      %dma_wait3A_48 = tpu.memref_slice %arg6[%add3A_13, %dma_wait3A_47] : memref<10112x128xf32, #tpu.memory_space<vmem_shared>> -> memref<120x128xf32, #tpu.memory_space<vmem_shared>>
      %dma_wait3A_49 = arith.constant 0 : i32
      %dma_wait3A_50 = arith.constant 0 : i32
      %dma_wait3A_51 = tpu.memref_slice %arg5[%dma_wait3A_49, %dma_wait3A_50] : memref<128x128xf32, #tpu.memory_space<vmem>> -> memref<120x128xf32, #tpu.memory_space<vmem>>
      tpu.wait_dma2 semaphore(%run_scoped3A : memref<!tpu.dma_semaphore, #tpu.memory_space<semaphore_mem>>) src(%dma_wait3A_51 : memref<120x128xf32, #tpu.memory_space<vmem>>) dst(%dma_wait3A_48 : memref<120x128xf32, #tpu.memory_space<vmem_shared>>)
      tpu.yield
    }) : () -> ()
    %scan3A_14 = arith.constant 0 : i32
    %scan3A_15 = arith.constant 128 : i32
    %scan3A_16 = arith.addi %scan3A_14, %scan3A_15 : i32
    %scan3A_17 = arith.constant 1 : i32
    scf.for %scan3A_34 = %scan3A_14 to %scan3A_16 step %scan3A_17  : i32 {
      %mul3A_35 = arith.constant 1 : i32
      %mul3A_36 = arith.muli %scan3A_34, %mul3A_35 : i32
      %add3A_37 = arith.constant 0 : i32
      %add3A_38 = arith.addi %add3A_37, %mul3A_36 : i32
      %broadcast_in_dim3A = arith.constant 1.000000e+00 : f32
      %broadcast_in_dim3A_39 = vector.broadcast %broadcast_in_dim3A : f32 to vector<16xf32>
      %swap3A = arith.index_cast %add3A_38 : i32 to index
      %swap3A_40 = arith.constant 0 : index
      %swap3A_41 = tpu.vector_load %arg5[%swap3A, %swap3A_40] {strides = array<i32>} : memref<128x128xf32, #tpu.memory_space<vmem>>, vector<1x16xf32>,
      %swap3A_42 = vector.shape_cast %swap3A_41 : vector<1x16xf32> to vector<16xf32>
      %swap3A_43 = vector.shape_cast %broadcast_in_dim3A_39 : vector<16xf32> to vector<1x16xf32>
      tpu.vector_store %arg5[%swap3A, %swap3A_40], %swap3A_43 {strides = array<i32>} : memref<128x128xf32, #tpu.memory_space<vmem>>, vector<1x16xf32>,
      %broadcast_in_dim3A_44 = arith.constant 1.000000e+00 : f32
      %broadcast_in_dim3A_45 = vector.broadcast %broadcast_in_dim3A_44 : f32 to vector<16xf32>
      %swap3A_46 = arith.index_cast %add3A_38 : i32 to index
      %swap3A_47 = arith.constant 16 : index
      %swap3A_48 = tpu.vector_load %arg5[%swap3A_46, %swap3A_47] {strides = array<i32>} : memref<128x128xf32, #tpu.memory_space<vmem>>, vector<1x16xf32>,
      %swap3A_49 = vector.shape_cast %swap3A_48 : vector<1x16xf32> to vector<16xf32>
      %swap3A_50 = vector.shape_cast %broadcast_in_dim3A_45 : vector<16xf32> to vector<1x16xf32>
      tpu.vector_store %arg5[%swap3A_46, %swap3A_47], %swap3A_50 {strides = array<i32>} : memref<128x128xf32, #tpu.memory_space<vmem>>, vector<1x16xf32>,
      %broadcast_in_dim3A_51 = arith.constant 1.000000e+00 : f32
      %broadcast_in_dim3A_52 = vector.broadcast %broadcast_in_dim3A_51 : f32 to vector<16xf32>
      %swap3A_53 = arith.index_cast %add3A_38 : i32 to index
      %swap3A_54 = arith.constant 32 : index
      %swap3A_55 = tpu.vector_load %arg5[%swap3A_53, %swap3A_54] {strides = array<i32>} : memref<128x128xf32, #tpu.memory_space<vmem>>, vector<1x16xf32>,
      %swap3A_56 = vector.shape_cast %swap3A_55 : vector<1x16xf32> to vector<16xf32>
      %swap3A_57 = vector.shape_cast %broadcast_in_dim3A_52 : vector<16xf32> to vector<1x16xf32>
      tpu.vector_store %arg5[%swap3A_53, %swap3A_54], %swap3A_57 {strides = array<i32>} : memref<128x128xf32, #tpu.memory_space<vmem>>, vector<1x16xf32>,
      %broadcast_in_dim3A_58 = arith.constant 1.000000e+00 : f32
      %broadcast_in_dim3A_59 = vector.broadcast %broadcast_in_dim3A_58 : f32 to vector<16xf32>
      %swap3A_60 = arith.index_cast %add3A_38 : i32 to index
      %swap3A_61 = arith.constant 48 : index
      %swap3A_62 = tpu.vector_load %arg5[%swap3A_60, %swap3A_61] {strides = array<i32>} : memref<128x128xf32, #tpu.memory_space<vmem>>, vector<1x16xf32>,
      %swap3A_63 = vector.shape_cast %swap3A_62 : vector<1x16xf32> to vector<16xf32>
      %swap3A_64 = vector.shape_cast %broadcast_in_dim3A_59 : vector<16xf32> to vector<1x16xf32>
      tpu.vector_store %arg5[%swap3A_60, %swap3A_61], %swap3A_64 {strides = array<i32>} : memref<128x128xf32, #tpu.memory_space<vmem>>, vector<1x16xf32>,
      %broadcast_in_dim3A_65 = arith.constant 1.000000e+00 : f32
      %broadcast_in_dim3A_66 = vector.broadcast %broadcast_in_dim3A_65 : f32 to vector<16xf32>
      %swap3A_67 = arith.index_cast %add3A_38 : i32 to index
      %swap3A_68 = arith.constant 64 : index
      %swap3A_69 = tpu.vector_load %arg5[%swap3A_67, %swap3A_68] {strides = array<i32>} : memref<128x128xf32, #tpu.memory_space<vmem>>, vector<1x16xf32>,
      %swap3A_70 = vector.shape_cast %swap3A_69 : vector<1x16xf32> to vector<16xf32>
      %swap3A_71 = vector.shape_cast %broadcast_in_dim3A_66 : vector<16xf32> to vector<1x16xf32>
      tpu.vector_store %arg5[%swap3A_67, %swap3A_68], %swap3A_71 {strides = array<i32>} : memref<128x128xf32, #tpu.memory_space<vmem>>, vector<1x16xf32>,
      %broadcast_in_dim3A_72 = arith.constant 1.000000e+00 : f32
      %broadcast_in_dim3A_73 = vector.broadcast %broadcast_in_dim3A_72 : f32 to vector<16xf32>
      %swap3A_74 = arith.index_cast %add3A_38 : i32 to index
      %swap3A_75 = arith.constant 80 : index
      %swap3A_76 = tpu.vector_load %arg5[%swap3A_74, %swap3A_75] {strides = array<i32>} : memref<128x128xf32, #tpu.memory_space<vmem>>, vector<1x16xf32>,
      %swap3A_77 = vector.shape_cast %swap3A_76 : vector<1x16xf32> to vector<16xf32>
      %swap3A_78 = vector.shape_cast %broadcast_in_dim3A_73 : vector<16xf32> to vector<1x16xf32>
      tpu.vector_store %arg5[%swap3A_74, %swap3A_75], %swap3A_78 {strides = array<i32>} : memref<128x128xf32, #tpu.memory_space<vmem>>, vector<1x16xf32>,
      %broadcast_in_dim3A_79 = arith.constant 1.000000e+00 : f32
      %broadcast_in_dim3A_80 = vector.broadcast %broadcast_in_dim3A_79 : f32 to vector<16xf32>
      %swap3A_81 = arith.index_cast %add3A_38 : i32 to index
      %swap3A_82 = arith.constant 96 : index
      %swap3A_83 = tpu.vector_load %arg5[%swap3A_81, %swap3A_82] {strides = array<i32>} : memref<128x128xf32, #tpu.memory_space<vmem>>, vector<1x16xf32>,
      %swap3A_84 = vector.shape_cast %swap3A_83 : vector<1x16xf32> to vector<16xf32>
      %swap3A_85 = vector.shape_cast %broadcast_in_dim3A_80 : vector<16xf32> to vector<1x16xf32>
      tpu.vector_store %arg5[%swap3A_81, %swap3A_82], %swap3A_85 {strides = array<i32>} : memref<128x128xf32, #tpu.memory_space<vmem>>, vector<1x16xf32>,
      %broadcast_in_dim3A_86 = arith.constant 1.000000e+00 : f32
      %broadcast_in_dim3A_87 = vector.broadcast %broadcast_in_dim3A_86 : f32 to vector<16xf32>
      %swap3A_88 = arith.index_cast %add3A_38 : i32 to index
      %swap3A_89 = arith.constant 112 : index
      %swap3A_90 = tpu.vector_load %arg5[%swap3A_88, %swap3A_89] {strides = array<i32>} : memref<128x128xf32, #tpu.memory_space<vmem>>, vector<1x16xf32>,
      %swap3A_91 = vector.shape_cast %swap3A_90 : vector<1x16xf32> to vector<16xf32>
      %swap3A_92 = vector.shape_cast %broadcast_in_dim3A_87 : vector<16xf32> to vector<1x16xf32>
      tpu.vector_store %arg5[%swap3A_88, %swap3A_89], %swap3A_92 {strides = array<i32>} : memref<128x128xf32, #tpu.memory_space<vmem>>, vector<1x16xf32>,
    }
    %scan3A_18 = arith.constant 128 : i32
    "tpu.region"() ({
      %run_scoped3A = tpu.sem_alloc : memref<!tpu.dma_semaphore, #tpu.memory_space<semaphore_mem>>
      %dma_start3A = arith.constant 0 : i32
      %dma_start3A_34 = arith.constant 0 : i32
      %dma_start3A_35 = tpu.memref_slice %arg2[%add3A, %dma_start3A, %dma_start3A_34] : memref<32x79x128xi32, #tpu.memory_space<hbm>> -> memref<1x79x128xi32, #tpu.memory_space<hbm>>
      %dma_start3A_36 = tpu.memref_squeeze %dma_start3A_35 : memref<1x79x128xi32, #tpu.memory_space<hbm>> -> memref<79x128xi32, #tpu.memory_space<hbm>>
      %dma_start3A_37 = arith.constant 0 : i32
      %dma_start3A_38 = arith.constant 0 : i32
      %dma_start3A_39 = tpu.memref_slice %arg2[%add3A, %dma_start3A_37, %dma_start3A_38] : memref<32x79x128xi32, #tpu.memory_space<hbm>> -> memref<1x79x128xi32, #tpu.memory_space<hbm>>
      %dma_start3A_40 = tpu.memref_squeeze %dma_start3A_39 : memref<1x79x128xi32, #tpu.memory_space<hbm>> -> memref<79x128xi32, #tpu.memory_space<hbm>>
      tpu.enqueue_dma source(%dma_start3A_40 : memref<79x128xi32, #tpu.memory_space<hbm>>) target(%arg4 : memref<79x128xi32, #tpu.memory_space<vmem>>) target_semaphore(%run_scoped3A : memref<!tpu.dma_semaphore, #tpu.memory_space<semaphore_mem>>)
      %dma_wait3A = arith.constant 0 : i32
      %dma_wait3A_41 = arith.constant 0 : i32
      %dma_wait3A_42 = tpu.memref_slice %arg2[%add3A, %dma_wait3A, %dma_wait3A_41] : memref<32x79x128xi32, #tpu.memory_space<hbm>> -> memref<1x79x128xi32, #tpu.memory_space<hbm>>
      %dma_wait3A_43 = tpu.memref_squeeze %dma_wait3A_42 : memref<1x79x128xi32, #tpu.memory_space<hbm>> -> memref<79x128xi32, #tpu.memory_space<hbm>>
      %dma_wait3A_44 = arith.constant 0 : i32
      %dma_wait3A_45 = arith.constant 0 : i32
      %dma_wait3A_46 = tpu.memref_slice %arg2[%add3A, %dma_wait3A_44, %dma_wait3A_45] : memref<32x79x128xi32, #tpu.memory_space<hbm>> -> memref<1x79x128xi32, #tpu.memory_space<hbm>>
      %dma_wait3A_47 = tpu.memref_squeeze %dma_wait3A_46 : memref<1x79x128xi32, #tpu.memory_space<hbm>> -> memref<79x128xi32, #tpu.memory_space<hbm>>
      tpu.wait_dma2 semaphore(%run_scoped3A : memref<!tpu.dma_semaphore, #tpu.memory_space<semaphore_mem>>) src(%dma_wait3A_47 : memref<79x128xi32, #tpu.memory_space<hbm>>) dst(%arg4 : memref<79x128xi32, #tpu.memory_space<vmem>>)
      tpu.yield
    }) : () -> ()
    %barrier3A = arith.constant 0 : index
    tpu.barrier barrier_id(%barrier3A)
    %scan3A_19 = arith.constant 0 : i32
    %scan3A_20 = arith.constant 79 : i32
    %scan3A_21 = arith.addi %scan3A_19, %scan3A_20 : i32
    %scan3A_22 = arith.constant 1 : i32
    scf.for %scan3A_34 = %scan3A_19 to %scan3A_21 step %scan3A_22  : i32 {
      %mul3A_35 = arith.constant 1 : i32
      %mul3A_36 = arith.muli %scan3A_34, %mul3A_35 : i32
      %add3A_37 = arith.constant 0 : i32
      %add3A_38 = arith.addi %add3A_37, %mul3A_36 : i32
      "tpu.region"() ({
        %run_scoped3A = tpu.sem_alloc : memref<!tpu.dma_semaphore, #tpu.memory_space<semaphore_mem>>
        %dma_start3A = arith.constant 0 : i32
        %dma_start3A_39 = tpu.memref_slice %arg4[%add3A_38, %dma_start3A] : memref<79x128xi32, #tpu.memory_space<vmem>> -> memref<1x128xi32, #tpu.memory_space<vmem>>
        %dma_start3A_40 = tpu.memref_squeeze %dma_start3A_39 : memref<1x128xi32, #tpu.memory_space<vmem>> -> memref<128xi32, #tpu.memory_space<vmem>>
        %dma_start3A_41 = arith.constant 0 : i32
        %dma_start3A_42 = arith.constant 0 : i32
        %dma_start3A_43 = tpu.memref_slice %arg6[%dma_start3A_41, %dma_start3A_42] : memref<10112x128xf32, #tpu.memory_space<vmem_shared>> -> memref<10112x128xf32, #tpu.memory_space<vmem_shared>>
        tpu.enqueue_indirect_dma source(%arg5 : memref<128x128xf32, #tpu.memory_space<vmem>>) target(%dma_start3A_43 : memref<10112x128xf32, #tpu.memory_space<vmem_shared>>) offsets(%dma_start3A_40 : memref<128xi32, #tpu.memory_space<vmem>>) semaphore(%run_scoped3A : memref<!tpu.dma_semaphore, #tpu.memory_space<semaphore_mem>>) {add = true}
        %dma_wait3A = arith.constant 0 : i32
        %dma_wait3A_44 = tpu.memref_slice %arg4[%add3A_38, %dma_wait3A] : memref<79x128xi32, #tpu.memory_space<vmem>> -> memref<1x128xi32, #tpu.memory_space<vmem>>
        %dma_wait3A_45 = tpu.memref_squeeze %dma_wait3A_44 : memref<1x128xi32, #tpu.memory_space<vmem>> -> memref<128xi32, #tpu.memory_space<vmem>>
        %dma_wait3A_46 = arith.constant 0 : i32
        %dma_wait3A_47 = arith.constant 0 : i32
        %dma_wait3A_48 = tpu.memref_slice %arg6[%dma_wait3A_46, %dma_wait3A_47] : memref<10112x128xf32, #tpu.memory_space<vmem_shared>> -> memref<10112x128xf32, #tpu.memory_space<vmem_shared>>
        tpu.wait_indirect_dma semaphore(%run_scoped3A : memref<!tpu.dma_semaphore, #tpu.memory_space<semaphore_mem>>) src(%arg5 : memref<128x128xf32, #tpu.memory_space<vmem>>) dst(%dma_wait3A_48 : memref<10112x128xf32, #tpu.memory_space<vmem_shared>>)
        tpu.yield
      }) : () -> ()
    }
    %scan3A_23 = arith.constant 79 : i32
    %barrier3A_24 = arith.constant 0 : index
    tpu.barrier barrier_id(%barrier3A_24)
    %scan3A_25 = arith.constant 0 : i32
    %scan3A_26 = arith.constant 4 : i32
    %scan3A_27 = arith.addi %scan3A_25, %scan3A_26 : i32
    %scan3A_28 = arith.constant 1 : i32
    scf.for %scan3A_34 = %scan3A_25 to %scan3A_27 step %scan3A_28  : i32 {
      %mul3A_35 = arith.constant 1 : i32
      %mul3A_36 = arith.muli %scan3A_34, %mul3A_35 : i32
      %add3A_37 = arith.constant 0 : i32
      %add3A_38 = arith.addi %add3A_37, %mul3A_36 : i32
      %mul3A_39 = arith.constant 128 : i32
      %mul3A_40 = arith.muli %add3A_38, %mul3A_39 : i32
      %add3A_41 = arith.addi %mul3A_6, %mul3A_40 : i32
      %mul3A_42 = arith.constant 128 : i32
      %mul3A_43 = arith.muli %add3A_38, %mul3A_42 : i32
      %add3A_44 = arith.addi %mul3A_6, %mul3A_43 : i32
      "tpu.region"() ({
        %run_scoped3A = tpu.sem_alloc : memref<!tpu.dma_semaphore, #tpu.memory_space<semaphore_mem>>
        %dma_start3A = arith.constant 0 : i32
        %dma_start3A_45 = tpu.memref_slice %arg3[%arg0, %add3A_44, %dma_start3A] : memref<2x10112x128xf32, #tpu.memory_space<hbm>> -> memref<1x128x128xf32, #tpu.memory_space<hbm>>
        %dma_start3A_46 = tpu.memref_squeeze %dma_start3A_45 : memref<1x128x128xf32, #tpu.memory_space<hbm>> -> memref<128x128xf32, #tpu.memory_space<hbm>>
        %dma_start3A_47 = arith.constant 0 : i32
        %dma_start3A_48 = tpu.memref_slice %arg6[%add3A_41, %dma_start3A_47] : memref<10112x128xf32, #tpu.memory_space<vmem_shared>> -> memref<128x128xf32, #tpu.memory_space<vmem_shared>>
        tpu.enqueue_dma source(%dma_start3A_48 : memref<128x128xf32, #tpu.memory_space<vmem_shared>>) target(%dma_start3A_46 : memref<128x128xf32, #tpu.memory_space<hbm>>) target_semaphore(%run_scoped3A : memref<!tpu.dma_semaphore, #tpu.memory_space<semaphore_mem>>)
        %dma_wait3A = arith.constant 0 : i32
        %dma_wait3A_49 = tpu.memref_slice %arg3[%arg0, %add3A_44, %dma_wait3A] : memref<2x10112x128xf32, #tpu.memory_space<hbm>> -> memref<1x128x128xf32, #tpu.memory_space<hbm>>
        %dma_wait3A_50 = tpu.memref_squeeze %dma_wait3A_49 : memref<1x128x128xf32, #tpu.memory_space<hbm>> -> memref<128x128xf32, #tpu.memory_space<hbm>>
        %dma_wait3A_51 = arith.constant 0 : i32
        %dma_wait3A_52 = tpu.memref_slice %arg6[%add3A_41, %dma_wait3A_51] : memref<10112x128xf32, #tpu.memory_space<vmem_shared>> -> memref<128x128xf32, #tpu.memory_space<vmem_shared>>
        tpu.wait_dma2 semaphore(%run_scoped3A : memref<!tpu.dma_semaphore, #tpu.memory_space<semaphore_mem>>) src(%dma_wait3A_52 : memref<128x128xf32, #tpu.memory_space<vmem_shared>>) dst(%dma_wait3A_50 : memref<128x128xf32, #tpu.memory_space<hbm>>)
        tpu.yield
      }) : () -> ()
    }
    %scan3A_29 = arith.constant 4 : i32
    %add3A_30 = arith.constant 512 : i32
    %add3A_31 = arith.addi %mul3A_6, %add3A_30 : i32
    %add3A_32 = arith.constant 512 : i32
    %add3A_33 = arith.addi %mul3A_6, %add3A_32 : i32
    "tpu.region"() ({
      %run_scoped3A = tpu.sem_alloc : memref<!tpu.dma_semaphore, #tpu.memory_space<semaphore_mem>>
      %dma_start3A = arith.constant 0 : i32
      %dma_start3A_34 = tpu.memref_slice %arg3[%arg0, %add3A_33, %dma_start3A] : memref<2x10112x128xf32, #tpu.memory_space<hbm>> -> memref<1x120x128xf32, #tpu.memory_space<hbm>>
      %dma_start3A_35 = tpu.memref_squeeze %dma_start3A_34 : memref<1x120x128xf32, #tpu.memory_space<hbm>> -> memref<120x128xf32, #tpu.memory_space<hbm>>
      %dma_start3A_36 = arith.constant 0 : i32
      %dma_start3A_37 = tpu.memref_slice %arg6[%add3A_31, %dma_start3A_36] : memref<10112x128xf32, #tpu.memory_space<vmem_shared>> -> memref<120x128xf32, #tpu.memory_space<vmem_shared>>
      tpu.enqueue_dma source(%dma_start3A_37 : memref<120x128xf32, #tpu.memory_space<vmem_shared>>) target(%dma_start3A_35 : memref<120x128xf32, #tpu.memory_space<hbm>>) target_semaphore(%run_scoped3A : memref<!tpu.dma_semaphore, #tpu.memory_space<semaphore_mem>>)
      %dma_wait3A = arith.constant 0 : i32
      %dma_wait3A_38 = tpu.memref_slice %arg3[%arg0, %add3A_33, %dma_wait3A] : memref<2x10112x128xf32, #tpu.memory_space<hbm>> -> memref<1x120x128xf32, #tpu.memory_space<hbm>>
      %dma_wait3A_39 = tpu.memref_squeeze %dma_wait3A_38 : memref<1x120x128xf32, #tpu.memory_space<hbm>> -> memref<120x128xf32, #tpu.memory_space<hbm>>
      %dma_wait3A_40 = arith.constant 0 : i32
      %dma_wait3A_41 = tpu.memref_slice %arg6[%add3A_31, %dma_wait3A_40] : memref<10112x128xf32, #tpu.memory_space<vmem_shared>> -> memref<120x128xf32, #tpu.memory_space<vmem_shared>>
      tpu.wait_dma2 semaphore(%run_scoped3A : memref<!tpu.dma_semaphore, #tpu.memory_space<semaphore_mem>>) src(%dma_wait3A_41 : memref<120x128xf32, #tpu.memory_space<vmem_shared>>) dst(%dma_wait3A_39 : memref<120x128xf32, #tpu.memory_space<hbm>>)
      tpu.yield
    }) : () -> ()
    return
  }
}

#map = affine_map<(d0, d1) -> (0, 0)>
#map1 = affine_map<(d0, d1) -> (0, 0, 0)>
module attributes {stable_mosaic.version = 14 : i64} {
  func.func @layer_kernel(%arg0: i32, %arg1: i32, %arg2: memref<10112x128xf32, #tpu.memory_space<hbm>>, %arg3: memref<32x79x128xi32, #tpu.memory_space<hbm>>, %arg4: memref<32x79x128xi32, #tpu.memory_space<hbm>>, %arg5: memref<2x10112x128xf32, #tpu.memory_space<hbm>>, %arg6: memref<79x128xi32, #tpu.memory_space<vmem>>, %arg7: memref<79x128xi32, #tpu.memory_space<vmem>>, %arg8: memref<128x128xf32, #tpu.memory_space<vmem>>, %arg9: memref<10112x128xf32, #tpu.memory_space<vmem_shared>>) attributes {dimension_semantics = [#tpu.dimension_semantics<core_parallel>, #tpu.dimension_semantics<subcore_parallel>], iteration_bounds = array<i64: 2, 16>, scalar_prefetch = 0 : i64, scratch_operands = 4 : i64, tpu.core_type = #tpu.core_type<sc_vector_subcore>, window_params = [{transform_indices = #map}, {transform_indices = #map1}, {transform_indices = #map1}, {transform_indices = #map1}]} {
    %mul3A = arith.constant 16 : i32
    %mul3A_0 = arith.muli %arg0, %mul3A : i32
    %add3A = arith.addi %mul3A_0, %arg1 : i32
    %scan3A = arith.constant 0 : i32
    %scan3A_1 = arith.constant 128 : i32
    %scan3A_2 = arith.addi %scan3A, %scan3A_1 : i32
    %scan3A_3 = arith.constant 1 : i32
    scf.for %scan3A_29 = %scan3A to %scan3A_2 step %scan3A_3  : i32 {
      %mul3A_30 = arith.constant 1 : i32
      %mul3A_31 = arith.muli %scan3A_29, %mul3A_30 : i32
      %add3A_32 = arith.constant 0 : i32
      %add3A_33 = arith.addi %add3A_32, %mul3A_31 : i32
      %broadcast_in_dim3A = arith.constant 0.000000e+00 : f32
      %broadcast_in_dim3A_34 = vector.broadcast %broadcast_in_dim3A : f32 to vector<16xf32>
      %swap3A = arith.index_cast %add3A_33 : i32 to index
      %swap3A_35 = arith.constant 0 : index
      %swap3A_36 = tpu.vector_load %arg8[%swap3A, %swap3A_35] {strides = array<i32>} : memref<128x128xf32, #tpu.memory_space<vmem>>, vector<1x16xf32>,
      %swap3A_37 = vector.shape_cast %swap3A_36 : vector<1x16xf32> to vector<16xf32>
      %swap3A_38 = vector.shape_cast %broadcast_in_dim3A_34 : vector<16xf32> to vector<1x16xf32>
      tpu.vector_store %arg8[%swap3A, %swap3A_35], %swap3A_38 {strides = array<i32>} : memref<128x128xf32, #tpu.memory_space<vmem>>, vector<1x16xf32>,
      %broadcast_in_dim3A_39 = arith.constant 0.000000e+00 : f32
      %broadcast_in_dim3A_40 = vector.broadcast %broadcast_in_dim3A_39 : f32 to vector<16xf32>
      %swap3A_41 = arith.index_cast %add3A_33 : i32 to index
      %swap3A_42 = arith.constant 16 : index
      %swap3A_43 = tpu.vector_load %arg8[%swap3A_41, %swap3A_42] {strides = array<i32>} : memref<128x128xf32, #tpu.memory_space<vmem>>, vector<1x16xf32>,
      %swap3A_44 = vector.shape_cast %swap3A_43 : vector<1x16xf32> to vector<16xf32>
      %swap3A_45 = vector.shape_cast %broadcast_in_dim3A_40 : vector<16xf32> to vector<1x16xf32>
      tpu.vector_store %arg8[%swap3A_41, %swap3A_42], %swap3A_45 {strides = array<i32>} : memref<128x128xf32, #tpu.memory_space<vmem>>, vector<1x16xf32>,
      %broadcast_in_dim3A_46 = arith.constant 0.000000e+00 : f32
      %broadcast_in_dim3A_47 = vector.broadcast %broadcast_in_dim3A_46 : f32 to vector<16xf32>
      %swap3A_48 = arith.index_cast %add3A_33 : i32 to index
      %swap3A_49 = arith.constant 32 : index
      %swap3A_50 = tpu.vector_load %arg8[%swap3A_48, %swap3A_49] {strides = array<i32>} : memref<128x128xf32, #tpu.memory_space<vmem>>, vector<1x16xf32>,
      %swap3A_51 = vector.shape_cast %swap3A_50 : vector<1x16xf32> to vector<16xf32>
      %swap3A_52 = vector.shape_cast %broadcast_in_dim3A_47 : vector<16xf32> to vector<1x16xf32>
      tpu.vector_store %arg8[%swap3A_48, %swap3A_49], %swap3A_52 {strides = array<i32>} : memref<128x128xf32, #tpu.memory_space<vmem>>, vector<1x16xf32>,
      %broadcast_in_dim3A_53 = arith.constant 0.000000e+00 : f32
      %broadcast_in_dim3A_54 = vector.broadcast %broadcast_in_dim3A_53 : f32 to vector<16xf32>
      %swap3A_55 = arith.index_cast %add3A_33 : i32 to index
      %swap3A_56 = arith.constant 48 : index
      %swap3A_57 = tpu.vector_load %arg8[%swap3A_55, %swap3A_56] {strides = array<i32>} : memref<128x128xf32, #tpu.memory_space<vmem>>, vector<1x16xf32>,
      %swap3A_58 = vector.shape_cast %swap3A_57 : vector<1x16xf32> to vector<16xf32>
      %swap3A_59 = vector.shape_cast %broadcast_in_dim3A_54 : vector<16xf32> to vector<1x16xf32>
      tpu.vector_store %arg8[%swap3A_55, %swap3A_56], %swap3A_59 {strides = array<i32>} : memref<128x128xf32, #tpu.memory_space<vmem>>, vector<1x16xf32>,
      %broadcast_in_dim3A_60 = arith.constant 0.000000e+00 : f32
      %broadcast_in_dim3A_61 = vector.broadcast %broadcast_in_dim3A_60 : f32 to vector<16xf32>
      %swap3A_62 = arith.index_cast %add3A_33 : i32 to index
      %swap3A_63 = arith.constant 64 : index
      %swap3A_64 = tpu.vector_load %arg8[%swap3A_62, %swap3A_63] {strides = array<i32>} : memref<128x128xf32, #tpu.memory_space<vmem>>, vector<1x16xf32>,
      %swap3A_65 = vector.shape_cast %swap3A_64 : vector<1x16xf32> to vector<16xf32>
      %swap3A_66 = vector.shape_cast %broadcast_in_dim3A_61 : vector<16xf32> to vector<1x16xf32>
      tpu.vector_store %arg8[%swap3A_62, %swap3A_63], %swap3A_66 {strides = array<i32>} : memref<128x128xf32, #tpu.memory_space<vmem>>, vector<1x16xf32>,
      %broadcast_in_dim3A_67 = arith.constant 0.000000e+00 : f32
      %broadcast_in_dim3A_68 = vector.broadcast %broadcast_in_dim3A_67 : f32 to vector<16xf32>
      %swap3A_69 = arith.index_cast %add3A_33 : i32 to index
      %swap3A_70 = arith.constant 80 : index
      %swap3A_71 = tpu.vector_load %arg8[%swap3A_69, %swap3A_70] {strides = array<i32>} : memref<128x128xf32, #tpu.memory_space<vmem>>, vector<1x16xf32>,
      %swap3A_72 = vector.shape_cast %swap3A_71 : vector<1x16xf32> to vector<16xf32>
      %swap3A_73 = vector.shape_cast %broadcast_in_dim3A_68 : vector<16xf32> to vector<1x16xf32>
      tpu.vector_store %arg8[%swap3A_69, %swap3A_70], %swap3A_73 {strides = array<i32>} : memref<128x128xf32, #tpu.memory_space<vmem>>, vector<1x16xf32>,
      %broadcast_in_dim3A_74 = arith.constant 0.000000e+00 : f32
      %broadcast_in_dim3A_75 = vector.broadcast %broadcast_in_dim3A_74 : f32 to vector<16xf32>
      %swap3A_76 = arith.index_cast %add3A_33 : i32 to index
      %swap3A_77 = arith.constant 96 : index
      %swap3A_78 = tpu.vector_load %arg8[%swap3A_76, %swap3A_77] {strides = array<i32>} : memref<128x128xf32, #tpu.memory_space<vmem>>, vector<1x16xf32>,
      %swap3A_79 = vector.shape_cast %swap3A_78 : vector<1x16xf32> to vector<16xf32>
      %swap3A_80 = vector.shape_cast %broadcast_in_dim3A_75 : vector<16xf32> to vector<1x16xf32>
      tpu.vector_store %arg8[%swap3A_76, %swap3A_77], %swap3A_80 {strides = array<i32>} : memref<128x128xf32, #tpu.memory_space<vmem>>, vector<1x16xf32>,
      %broadcast_in_dim3A_81 = arith.constant 0.000000e+00 : f32
      %broadcast_in_dim3A_82 = vector.broadcast %broadcast_in_dim3A_81 : f32 to vector<16xf32>
      %swap3A_83 = arith.index_cast %add3A_33 : i32 to index
      %swap3A_84 = arith.constant 112 : index
      %swap3A_85 = tpu.vector_load %arg8[%swap3A_83, %swap3A_84] {strides = array<i32>} : memref<128x128xf32, #tpu.memory_space<vmem>>, vector<1x16xf32>,
      %swap3A_86 = vector.shape_cast %swap3A_85 : vector<1x16xf32> to vector<16xf32>
      %swap3A_87 = vector.shape_cast %broadcast_in_dim3A_82 : vector<16xf32> to vector<1x16xf32>
      tpu.vector_store %arg8[%swap3A_83, %swap3A_84], %swap3A_87 {strides = array<i32>} : memref<128x128xf32, #tpu.memory_space<vmem>>, vector<1x16xf32>,
    }
    %scan3A_4 = arith.constant 128 : i32
    %mul3A_5 = arith.constant 632 : i32
    %mul3A_6 = arith.muli %arg1, %mul3A_5 : i32
    %scan3A_7 = arith.constant 0 : i32
    %scan3A_8 = arith.constant 4 : i32
    %scan3A_9 = arith.addi %scan3A_7, %scan3A_8 : i32
    %scan3A_10 = arith.constant 1 : i32
    scf.for %scan3A_29 = %scan3A_7 to %scan3A_9 step %scan3A_10  : i32 {
      %mul3A_30 = arith.constant 1 : i32
      %mul3A_31 = arith.muli %scan3A_29, %mul3A_30 : i32
      %add3A_32 = arith.constant 0 : i32
      %add3A_33 = arith.addi %add3A_32, %mul3A_31 : i32
      %mul3A_34 = arith.constant 128 : i32
      %mul3A_35 = arith.muli %add3A_33, %mul3A_34 : i32
      %add3A_36 = arith.addi %mul3A_6, %mul3A_35 : i32
      "tpu.region"() ({
        %run_scoped3A = tpu.sem_alloc : memref<!tpu.dma_semaphore, #tpu.memory_space<semaphore_mem>>
        %dma_start3A = arith.constant 0 : i32
        %dma_start3A_37 = tpu.memref_slice %arg9[%add3A_36, %dma_start3A] : memref<10112x128xf32, #tpu.memory_space<vmem_shared>> -> memref<128x128xf32, #tpu.memory_space<vmem_shared>>
        %dma_start3A_38 = arith.constant 0 : i32
        %dma_start3A_39 = tpu.memref_slice %arg9[%add3A_36, %dma_start3A_38] : memref<10112x128xf32, #tpu.memory_space<vmem_shared>> -> memref<128x128xf32, #tpu.memory_space<vmem_shared>>
        tpu.enqueue_dma source(%arg8 : memref<128x128xf32, #tpu.memory_space<vmem>>) target(%dma_start3A_39 : memref<128x128xf32, #tpu.memory_space<vmem_shared>>) target_semaphore(%run_scoped3A : memref<!tpu.dma_semaphore, #tpu.memory_space<semaphore_mem>>)
        %dma_wait3A = arith.constant 0 : i32
        %dma_wait3A_40 = tpu.memref_slice %arg9[%add3A_36, %dma_wait3A] : memref<10112x128xf32, #tpu.memory_space<vmem_shared>> -> memref<128x128xf32, #tpu.memory_space<vmem_shared>>
        %dma_wait3A_41 = arith.constant 0 : i32
        %dma_wait3A_42 = tpu.memref_slice %arg9[%add3A_36, %dma_wait3A_41] : memref<10112x128xf32, #tpu.memory_space<vmem_shared>> -> memref<128x128xf32, #tpu.memory_space<vmem_shared>>
        tpu.wait_dma2 semaphore(%run_scoped3A : memref<!tpu.dma_semaphore, #tpu.memory_space<semaphore_mem>>) src(%arg8 : memref<128x128xf32, #tpu.memory_space<vmem>>) dst(%dma_wait3A_42 : memref<128x128xf32, #tpu.memory_space<vmem_shared>>)
        tpu.yield
      }) : () -> ()
    }
    %scan3A_11 = arith.constant 4 : i32
    %add3A_12 = arith.constant 512 : i32
    %add3A_13 = arith.addi %mul3A_6, %add3A_12 : i32
    "tpu.region"() ({
      %run_scoped3A = tpu.sem_alloc : memref<!tpu.dma_semaphore, #tpu.memory_space<semaphore_mem>>
      %dma_start3A = arith.constant 0 : i32
      %dma_start3A_29 = arith.constant 0 : i32
      %dma_start3A_30 = tpu.memref_slice %arg8[%dma_start3A, %dma_start3A_29] : memref<128x128xf32, #tpu.memory_space<vmem>> -> memref<120x128xf32, #tpu.memory_space<vmem>>
      %dma_start3A_31 = arith.constant 0 : i32
      %dma_start3A_32 = tpu.memref_slice %arg9[%add3A_13, %dma_start3A_31] : memref<10112x128xf32, #tpu.memory_space<vmem_shared>> -> memref<120x128xf32, #tpu.memory_space<vmem_shared>>
      %dma_start3A_33 = arith.constant 0 : i32
      %dma_start3A_34 = tpu.memref_slice %arg9[%add3A_13, %dma_start3A_33] : memref<10112x128xf32, #tpu.memory_space<vmem_shared>> -> memref<120x128xf32, #tpu.memory_space<vmem_shared>>
      %dma_start3A_35 = arith.constant 0 : i32
      %dma_start3A_36 = arith.constant 0 : i32
      %dma_start3A_37 = tpu.memref_slice %arg8[%dma_start3A_35, %dma_start3A_36] : memref<128x128xf32, #tpu.memory_space<vmem>> -> memref<120x128xf32, #tpu.memory_space<vmem>>
      tpu.enqueue_dma source(%dma_start3A_37 : memref<120x128xf32, #tpu.memory_space<vmem>>) target(%dma_start3A_34 : memref<120x128xf32, #tpu.memory_space<vmem_shared>>) target_semaphore(%run_scoped3A : memref<!tpu.dma_semaphore, #tpu.memory_space<semaphore_mem>>)
      %dma_wait3A = arith.constant 0 : i32
      %dma_wait3A_38 = arith.constant 0 : i32
      %dma_wait3A_39 = tpu.memref_slice %arg8[%dma_wait3A, %dma_wait3A_38] : memref<128x128xf32, #tpu.memory_space<vmem>> -> memref<120x128xf32, #tpu.memory_space<vmem>>
      %dma_wait3A_40 = arith.constant 0 : i32
      %dma_wait3A_41 = tpu.memref_slice %arg9[%add3A_13, %dma_wait3A_40] : memref<10112x128xf32, #tpu.memory_space<vmem_shared>> -> memref<120x128xf32, #tpu.memory_space<vmem_shared>>
      %dma_wait3A_42 = arith.constant 0 : i32
      %dma_wait3A_43 = tpu.memref_slice %arg9[%add3A_13, %dma_wait3A_42] : memref<10112x128xf32, #tpu.memory_space<vmem_shared>> -> memref<120x128xf32, #tpu.memory_space<vmem_shared>>
      %dma_wait3A_44 = arith.constant 0 : i32
      %dma_wait3A_45 = arith.constant 0 : i32
      %dma_wait3A_46 = tpu.memref_slice %arg8[%dma_wait3A_44, %dma_wait3A_45] : memref<128x128xf32, #tpu.memory_space<vmem>> -> memref<120x128xf32, #tpu.memory_space<vmem>>
      tpu.wait_dma2 semaphore(%run_scoped3A : memref<!tpu.dma_semaphore, #tpu.memory_space<semaphore_mem>>) src(%dma_wait3A_46 : memref<120x128xf32, #tpu.memory_space<vmem>>) dst(%dma_wait3A_43 : memref<120x128xf32, #tpu.memory_space<vmem_shared>>)
      tpu.yield
    }) : () -> ()
    "tpu.region"() ({
      %run_scoped3A = tpu.sem_alloc : memref<!tpu.dma_semaphore, #tpu.memory_space<semaphore_mem>>
      %dma_start3A = arith.constant 0 : i32
      %dma_start3A_29 = arith.constant 0 : i32
      %dma_start3A_30 = tpu.memref_slice %arg3[%add3A, %dma_start3A, %dma_start3A_29] : memref<32x79x128xi32, #tpu.memory_space<hbm>> -> memref<1x79x128xi32, #tpu.memory_space<hbm>>
      %dma_start3A_31 = tpu.memref_squeeze %dma_start3A_30 : memref<1x79x128xi32, #tpu.memory_space<hbm>> -> memref<79x128xi32, #tpu.memory_space<hbm>>
      %dma_start3A_32 = arith.constant 0 : i32
      %dma_start3A_33 = arith.constant 0 : i32
      %dma_start3A_34 = tpu.memref_slice %arg3[%add3A, %dma_start3A_32, %dma_start3A_33] : memref<32x79x128xi32, #tpu.memory_space<hbm>> -> memref<1x79x128xi32, #tpu.memory_space<hbm>>
      %dma_start3A_35 = tpu.memref_squeeze %dma_start3A_34 : memref<1x79x128xi32, #tpu.memory_space<hbm>> -> memref<79x128xi32, #tpu.memory_space<hbm>>
      tpu.enqueue_dma source(%dma_start3A_35 : memref<79x128xi32, #tpu.memory_space<hbm>>) target(%arg6 : memref<79x128xi32, #tpu.memory_space<vmem>>) target_semaphore(%run_scoped3A : memref<!tpu.dma_semaphore, #tpu.memory_space<semaphore_mem>>)
      %dma_wait3A = arith.constant 0 : i32
      %dma_wait3A_36 = arith.constant 0 : i32
      %dma_wait3A_37 = tpu.memref_slice %arg3[%add3A, %dma_wait3A, %dma_wait3A_36] : memref<32x79x128xi32, #tpu.memory_space<hbm>> -> memref<1x79x128xi32, #tpu.memory_space<hbm>>
      %dma_wait3A_38 = tpu.memref_squeeze %dma_wait3A_37 : memref<1x79x128xi32, #tpu.memory_space<hbm>> -> memref<79x128xi32, #tpu.memory_space<hbm>>
      %dma_wait3A_39 = arith.constant 0 : i32
      %dma_wait3A_40 = arith.constant 0 : i32
      %dma_wait3A_41 = tpu.memref_slice %arg3[%add3A, %dma_wait3A_39, %dma_wait3A_40] : memref<32x79x128xi32, #tpu.memory_space<hbm>> -> memref<1x79x128xi32, #tpu.memory_space<hbm>>
      %dma_wait3A_42 = tpu.memref_squeeze %dma_wait3A_41 : memref<1x79x128xi32, #tpu.memory_space<hbm>> -> memref<79x128xi32, #tpu.memory_space<hbm>>
      tpu.wait_dma2 semaphore(%run_scoped3A : memref<!tpu.dma_semaphore, #tpu.memory_space<semaphore_mem>>) src(%dma_wait3A_42 : memref<79x128xi32, #tpu.memory_space<hbm>>) dst(%arg6 : memref<79x128xi32, #tpu.memory_space<vmem>>)
      tpu.yield
    }) : () -> ()
    "tpu.region"() ({
      %run_scoped3A = tpu.sem_alloc : memref<!tpu.dma_semaphore, #tpu.memory_space<semaphore_mem>>
      %dma_start3A = arith.constant 0 : i32
      %dma_start3A_29 = arith.constant 0 : i32
      %dma_start3A_30 = tpu.memref_slice %arg4[%add3A, %dma_start3A, %dma_start3A_29] : memref<32x79x128xi32, #tpu.memory_space<hbm>> -> memref<1x79x128xi32, #tpu.memory_space<hbm>>
      %dma_start3A_31 = tpu.memref_squeeze %dma_start3A_30 : memref<1x79x128xi32, #tpu.memory_space<hbm>> -> memref<79x128xi32, #tpu.memory_space<hbm>>
      %dma_start3A_32 = arith.constant 0 : i32
      %dma_start3A_33 = arith.constant 0 : i32
      %dma_start3A_34 = tpu.memref_slice %arg4[%add3A, %dma_start3A_32, %dma_start3A_33] : memref<32x79x128xi32, #tpu.memory_space<hbm>> -> memref<1x79x128xi32, #tpu.memory_space<hbm>>
      %dma_start3A_35 = tpu.memref_squeeze %dma_start3A_34 : memref<1x79x128xi32, #tpu.memory_space<hbm>> -> memref<79x128xi32, #tpu.memory_space<hbm>>
      tpu.enqueue_dma source(%dma_start3A_35 : memref<79x128xi32, #tpu.memory_space<hbm>>) target(%arg7 : memref<79x128xi32, #tpu.memory_space<vmem>>) target_semaphore(%run_scoped3A : memref<!tpu.dma_semaphore, #tpu.memory_space<semaphore_mem>>)
      %dma_wait3A = arith.constant 0 : i32
      %dma_wait3A_36 = arith.constant 0 : i32
      %dma_wait3A_37 = tpu.memref_slice %arg4[%add3A, %dma_wait3A, %dma_wait3A_36] : memref<32x79x128xi32, #tpu.memory_space<hbm>> -> memref<1x79x128xi32, #tpu.memory_space<hbm>>
      %dma_wait3A_38 = tpu.memref_squeeze %dma_wait3A_37 : memref<1x79x128xi32, #tpu.memory_space<hbm>> -> memref<79x128xi32, #tpu.memory_space<hbm>>
      %dma_wait3A_39 = arith.constant 0 : i32
      %dma_wait3A_40 = arith.constant 0 : i32
      %dma_wait3A_41 = tpu.memref_slice %arg4[%add3A, %dma_wait3A_39, %dma_wait3A_40] : memref<32x79x128xi32, #tpu.memory_space<hbm>> -> memref<1x79x128xi32, #tpu.memory_space<hbm>>
      %dma_wait3A_42 = tpu.memref_squeeze %dma_wait3A_41 : memref<1x79x128xi32, #tpu.memory_space<hbm>> -> memref<79x128xi32, #tpu.memory_space<hbm>>
      tpu.wait_dma2 semaphore(%run_scoped3A : memref<!tpu.dma_semaphore, #tpu.memory_space<semaphore_mem>>) src(%dma_wait3A_42 : memref<79x128xi32, #tpu.memory_space<hbm>>) dst(%arg7 : memref<79x128xi32, #tpu.memory_space<vmem>>)
      tpu.yield
    }) : () -> ()
    %barrier3A = arith.constant 0 : index
    tpu.barrier barrier_id(%barrier3A)
    %scan3A_14 = arith.constant 0 : i32
    %scan3A_15 = arith.constant 79 : i32
    %scan3A_16 = arith.addi %scan3A_14, %scan3A_15 : i32
    %scan3A_17 = arith.constant 1 : i32
    scf.for %scan3A_29 = %scan3A_14 to %scan3A_16 step %scan3A_17  : i32 {
      %mul3A_30 = arith.constant 1 : i32
      %mul3A_31 = arith.muli %scan3A_29, %mul3A_30 : i32
      %add3A_32 = arith.constant 0 : i32
      %add3A_33 = arith.addi %add3A_32, %mul3A_31 : i32
      "tpu.region"() ({
        %run_scoped3A = tpu.sem_alloc : memref<!tpu.dma_semaphore, #tpu.memory_space<semaphore_mem>>
        %dma_start3A = arith.constant 0 : i32
        %dma_start3A_34 = tpu.memref_slice %arg6[%add3A_33, %dma_start3A] : memref<79x128xi32, #tpu.memory_space<vmem>> -> memref<1x128xi32, #tpu.memory_space<vmem>>
        %dma_start3A_35 = tpu.memref_squeeze %dma_start3A_34 : memref<1x128xi32, #tpu.memory_space<vmem>> -> memref<128xi32, #tpu.memory_space<vmem>>
        %dma_start3A_36 = arith.constant 0 : i32
        %dma_start3A_37 = arith.constant 0 : i32
        %dma_start3A_38 = tpu.memref_slice %arg2[%dma_start3A_36, %dma_start3A_37] : memref<10112x128xf32, #tpu.memory_space<hbm>> -> memref<10112x128xf32, #tpu.memory_space<hbm>>
        tpu.enqueue_indirect_dma source(%dma_start3A_38 : memref<10112x128xf32, #tpu.memory_space<hbm>>) target(%arg8 : memref<128x128xf32, #tpu.memory_space<vmem>>) offsets(%dma_start3A_35 : memref<128xi32, #tpu.memory_space<vmem>>) semaphore(%run_scoped3A : memref<!tpu.dma_semaphore, #tpu.memory_space<semaphore_mem>>)
        %dma_wait3A = arith.constant 0 : i32
        %dma_wait3A_39 = tpu.memref_slice %arg6[%add3A_33, %dma_wait3A] : memref<79x128xi32, #tpu.memory_space<vmem>> -> memref<1x128xi32, #tpu.memory_space<vmem>>
        %dma_wait3A_40 = tpu.memref_squeeze %dma_wait3A_39 : memref<1x128xi32, #tpu.memory_space<vmem>> -> memref<128xi32, #tpu.memory_space<vmem>>
        %dma_wait3A_41 = arith.constant 0 : i32
        %dma_wait3A_42 = arith.constant 0 : i32
        %dma_wait3A_43 = tpu.memref_slice %arg2[%dma_wait3A_41, %dma_wait3A_42] : memref<10112x128xf32, #tpu.memory_space<hbm>> -> memref<10112x128xf32, #tpu.memory_space<hbm>>
        tpu.wait_indirect_dma semaphore(%run_scoped3A : memref<!tpu.dma_semaphore, #tpu.memory_space<semaphore_mem>>) src(%dma_wait3A_43 : memref<10112x128xf32, #tpu.memory_space<hbm>>) dst(%arg8 : memref<128x128xf32, #tpu.memory_space<vmem>>)
        tpu.yield
      }) : () -> ()
      "tpu.region"() ({
        %run_scoped3A = tpu.sem_alloc : memref<!tpu.dma_semaphore, #tpu.memory_space<semaphore_mem>>
        %dma_start3A = arith.constant 0 : i32
        %dma_start3A_34 = tpu.memref_slice %arg7[%add3A_33, %dma_start3A] : memref<79x128xi32, #tpu.memory_space<vmem>> -> memref<1x128xi32, #tpu.memory_space<vmem>>
        %dma_start3A_35 = tpu.memref_squeeze %dma_start3A_34 : memref<1x128xi32, #tpu.memory_space<vmem>> -> memref<128xi32, #tpu.memory_space<vmem>>
        %dma_start3A_36 = arith.constant 0 : i32
        %dma_start3A_37 = arith.constant 0 : i32
        %dma_start3A_38 = tpu.memref_slice %arg9[%dma_start3A_36, %dma_start3A_37] : memref<10112x128xf32, #tpu.memory_space<vmem_shared>> -> memref<10112x128xf32, #tpu.memory_space<vmem_shared>>
        tpu.enqueue_indirect_dma source(%arg8 : memref<128x128xf32, #tpu.memory_space<vmem>>) target(%dma_start3A_38 : memref<10112x128xf32, #tpu.memory_space<vmem_shared>>) offsets(%dma_start3A_35 : memref<128xi32, #tpu.memory_space<vmem>>) semaphore(%run_scoped3A : memref<!tpu.dma_semaphore, #tpu.memory_space<semaphore_mem>>) {add = true}
        %dma_wait3A = arith.constant 0 : i32
        %dma_wait3A_39 = tpu.memref_slice %arg7[%add3A_33, %dma_wait3A] : memref<79x128xi32, #tpu.memory_space<vmem>> -> memref<1x128xi32, #tpu.memory_space<vmem>>
        %dma_wait3A_40 = tpu.memref_squeeze %dma_wait3A_39 : memref<1x128xi32, #tpu.memory_space<vmem>> -> memref<128xi32, #tpu.memory_space<vmem>>
        %dma_wait3A_41 = arith.constant 0 : i32
        %dma_wait3A_42 = arith.constant 0 : i32
        %dma_wait3A_43 = tpu.memref_slice %arg9[%dma_wait3A_41, %dma_wait3A_42] : memref<10112x128xf32, #tpu.memory_space<vmem_shared>> -> memref<10112x128xf32, #tpu.memory_space<vmem_shared>>
        tpu.wait_indirect_dma semaphore(%run_scoped3A : memref<!tpu.dma_semaphore, #tpu.memory_space<semaphore_mem>>) src(%arg8 : memref<128x128xf32, #tpu.memory_space<vmem>>) dst(%dma_wait3A_43 : memref<10112x128xf32, #tpu.memory_space<vmem_shared>>)
        tpu.yield
      }) : () -> ()
    }
    %scan3A_18 = arith.constant 79 : i32
    %barrier3A_19 = arith.constant 0 : index
    tpu.barrier barrier_id(%barrier3A_19)
    %scan3A_20 = arith.constant 0 : i32
    %scan3A_21 = arith.constant 4 : i32
    %scan3A_22 = arith.addi %scan3A_20, %scan3A_21 : i32
    %scan3A_23 = arith.constant 1 : i32
    scf.for %scan3A_29 = %scan3A_20 to %scan3A_22 step %scan3A_23  : i32 {
      %mul3A_30 = arith.constant 1 : i32
      %mul3A_31 = arith.muli %scan3A_29, %mul3A_30 : i32
      %add3A_32 = arith.constant 0 : i32
      %add3A_33 = arith.addi %add3A_32, %mul3A_31 : i32
      %mul3A_34 = arith.constant 128 : i32
      %mul3A_35 = arith.muli %add3A_33, %mul3A_34 : i32
      %add3A_36 = arith.addi %mul3A_6, %mul3A_35 : i32
      %mul3A_37 = arith.constant 128 : i32
      %mul3A_38 = arith.muli %add3A_33, %mul3A_37 : i32
      %add3A_39 = arith.addi %mul3A_6, %mul3A_38 : i32
      "tpu.region"() ({
        %run_scoped3A = tpu.sem_alloc : memref<!tpu.dma_semaphore, #tpu.memory_space<semaphore_mem>>
        %dma_start3A = arith.constant 0 : i32
        %dma_start3A_40 = tpu.memref_slice %arg5[%arg0, %add3A_39, %dma_start3A] : memref<2x10112x128xf32, #tpu.memory_space<hbm>> -> memref<1x128x128xf32, #tpu.memory_space<hbm>>
        %dma_start3A_41 = tpu.memref_squeeze %dma_start3A_40 : memref<1x128x128xf32, #tpu.memory_space<hbm>> -> memref<128x128xf32, #tpu.memory_space<hbm>>
        %dma_start3A_42 = arith.constant 0 : i32
        %dma_start3A_43 = tpu.memref_slice %arg9[%add3A_36, %dma_start3A_42] : memref<10112x128xf32, #tpu.memory_space<vmem_shared>> -> memref<128x128xf32, #tpu.memory_space<vmem_shared>>
        tpu.enqueue_dma source(%dma_start3A_43 : memref<128x128xf32, #tpu.memory_space<vmem_shared>>) target(%dma_start3A_41 : memref<128x128xf32, #tpu.memory_space<hbm>>) target_semaphore(%run_scoped3A : memref<!tpu.dma_semaphore, #tpu.memory_space<semaphore_mem>>)
        %dma_wait3A = arith.constant 0 : i32
        %dma_wait3A_44 = tpu.memref_slice %arg5[%arg0, %add3A_39, %dma_wait3A] : memref<2x10112x128xf32, #tpu.memory_space<hbm>> -> memref<1x128x128xf32, #tpu.memory_space<hbm>>
        %dma_wait3A_45 = tpu.memref_squeeze %dma_wait3A_44 : memref<1x128x128xf32, #tpu.memory_space<hbm>> -> memref<128x128xf32, #tpu.memory_space<hbm>>
        %dma_wait3A_46 = arith.constant 0 : i32
        %dma_wait3A_47 = tpu.memref_slice %arg9[%add3A_36, %dma_wait3A_46] : memref<10112x128xf32, #tpu.memory_space<vmem_shared>> -> memref<128x128xf32, #tpu.memory_space<vmem_shared>>
        tpu.wait_dma2 semaphore(%run_scoped3A : memref<!tpu.dma_semaphore, #tpu.memory_space<semaphore_mem>>) src(%dma_wait3A_47 : memref<128x128xf32, #tpu.memory_space<vmem_shared>>) dst(%dma_wait3A_45 : memref<128x128xf32, #tpu.memory_space<hbm>>)
        tpu.yield
      }) : () -> ()
    }
    %scan3A_24 = arith.constant 4 : i32
    %add3A_25 = arith.constant 512 : i32
    %add3A_26 = arith.addi %mul3A_6, %add3A_25 : i32
    %add3A_27 = arith.constant 512 : i32
    %add3A_28 = arith.addi %mul3A_6, %add3A_27 : i32
    "tpu.region"() ({
      %run_scoped3A = tpu.sem_alloc : memref<!tpu.dma_semaphore, #tpu.memory_space<semaphore_mem>>
      %dma_start3A = arith.constant 0 : i32
      %dma_start3A_29 = tpu.memref_slice %arg5[%arg0, %add3A_28, %dma_start3A] : memref<2x10112x128xf32, #tpu.memory_space<hbm>> -> memref<1x120x128xf32, #tpu.memory_space<hbm>>
      %dma_start3A_30 = tpu.memref_squeeze %dma_start3A_29 : memref<1x120x128xf32, #tpu.memory_space<hbm>> -> memref<120x128xf32, #tpu.memory_space<hbm>>
      %dma_start3A_31 = arith.constant 0 : i32
      %dma_start3A_32 = tpu.memref_slice %arg9[%add3A_26, %dma_start3A_31] : memref<10112x128xf32, #tpu.memory_space<vmem_shared>> -> memref<120x128xf32, #tpu.memory_space<vmem_shared>>
      tpu.enqueue_dma source(%dma_start3A_32 : memref<120x128xf32, #tpu.memory_space<vmem_shared>>) target(%dma_start3A_30 : memref<120x128xf32, #tpu.memory_space<hbm>>) target_semaphore(%run_scoped3A : memref<!tpu.dma_semaphore, #tpu.memory_space<semaphore_mem>>)
      %dma_wait3A = arith.constant 0 : i32
      %dma_wait3A_33 = tpu.memref_slice %arg5[%arg0, %add3A_28, %dma_wait3A] : memref<2x10112x128xf32, #tpu.memory_space<hbm>> -> memref<1x120x128xf32, #tpu.memory_space<hbm>>
      %dma_wait3A_34 = tpu.memref_squeeze %dma_wait3A_33 : memref<1x120x128xf32, #tpu.memory_space<hbm>> -> memref<120x128xf32, #tpu.memory_space<hbm>>
      %dma_wait3A_35 = arith.constant 0 : i32
      %dma_wait3A_36 = tpu.memref_slice %arg9[%add3A_26, %dma_wait3A_35] : memref<10112x128xf32, #tpu.memory_space<vmem_shared>> -> memref<120x128xf32, #tpu.memory_space<vmem_shared>>
      tpu.wait_dma2 semaphore(%run_scoped3A : memref<!tpu.dma_semaphore, #tpu.memory_space<semaphore_mem>>) src(%dma_wait3A_36 : memref<120x128xf32, #tpu.memory_space<vmem_shared>>) dst(%dma_wait3A_34 : memref<120x128xf32, #tpu.memory_space<hbm>>)
      tpu.yield
    }) : () -> ()
    return
  }
}

#map = affine_map<(d0, d1) -> (0, 0)>
#map1 = affine_map<(d0, d1) -> (0, 0, 0)>
module attributes {stable_mosaic.version = 14 : i64} {
  func.func @layer_kernel(%arg0: i32, %arg1: i32, %arg2: memref<10112x128xf32, #tpu.memory_space<hbm>>, %arg3: memref<32x79x128xi32, #tpu.memory_space<hbm>>, %arg4: memref<32x79x128xi32, #tpu.memory_space<hbm>>, %arg5: memref<2x10112x128xf32, #tpu.memory_space<hbm>>, %arg6: memref<79x128xi32, #tpu.memory_space<vmem>>, %arg7: memref<79x128xi32, #tpu.memory_space<vmem>>, %arg8: memref<128x128xf32, #tpu.memory_space<vmem>>, %arg9: memref<10112x128xf32, #tpu.memory_space<vmem_shared>>) attributes {dimension_semantics = [#tpu.dimension_semantics<core_parallel>, #tpu.dimension_semantics<subcore_parallel>], iteration_bounds = array<i64: 2, 16>, scalar_prefetch = 0 : i64, scratch_operands = 4 : i64, tpu.core_type = #tpu.core_type<sc_vector_subcore>, window_params = [{transform_indices = #map}, {transform_indices = #map1}, {transform_indices = #map1}, {transform_indices = #map1}]} {
    %mul3A = arith.constant 16 : i32
    %mul3A_0 = arith.muli %arg0, %mul3A : i32
    %add3A = arith.addi %mul3A_0, %arg1 : i32
    %scan3A = arith.constant 0 : i32
    %scan3A_1 = arith.constant 128 : i32
    %scan3A_2 = arith.addi %scan3A, %scan3A_1 : i32
    %scan3A_3 = arith.constant 1 : i32
    scf.for %scan3A_29 = %scan3A to %scan3A_2 step %scan3A_3  : i32 {
      %mul3A_30 = arith.constant 1 : i32
      %mul3A_31 = arith.muli %scan3A_29, %mul3A_30 : i32
      %add3A_32 = arith.constant 0 : i32
      %add3A_33 = arith.addi %add3A_32, %mul3A_31 : i32
      %broadcast_in_dim3A = arith.constant 0.000000e+00 : f32
      %broadcast_in_dim3A_34 = vector.broadcast %broadcast_in_dim3A : f32 to vector<16xf32>
      %swap3A = arith.index_cast %add3A_33 : i32 to index
      %swap3A_35 = arith.constant 0 : index
      %swap3A_36 = tpu.vector_load %arg8[%swap3A, %swap3A_35] {strides = array<i32>} : memref<128x128xf32, #tpu.memory_space<vmem>>, vector<1x16xf32>,
      %swap3A_37 = vector.shape_cast %swap3A_36 : vector<1x16xf32> to vector<16xf32>
      %swap3A_38 = vector.shape_cast %broadcast_in_dim3A_34 : vector<16xf32> to vector<1x16xf32>
      tpu.vector_store %arg8[%swap3A, %swap3A_35], %swap3A_38 {strides = array<i32>} : memref<128x128xf32, #tpu.memory_space<vmem>>, vector<1x16xf32>,
      %broadcast_in_dim3A_39 = arith.constant 0.000000e+00 : f32
      %broadcast_in_dim3A_40 = vector.broadcast %broadcast_in_dim3A_39 : f32 to vector<16xf32>
      %swap3A_41 = arith.index_cast %add3A_33 : i32 to index
      %swap3A_42 = arith.constant 16 : index
      %swap3A_43 = tpu.vector_load %arg8[%swap3A_41, %swap3A_42] {strides = array<i32>} : memref<128x128xf32, #tpu.memory_space<vmem>>, vector<1x16xf32>,
      %swap3A_44 = vector.shape_cast %swap3A_43 : vector<1x16xf32> to vector<16xf32>
      %swap3A_45 = vector.shape_cast %broadcast_in_dim3A_40 : vector<16xf32> to vector<1x16xf32>
      tpu.vector_store %arg8[%swap3A_41, %swap3A_42], %swap3A_45 {strides = array<i32>} : memref<128x128xf32, #tpu.memory_space<vmem>>, vector<1x16xf32>,
      %broadcast_in_dim3A_46 = arith.constant 0.000000e+00 : f32
      %broadcast_in_dim3A_47 = vector.broadcast %broadcast_in_dim3A_46 : f32 to vector<16xf32>
      %swap3A_48 = arith.index_cast %add3A_33 : i32 to index
      %swap3A_49 = arith.constant 32 : index
      %swap3A_50 = tpu.vector_load %arg8[%swap3A_48, %swap3A_49] {strides = array<i32>} : memref<128x128xf32, #tpu.memory_space<vmem>>, vector<1x16xf32>,
      %swap3A_51 = vector.shape_cast %swap3A_50 : vector<1x16xf32> to vector<16xf32>
      %swap3A_52 = vector.shape_cast %broadcast_in_dim3A_47 : vector<16xf32> to vector<1x16xf32>
      tpu.vector_store %arg8[%swap3A_48, %swap3A_49], %swap3A_52 {strides = array<i32>} : memref<128x128xf32, #tpu.memory_space<vmem>>, vector<1x16xf32>,
      %broadcast_in_dim3A_53 = arith.constant 0.000000e+00 : f32
      %broadcast_in_dim3A_54 = vector.broadcast %broadcast_in_dim3A_53 : f32 to vector<16xf32>
      %swap3A_55 = arith.index_cast %add3A_33 : i32 to index
      %swap3A_56 = arith.constant 48 : index
      %swap3A_57 = tpu.vector_load %arg8[%swap3A_55, %swap3A_56] {strides = array<i32>} : memref<128x128xf32, #tpu.memory_space<vmem>>, vector<1x16xf32>,
      %swap3A_58 = vector.shape_cast %swap3A_57 : vector<1x16xf32> to vector<16xf32>
      %swap3A_59 = vector.shape_cast %broadcast_in_dim3A_54 : vector<16xf32> to vector<1x16xf32>
      tpu.vector_store %arg8[%swap3A_55, %swap3A_56], %swap3A_59 {strides = array<i32>} : memref<128x128xf32, #tpu.memory_space<vmem>>, vector<1x16xf32>,
      %broadcast_in_dim3A_60 = arith.constant 0.000000e+00 : f32
      %broadcast_in_dim3A_61 = vector.broadcast %broadcast_in_dim3A_60 : f32 to vector<16xf32>
      %swap3A_62 = arith.index_cast %add3A_33 : i32 to index
      %swap3A_63 = arith.constant 64 : index
      %swap3A_64 = tpu.vector_load %arg8[%swap3A_62, %swap3A_63] {strides = array<i32>} : memref<128x128xf32, #tpu.memory_space<vmem>>, vector<1x16xf32>,
      %swap3A_65 = vector.shape_cast %swap3A_64 : vector<1x16xf32> to vector<16xf32>
      %swap3A_66 = vector.shape_cast %broadcast_in_dim3A_61 : vector<16xf32> to vector<1x16xf32>
      tpu.vector_store %arg8[%swap3A_62, %swap3A_63], %swap3A_66 {strides = array<i32>} : memref<128x128xf32, #tpu.memory_space<vmem>>, vector<1x16xf32>,
      %broadcast_in_dim3A_67 = arith.constant 0.000000e+00 : f32
      %broadcast_in_dim3A_68 = vector.broadcast %broadcast_in_dim3A_67 : f32 to vector<16xf32>
      %swap3A_69 = arith.index_cast %add3A_33 : i32 to index
      %swap3A_70 = arith.constant 80 : index
      %swap3A_71 = tpu.vector_load %arg8[%swap3A_69, %swap3A_70] {strides = array<i32>} : memref<128x128xf32, #tpu.memory_space<vmem>>, vector<1x16xf32>,
      %swap3A_72 = vector.shape_cast %swap3A_71 : vector<1x16xf32> to vector<16xf32>
      %swap3A_73 = vector.shape_cast %broadcast_in_dim3A_68 : vector<16xf32> to vector<1x16xf32>
      tpu.vector_store %arg8[%swap3A_69, %swap3A_70], %swap3A_73 {strides = array<i32>} : memref<128x128xf32, #tpu.memory_space<vmem>>, vector<1x16xf32>,
      %broadcast_in_dim3A_74 = arith.constant 0.000000e+00 : f32
      %broadcast_in_dim3A_75 = vector.broadcast %broadcast_in_dim3A_74 : f32 to vector<16xf32>
      %swap3A_76 = arith.index_cast %add3A_33 : i32 to index
      %swap3A_77 = arith.constant 96 : index
      %swap3A_78 = tpu.vector_load %arg8[%swap3A_76, %swap3A_77] {strides = array<i32>} : memref<128x128xf32, #tpu.memory_space<vmem>>, vector<1x16xf32>,
      %swap3A_79 = vector.shape_cast %swap3A_78 : vector<1x16xf32> to vector<16xf32>
      %swap3A_80 = vector.shape_cast %broadcast_in_dim3A_75 : vector<16xf32> to vector<1x16xf32>
      tpu.vector_store %arg8[%swap3A_76, %swap3A_77], %swap3A_80 {strides = array<i32>} : memref<128x128xf32, #tpu.memory_space<vmem>>, vector<1x16xf32>,
      %broadcast_in_dim3A_81 = arith.constant 0.000000e+00 : f32
      %broadcast_in_dim3A_82 = vector.broadcast %broadcast_in_dim3A_81 : f32 to vector<16xf32>
      %swap3A_83 = arith.index_cast %add3A_33 : i32 to index
      %swap3A_84 = arith.constant 112 : index
      %swap3A_85 = tpu.vector_load %arg8[%swap3A_83, %swap3A_84] {strides = array<i32>} : memref<128x128xf32, #tpu.memory_space<vmem>>, vector<1x16xf32>,
      %swap3A_86 = vector.shape_cast %swap3A_85 : vector<1x16xf32> to vector<16xf32>
      %swap3A_87 = vector.shape_cast %broadcast_in_dim3A_82 : vector<16xf32> to vector<1x16xf32>
      tpu.vector_store %arg8[%swap3A_83, %swap3A_84], %swap3A_87 {strides = array<i32>} : memref<128x128xf32, #tpu.memory_space<vmem>>, vector<1x16xf32>,
    }
    %scan3A_4 = arith.constant 128 : i32
    %mul3A_5 = arith.constant 632 : i32
    %mul3A_6 = arith.muli %arg1, %mul3A_5 : i32
    %scan3A_7 = arith.constant 0 : i32
    %scan3A_8 = arith.constant 4 : i32
    %scan3A_9 = arith.addi %scan3A_7, %scan3A_8 : i32
    %scan3A_10 = arith.constant 1 : i32
    scf.for %scan3A_29 = %scan3A_7 to %scan3A_9 step %scan3A_10  : i32 {
      %mul3A_30 = arith.constant 1 : i32
      %mul3A_31 = arith.muli %scan3A_29, %mul3A_30 : i32
      %add3A_32 = arith.constant 0 : i32
      %add3A_33 = arith.addi %add3A_32, %mul3A_31 : i32
      %mul3A_34 = arith.constant 128 : i32
      %mul3A_35 = arith.muli %add3A_33, %mul3A_34 : i32
      %add3A_36 = arith.addi %mul3A_6, %mul3A_35 : i32
      "tpu.region"() ({
        %run_scoped3A = tpu.sem_alloc : memref<!tpu.dma_semaphore, #tpu.memory_space<semaphore_mem>>
        %dma_start3A = arith.constant 0 : i32
        %dma_start3A_37 = tpu.memref_slice %arg9[%add3A_36, %dma_start3A] : memref<10112x128xf32, #tpu.memory_space<vmem_shared>> -> memref<128x128xf32, #tpu.memory_space<vmem_shared>>
        %dma_start3A_38 = arith.constant 0 : i32
        %dma_start3A_39 = tpu.memref_slice %arg9[%add3A_36, %dma_start3A_38] : memref<10112x128xf32, #tpu.memory_space<vmem_shared>> -> memref<128x128xf32, #tpu.memory_space<vmem_shared>>
        tpu.enqueue_dma source(%arg8 : memref<128x128xf32, #tpu.memory_space<vmem>>) target(%dma_start3A_39 : memref<128x128xf32, #tpu.memory_space<vmem_shared>>) target_semaphore(%run_scoped3A : memref<!tpu.dma_semaphore, #tpu.memory_space<semaphore_mem>>)
        %dma_wait3A = arith.constant 0 : i32
        %dma_wait3A_40 = tpu.memref_slice %arg9[%add3A_36, %dma_wait3A] : memref<10112x128xf32, #tpu.memory_space<vmem_shared>> -> memref<128x128xf32, #tpu.memory_space<vmem_shared>>
        %dma_wait3A_41 = arith.constant 0 : i32
        %dma_wait3A_42 = tpu.memref_slice %arg9[%add3A_36, %dma_wait3A_41] : memref<10112x128xf32, #tpu.memory_space<vmem_shared>> -> memref<128x128xf32, #tpu.memory_space<vmem_shared>>
        tpu.wait_dma2 semaphore(%run_scoped3A : memref<!tpu.dma_semaphore, #tpu.memory_space<semaphore_mem>>) src(%arg8 : memref<128x128xf32, #tpu.memory_space<vmem>>) dst(%dma_wait3A_42 : memref<128x128xf32, #tpu.memory_space<vmem_shared>>)
        tpu.yield
      }) : () -> ()
    }
    %scan3A_11 = arith.constant 4 : i32
    %add3A_12 = arith.constant 512 : i32
    %add3A_13 = arith.addi %mul3A_6, %add3A_12 : i32
    "tpu.region"() ({
      %run_scoped3A = tpu.sem_alloc : memref<!tpu.dma_semaphore, #tpu.memory_space<semaphore_mem>>
      %dma_start3A = arith.constant 0 : i32
      %dma_start3A_29 = arith.constant 0 : i32
      %dma_start3A_30 = tpu.memref_slice %arg8[%dma_start3A, %dma_start3A_29] : memref<128x128xf32, #tpu.memory_space<vmem>> -> memref<120x128xf32, #tpu.memory_space<vmem>>
      %dma_start3A_31 = arith.constant 0 : i32
      %dma_start3A_32 = tpu.memref_slice %arg9[%add3A_13, %dma_start3A_31] : memref<10112x128xf32, #tpu.memory_space<vmem_shared>> -> memref<120x128xf32, #tpu.memory_space<vmem_shared>>
      %dma_start3A_33 = arith.constant 0 : i32
      %dma_start3A_34 = tpu.memref_slice %arg9[%add3A_13, %dma_start3A_33] : memref<10112x128xf32, #tpu.memory_space<vmem_shared>> -> memref<120x128xf32, #tpu.memory_space<vmem_shared>>
      %dma_start3A_35 = arith.constant 0 : i32
      %dma_start3A_36 = arith.constant 0 : i32
      %dma_start3A_37 = tpu.memref_slice %arg8[%dma_start3A_35, %dma_start3A_36] : memref<128x128xf32, #tpu.memory_space<vmem>> -> memref<120x128xf32, #tpu.memory_space<vmem>>
      tpu.enqueue_dma source(%dma_start3A_37 : memref<120x128xf32, #tpu.memory_space<vmem>>) target(%dma_start3A_34 : memref<120x128xf32, #tpu.memory_space<vmem_shared>>) target_semaphore(%run_scoped3A : memref<!tpu.dma_semaphore, #tpu.memory_space<semaphore_mem>>)
      %dma_wait3A = arith.constant 0 : i32
      %dma_wait3A_38 = arith.constant 0 : i32
      %dma_wait3A_39 = tpu.memref_slice %arg8[%dma_wait3A, %dma_wait3A_38] : memref<128x128xf32, #tpu.memory_space<vmem>> -> memref<120x128xf32, #tpu.memory_space<vmem>>
      %dma_wait3A_40 = arith.constant 0 : i32
      %dma_wait3A_41 = tpu.memref_slice %arg9[%add3A_13, %dma_wait3A_40] : memref<10112x128xf32, #tpu.memory_space<vmem_shared>> -> memref<120x128xf32, #tpu.memory_space<vmem_shared>>
      %dma_wait3A_42 = arith.constant 0 : i32
      %dma_wait3A_43 = tpu.memref_slice %arg9[%add3A_13, %dma_wait3A_42] : memref<10112x128xf32, #tpu.memory_space<vmem_shared>> -> memref<120x128xf32, #tpu.memory_space<vmem_shared>>
      %dma_wait3A_44 = arith.constant 0 : i32
      %dma_wait3A_45 = arith.constant 0 : i32
      %dma_wait3A_46 = tpu.memref_slice %arg8[%dma_wait3A_44, %dma_wait3A_45] : memref<128x128xf32, #tpu.memory_space<vmem>> -> memref<120x128xf32, #tpu.memory_space<vmem>>
      tpu.wait_dma2 semaphore(%run_scoped3A : memref<!tpu.dma_semaphore, #tpu.memory_space<semaphore_mem>>) src(%dma_wait3A_46 : memref<120x128xf32, #tpu.memory_space<vmem>>) dst(%dma_wait3A_43 : memref<120x128xf32, #tpu.memory_space<vmem_shared>>)
      tpu.yield
    }) : () -> ()
    "tpu.region"() ({
      %run_scoped3A = tpu.sem_alloc : memref<!tpu.dma_semaphore, #tpu.memory_space<semaphore_mem>>
      %dma_start3A = arith.constant 0 : i32
      %dma_start3A_29 = arith.constant 0 : i32
      %dma_start3A_30 = tpu.memref_slice %arg3[%add3A, %dma_start3A, %dma_start3A_29] : memref<32x79x128xi32, #tpu.memory_space<hbm>> -> memref<1x79x128xi32, #tpu.memory_space<hbm>>
      %dma_start3A_31 = tpu.memref_squeeze %dma_start3A_30 : memref<1x79x128xi32, #tpu.memory_space<hbm>> -> memref<79x128xi32, #tpu.memory_space<hbm>>
      %dma_start3A_32 = arith.constant 0 : i32
      %dma_start3A_33 = arith.constant 0 : i32
      %dma_start3A_34 = tpu.memref_slice %arg3[%add3A, %dma_start3A_32, %dma_start3A_33] : memref<32x79x128xi32, #tpu.memory_space<hbm>> -> memref<1x79x128xi32, #tpu.memory_space<hbm>>
      %dma_start3A_35 = tpu.memref_squeeze %dma_start3A_34 : memref<1x79x128xi32, #tpu.memory_space<hbm>> -> memref<79x128xi32, #tpu.memory_space<hbm>>
      tpu.enqueue_dma source(%dma_start3A_35 : memref<79x128xi32, #tpu.memory_space<hbm>>) target(%arg6 : memref<79x128xi32, #tpu.memory_space<vmem>>) target_semaphore(%run_scoped3A : memref<!tpu.dma_semaphore, #tpu.memory_space<semaphore_mem>>)
      %dma_wait3A = arith.constant 0 : i32
      %dma_wait3A_36 = arith.constant 0 : i32
      %dma_wait3A_37 = tpu.memref_slice %arg3[%add3A, %dma_wait3A, %dma_wait3A_36] : memref<32x79x128xi32, #tpu.memory_space<hbm>> -> memref<1x79x128xi32, #tpu.memory_space<hbm>>
      %dma_wait3A_38 = tpu.memref_squeeze %dma_wait3A_37 : memref<1x79x128xi32, #tpu.memory_space<hbm>> -> memref<79x128xi32, #tpu.memory_space<hbm>>
      %dma_wait3A_39 = arith.constant 0 : i32
      %dma_wait3A_40 = arith.constant 0 : i32
      %dma_wait3A_41 = tpu.memref_slice %arg3[%add3A, %dma_wait3A_39, %dma_wait3A_40] : memref<32x79x128xi32, #tpu.memory_space<hbm>> -> memref<1x79x128xi32, #tpu.memory_space<hbm>>
      %dma_wait3A_42 = tpu.memref_squeeze %dma_wait3A_41 : memref<1x79x128xi32, #tpu.memory_space<hbm>> -> memref<79x128xi32, #tpu.memory_space<hbm>>
      tpu.wait_dma2 semaphore(%run_scoped3A : memref<!tpu.dma_semaphore, #tpu.memory_space<semaphore_mem>>) src(%dma_wait3A_42 : memref<79x128xi32, #tpu.memory_space<hbm>>) dst(%arg6 : memref<79x128xi32, #tpu.memory_space<vmem>>)
      tpu.yield
    }) : () -> ()
    "tpu.region"() ({
      %run_scoped3A = tpu.sem_alloc : memref<!tpu.dma_semaphore, #tpu.memory_space<semaphore_mem>>
      %dma_start3A = arith.constant 0 : i32
      %dma_start3A_29 = arith.constant 0 : i32
      %dma_start3A_30 = tpu.memref_slice %arg4[%add3A, %dma_start3A, %dma_start3A_29] : memref<32x79x128xi32, #tpu.memory_space<hbm>> -> memref<1x79x128xi32, #tpu.memory_space<hbm>>
      %dma_start3A_31 = tpu.memref_squeeze %dma_start3A_30 : memref<1x79x128xi32, #tpu.memory_space<hbm>> -> memref<79x128xi32, #tpu.memory_space<hbm>>
      %dma_start3A_32 = arith.constant 0 : i32
      %dma_start3A_33 = arith.constant 0 : i32
      %dma_start3A_34 = tpu.memref_slice %arg4[%add3A, %dma_start3A_32, %dma_start3A_33] : memref<32x79x128xi32, #tpu.memory_space<hbm>> -> memref<1x79x128xi32, #tpu.memory_space<hbm>>
      %dma_start3A_35 = tpu.memref_squeeze %dma_start3A_34 : memref<1x79x128xi32, #tpu.memory_space<hbm>> -> memref<79x128xi32, #tpu.memory_space<hbm>>
      tpu.enqueue_dma source(%dma_start3A_35 : memref<79x128xi32, #tpu.memory_space<hbm>>) target(%arg7 : memref<79x128xi32, #tpu.memory_space<vmem>>) target_semaphore(%run_scoped3A : memref<!tpu.dma_semaphore, #tpu.memory_space<semaphore_mem>>)
      %dma_wait3A = arith.constant 0 : i32
      %dma_wait3A_36 = arith.constant 0 : i32
      %dma_wait3A_37 = tpu.memref_slice %arg4[%add3A, %dma_wait3A, %dma_wait3A_36] : memref<32x79x128xi32, #tpu.memory_space<hbm>> -> memref<1x79x128xi32, #tpu.memory_space<hbm>>
      %dma_wait3A_38 = tpu.memref_squeeze %dma_wait3A_37 : memref<1x79x128xi32, #tpu.memory_space<hbm>> -> memref<79x128xi32, #tpu.memory_space<hbm>>
      %dma_wait3A_39 = arith.constant 0 : i32
      %dma_wait3A_40 = arith.constant 0 : i32
      %dma_wait3A_41 = tpu.memref_slice %arg4[%add3A, %dma_wait3A_39, %dma_wait3A_40] : memref<32x79x128xi32, #tpu.memory_space<hbm>> -> memref<1x79x128xi32, #tpu.memory_space<hbm>>
      %dma_wait3A_42 = tpu.memref_squeeze %dma_wait3A_41 : memref<1x79x128xi32, #tpu.memory_space<hbm>> -> memref<79x128xi32, #tpu.memory_space<hbm>>
      tpu.wait_dma2 semaphore(%run_scoped3A : memref<!tpu.dma_semaphore, #tpu.memory_space<semaphore_mem>>) src(%dma_wait3A_42 : memref<79x128xi32, #tpu.memory_space<hbm>>) dst(%arg7 : memref<79x128xi32, #tpu.memory_space<vmem>>)
      tpu.yield
    }) : () -> ()
    %barrier3A = arith.constant 0 : index
    tpu.barrier barrier_id(%barrier3A)
    %scan3A_14 = arith.constant 0 : i32
    %scan3A_15 = arith.constant 79 : i32
    %scan3A_16 = arith.addi %scan3A_14, %scan3A_15 : i32
    %scan3A_17 = arith.constant 1 : i32
    scf.for %scan3A_29 = %scan3A_14 to %scan3A_16 step %scan3A_17  : i32 {
      %mul3A_30 = arith.constant 1 : i32
      %mul3A_31 = arith.muli %scan3A_29, %mul3A_30 : i32
      %add3A_32 = arith.constant 0 : i32
      %add3A_33 = arith.addi %add3A_32, %mul3A_31 : i32
      "tpu.region"() ({
        %run_scoped3A = tpu.sem_alloc : memref<!tpu.dma_semaphore, #tpu.memory_space<semaphore_mem>>
        %dma_start3A = arith.constant 0 : i32
        %dma_start3A_34 = tpu.memref_slice %arg6[%add3A_33, %dma_start3A] : memref<79x128xi32, #tpu.memory_space<vmem>> -> memref<1x128xi32, #tpu.memory_space<vmem>>
        %dma_start3A_35 = tpu.memref_squeeze %dma_start3A_34 : memref<1x128xi32, #tpu.memory_space<vmem>> -> memref<128xi32, #tpu.memory_space<vmem>>
        %dma_start3A_36 = arith.constant 0 : i32
        %dma_start3A_37 = arith.constant 0 : i32
        %dma_start3A_38 = tpu.memref_slice %arg2[%dma_start3A_36, %dma_start3A_37] : memref<10112x128xf32, #tpu.memory_space<hbm>> -> memref<10112x128xf32, #tpu.memory_space<hbm>>
        tpu.enqueue_indirect_dma source(%dma_start3A_38 : memref<10112x128xf32, #tpu.memory_space<hbm>>) target(%arg8 : memref<128x128xf32, #tpu.memory_space<vmem>>) offsets(%dma_start3A_35 : memref<128xi32, #tpu.memory_space<vmem>>) semaphore(%run_scoped3A : memref<!tpu.dma_semaphore, #tpu.memory_space<semaphore_mem>>)
        %dma_wait3A = arith.constant 0 : i32
        %dma_wait3A_39 = tpu.memref_slice %arg6[%add3A_33, %dma_wait3A] : memref<79x128xi32, #tpu.memory_space<vmem>> -> memref<1x128xi32, #tpu.memory_space<vmem>>
        %dma_wait3A_40 = tpu.memref_squeeze %dma_wait3A_39 : memref<1x128xi32, #tpu.memory_space<vmem>> -> memref<128xi32, #tpu.memory_space<vmem>>
        %dma_wait3A_41 = arith.constant 0 : i32
        %dma_wait3A_42 = arith.constant 0 : i32
        %dma_wait3A_43 = tpu.memref_slice %arg2[%dma_wait3A_41, %dma_wait3A_42] : memref<10112x128xf32, #tpu.memory_space<hbm>> -> memref<10112x128xf32, #tpu.memory_space<hbm>>
        tpu.wait_indirect_dma semaphore(%run_scoped3A : memref<!tpu.dma_semaphore, #tpu.memory_space<semaphore_mem>>) src(%dma_wait3A_43 : memref<10112x128xf32, #tpu.memory_space<hbm>>) dst(%arg8 : memref<128x128xf32, #tpu.memory_space<vmem>>)
        tpu.yield
      }) : () -> ()
      "tpu.region"() ({
        %run_scoped3A = tpu.sem_alloc : memref<!tpu.dma_semaphore, #tpu.memory_space<semaphore_mem>>
        %dma_start3A = arith.constant 0 : i32
        %dma_start3A_34 = tpu.memref_slice %arg7[%add3A_33, %dma_start3A] : memref<79x128xi32, #tpu.memory_space<vmem>> -> memref<1x128xi32, #tpu.memory_space<vmem>>
        %dma_start3A_35 = tpu.memref_squeeze %dma_start3A_34 : memref<1x128xi32, #tpu.memory_space<vmem>> -> memref<128xi32, #tpu.memory_space<vmem>>
        %dma_start3A_36 = arith.constant 0 : i32
        %dma_start3A_37 = arith.constant 0 : i32
        %dma_start3A_38 = tpu.memref_slice %arg9[%dma_start3A_36, %dma_start3A_37] : memref<10112x128xf32, #tpu.memory_space<vmem_shared>> -> memref<10112x128xf32, #tpu.memory_space<vmem_shared>>
        tpu.enqueue_indirect_dma source(%arg8 : memref<128x128xf32, #tpu.memory_space<vmem>>) target(%dma_start3A_38 : memref<10112x128xf32, #tpu.memory_space<vmem_shared>>) offsets(%dma_start3A_35 : memref<128xi32, #tpu.memory_space<vmem>>) semaphore(%run_scoped3A : memref<!tpu.dma_semaphore, #tpu.memory_space<semaphore_mem>>) {add = true}
        %dma_wait3A = arith.constant 0 : i32
        %dma_wait3A_39 = tpu.memref_slice %arg7[%add3A_33, %dma_wait3A] : memref<79x128xi32, #tpu.memory_space<vmem>> -> memref<1x128xi32, #tpu.memory_space<vmem>>
        %dma_wait3A_40 = tpu.memref_squeeze %dma_wait3A_39 : memref<1x128xi32, #tpu.memory_space<vmem>> -> memref<128xi32, #tpu.memory_space<vmem>>
        %dma_wait3A_41 = arith.constant 0 : i32
        %dma_wait3A_42 = arith.constant 0 : i32
        %dma_wait3A_43 = tpu.memref_slice %arg9[%dma_wait3A_41, %dma_wait3A_42] : memref<10112x128xf32, #tpu.memory_space<vmem_shared>> -> memref<10112x128xf32, #tpu.memory_space<vmem_shared>>
        tpu.wait_indirect_dma semaphore(%run_scoped3A : memref<!tpu.dma_semaphore, #tpu.memory_space<semaphore_mem>>) src(%arg8 : memref<128x128xf32, #tpu.memory_space<vmem>>) dst(%dma_wait3A_43 : memref<10112x128xf32, #tpu.memory_space<vmem_shared>>)
        tpu.yield
      }) : () -> ()
    }
    %scan3A_18 = arith.constant 79 : i32
    %barrier3A_19 = arith.constant 0 : index
    tpu.barrier barrier_id(%barrier3A_19)
    %scan3A_20 = arith.constant 0 : i32
    %scan3A_21 = arith.constant 4 : i32
    %scan3A_22 = arith.addi %scan3A_20, %scan3A_21 : i32
    %scan3A_23 = arith.constant 1 : i32
    scf.for %scan3A_29 = %scan3A_20 to %scan3A_22 step %scan3A_23  : i32 {
      %mul3A_30 = arith.constant 1 : i32
      %mul3A_31 = arith.muli %scan3A_29, %mul3A_30 : i32
      %add3A_32 = arith.constant 0 : i32
      %add3A_33 = arith.addi %add3A_32, %mul3A_31 : i32
      %mul3A_34 = arith.constant 128 : i32
      %mul3A_35 = arith.muli %add3A_33, %mul3A_34 : i32
      %add3A_36 = arith.addi %mul3A_6, %mul3A_35 : i32
      %mul3A_37 = arith.constant 128 : i32
      %mul3A_38 = arith.muli %add3A_33, %mul3A_37 : i32
      %add3A_39 = arith.addi %mul3A_6, %mul3A_38 : i32
      "tpu.region"() ({
        %run_scoped3A = tpu.sem_alloc : memref<!tpu.dma_semaphore, #tpu.memory_space<semaphore_mem>>
        %dma_start3A = arith.constant 0 : i32
        %dma_start3A_40 = tpu.memref_slice %arg5[%arg0, %add3A_39, %dma_start3A] : memref<2x10112x128xf32, #tpu.memory_space<hbm>> -> memref<1x128x128xf32, #tpu.memory_space<hbm>>
        %dma_start3A_41 = tpu.memref_squeeze %dma_start3A_40 : memref<1x128x128xf32, #tpu.memory_space<hbm>> -> memref<128x128xf32, #tpu.memory_space<hbm>>
        %dma_start3A_42 = arith.constant 0 : i32
        %dma_start3A_43 = tpu.memref_slice %arg9[%add3A_36, %dma_start3A_42] : memref<10112x128xf32, #tpu.memory_space<vmem_shared>> -> memref<128x128xf32, #tpu.memory_space<vmem_shared>>
        tpu.enqueue_dma source(%dma_start3A_43 : memref<128x128xf32, #tpu.memory_space<vmem_shared>>) target(%dma_start3A_41 : memref<128x128xf32, #tpu.memory_space<hbm>>) target_semaphore(%run_scoped3A : memref<!tpu.dma_semaphore, #tpu.memory_space<semaphore_mem>>)
        %dma_wait3A = arith.constant 0 : i32
        %dma_wait3A_44 = tpu.memref_slice %arg5[%arg0, %add3A_39, %dma_wait3A] : memref<2x10112x128xf32, #tpu.memory_space<hbm>> -> memref<1x128x128xf32, #tpu.memory_space<hbm>>
        %dma_wait3A_45 = tpu.memref_squeeze %dma_wait3A_44 : memref<1x128x128xf32, #tpu.memory_space<hbm>> -> memref<128x128xf32, #tpu.memory_space<hbm>>
        %dma_wait3A_46 = arith.constant 0 : i32
        %dma_wait3A_47 = tpu.memref_slice %arg9[%add3A_36, %dma_wait3A_46] : memref<10112x128xf32, #tpu.memory_space<vmem_shared>> -> memref<128x128xf32, #tpu.memory_space<vmem_shared>>
        tpu.wait_dma2 semaphore(%run_scoped3A : memref<!tpu.dma_semaphore, #tpu.memory_space<semaphore_mem>>) src(%dma_wait3A_47 : memref<128x128xf32, #tpu.memory_space<vmem_shared>>) dst(%dma_wait3A_45 : memref<128x128xf32, #tpu.memory_space<hbm>>)
        tpu.yield
      }) : () -> ()
    }
    %scan3A_24 = arith.constant 4 : i32
    %add3A_25 = arith.constant 512 : i32
    %add3A_26 = arith.addi %mul3A_6, %add3A_25 : i32
    %add3A_27 = arith.constant 512 : i32
    %add3A_28 = arith.addi %mul3A_6, %add3A_27 : i32
    "tpu.region"() ({
      %run_scoped3A = tpu.sem_alloc : memref<!tpu.dma_semaphore, #tpu.memory_space<semaphore_mem>>
      %dma_start3A = arith.constant 0 : i32
      %dma_start3A_29 = tpu.memref_slice %arg5[%arg0, %add3A_28, %dma_start3A] : memref<2x10112x128xf32, #tpu.memory_space<hbm>> -> memref<1x120x128xf32, #tpu.memory_space<hbm>>
      %dma_start3A_30 = tpu.memref_squeeze %dma_start3A_29 : memref<1x120x128xf32, #tpu.memory_space<hbm>> -> memref<120x128xf32, #tpu.memory_space<hbm>>
      %dma_start3A_31 = arith.constant 0 : i32
      %dma_start3A_32 = tpu.memref_slice %arg9[%add3A_26, %dma_start3A_31] : memref<10112x128xf32, #tpu.memory_space<vmem_shared>> -> memref<120x128xf32, #tpu.memory_space<vmem_shared>>
      tpu.enqueue_dma source(%dma_start3A_32 : memref<120x128xf32, #tpu.memory_space<vmem_shared>>) target(%dma_start3A_30 : memref<120x128xf32, #tpu.memory_space<hbm>>) target_semaphore(%run_scoped3A : memref<!tpu.dma_semaphore, #tpu.memory_space<semaphore_mem>>)
      %dma_wait3A = arith.constant 0 : i32
      %dma_wait3A_33 = tpu.memref_slice %arg5[%arg0, %add3A_28, %dma_wait3A] : memref<2x10112x128xf32, #tpu.memory_space<hbm>> -> memref<1x120x128xf32, #tpu.memory_space<hbm>>
      %dma_wait3A_34 = tpu.memref_squeeze %dma_wait3A_33 : memref<1x120x128xf32, #tpu.memory_space<hbm>> -> memref<120x128xf32, #tpu.memory_space<hbm>>
      %dma_wait3A_35 = arith.constant 0 : i32
      %dma_wait3A_36 = tpu.memref_slice %arg9[%add3A_26, %dma_wait3A_35] : memref<10112x128xf32, #tpu.memory_space<vmem_shared>> -> memref<120x128xf32, #tpu.memory_space<vmem_shared>>
      tpu.wait_dma2 semaphore(%run_scoped3A : memref<!tpu.dma_semaphore, #tpu.memory_space<semaphore_mem>>) src(%dma_wait3A_36 : memref<120x128xf32, #tpu.memory_space<vmem_shared>>) dst(%dma_wait3A_34 : memref<120x128xf32, #tpu.memory_space<hbm>>)
      tpu.yield
    }) : () -> ()
    return
  }
}

#map = affine_map<(d0, d1) -> (0, 0)>
#map1 = affine_map<(d0, d1) -> (0, 0, 0)>
module attributes {stable_mosaic.version = 14 : i64} {
  func.func @layer_kernel(%arg0: i32, %arg1: i32, %arg2: memref<10112x128xf32, #tpu.memory_space<hbm>>, %arg3: memref<32x79x128xi32, #tpu.memory_space<hbm>>, %arg4: memref<32x79x128xi32, #tpu.memory_space<hbm>>, %arg5: memref<2x10112x128xf32, #tpu.memory_space<hbm>>, %arg6: memref<79x128xi32, #tpu.memory_space<vmem>>, %arg7: memref<79x128xi32, #tpu.memory_space<vmem>>, %arg8: memref<128x128xf32, #tpu.memory_space<vmem>>, %arg9: memref<10112x128xf32, #tpu.memory_space<vmem_shared>>) attributes {dimension_semantics = [#tpu.dimension_semantics<core_parallel>, #tpu.dimension_semantics<subcore_parallel>], iteration_bounds = array<i64: 2, 16>, scalar_prefetch = 0 : i64, scratch_operands = 4 : i64, tpu.core_type = #tpu.core_type<sc_vector_subcore>, window_params = [{transform_indices = #map}, {transform_indices = #map1}, {transform_indices = #map1}, {transform_indices = #map1}]} {
    %mul3A = arith.constant 16 : i32
    %mul3A_0 = arith.muli %arg0, %mul3A : i32
    %add3A = arith.addi %mul3A_0, %arg1 : i32
    %scan3A = arith.constant 0 : i32
    %scan3A_1 = arith.constant 128 : i32
    %scan3A_2 = arith.addi %scan3A, %scan3A_1 : i32
    %scan3A_3 = arith.constant 1 : i32
    scf.for %scan3A_29 = %scan3A to %scan3A_2 step %scan3A_3  : i32 {
      %mul3A_30 = arith.constant 1 : i32
      %mul3A_31 = arith.muli %scan3A_29, %mul3A_30 : i32
      %add3A_32 = arith.constant 0 : i32
      %add3A_33 = arith.addi %add3A_32, %mul3A_31 : i32
      %broadcast_in_dim3A = arith.constant 0.000000e+00 : f32
      %broadcast_in_dim3A_34 = vector.broadcast %broadcast_in_dim3A : f32 to vector<16xf32>
      %swap3A = arith.index_cast %add3A_33 : i32 to index
      %swap3A_35 = arith.constant 0 : index
      %swap3A_36 = tpu.vector_load %arg8[%swap3A, %swap3A_35] {strides = array<i32>} : memref<128x128xf32, #tpu.memory_space<vmem>>, vector<1x16xf32>,
      %swap3A_37 = vector.shape_cast %swap3A_36 : vector<1x16xf32> to vector<16xf32>
      %swap3A_38 = vector.shape_cast %broadcast_in_dim3A_34 : vector<16xf32> to vector<1x16xf32>
      tpu.vector_store %arg8[%swap3A, %swap3A_35], %swap3A_38 {strides = array<i32>} : memref<128x128xf32, #tpu.memory_space<vmem>>, vector<1x16xf32>,
      %broadcast_in_dim3A_39 = arith.constant 0.000000e+00 : f32
      %broadcast_in_dim3A_40 = vector.broadcast %broadcast_in_dim3A_39 : f32 to vector<16xf32>
      %swap3A_41 = arith.index_cast %add3A_33 : i32 to index
      %swap3A_42 = arith.constant 16 : index
      %swap3A_43 = tpu.vector_load %arg8[%swap3A_41, %swap3A_42] {strides = array<i32>} : memref<128x128xf32, #tpu.memory_space<vmem>>, vector<1x16xf32>,
      %swap3A_44 = vector.shape_cast %swap3A_43 : vector<1x16xf32> to vector<16xf32>
      %swap3A_45 = vector.shape_cast %broadcast_in_dim3A_40 : vector<16xf32> to vector<1x16xf32>
      tpu.vector_store %arg8[%swap3A_41, %swap3A_42], %swap3A_45 {strides = array<i32>} : memref<128x128xf32, #tpu.memory_space<vmem>>, vector<1x16xf32>,
      %broadcast_in_dim3A_46 = arith.constant 0.000000e+00 : f32
      %broadcast_in_dim3A_47 = vector.broadcast %broadcast_in_dim3A_46 : f32 to vector<16xf32>
      %swap3A_48 = arith.index_cast %add3A_33 : i32 to index
      %swap3A_49 = arith.constant 32 : index
      %swap3A_50 = tpu.vector_load %arg8[%swap3A_48, %swap3A_49] {strides = array<i32>} : memref<128x128xf32, #tpu.memory_space<vmem>>, vector<1x16xf32>,
      %swap3A_51 = vector.shape_cast %swap3A_50 : vector<1x16xf32> to vector<16xf32>
      %swap3A_52 = vector.shape_cast %broadcast_in_dim3A_47 : vector<16xf32> to vector<1x16xf32>
      tpu.vector_store %arg8[%swap3A_48, %swap3A_49], %swap3A_52 {strides = array<i32>} : memref<128x128xf32, #tpu.memory_space<vmem>>, vector<1x16xf32>,
      %broadcast_in_dim3A_53 = arith.constant 0.000000e+00 : f32
      %broadcast_in_dim3A_54 = vector.broadcast %broadcast_in_dim3A_53 : f32 to vector<16xf32>
      %swap3A_55 = arith.index_cast %add3A_33 : i32 to index
      %swap3A_56 = arith.constant 48 : index
      %swap3A_57 = tpu.vector_load %arg8[%swap3A_55, %swap3A_56] {strides = array<i32>} : memref<128x128xf32, #tpu.memory_space<vmem>>, vector<1x16xf32>,
      %swap3A_58 = vector.shape_cast %swap3A_57 : vector<1x16xf32> to vector<16xf32>
      %swap3A_59 = vector.shape_cast %broadcast_in_dim3A_54 : vector<16xf32> to vector<1x16xf32>
      tpu.vector_store %arg8[%swap3A_55, %swap3A_56], %swap3A_59 {strides = array<i32>} : memref<128x128xf32, #tpu.memory_space<vmem>>, vector<1x16xf32>,
      %broadcast_in_dim3A_60 = arith.constant 0.000000e+00 : f32
      %broadcast_in_dim3A_61 = vector.broadcast %broadcast_in_dim3A_60 : f32 to vector<16xf32>
      %swap3A_62 = arith.index_cast %add3A_33 : i32 to index
      %swap3A_63 = arith.constant 64 : index
      %swap3A_64 = tpu.vector_load %arg8[%swap3A_62, %swap3A_63] {strides = array<i32>} : memref<128x128xf32, #tpu.memory_space<vmem>>, vector<1x16xf32>,
      %swap3A_65 = vector.shape_cast %swap3A_64 : vector<1x16xf32> to vector<16xf32>
      %swap3A_66 = vector.shape_cast %broadcast_in_dim3A_61 : vector<16xf32> to vector<1x16xf32>
      tpu.vector_store %arg8[%swap3A_62, %swap3A_63], %swap3A_66 {strides = array<i32>} : memref<128x128xf32, #tpu.memory_space<vmem>>, vector<1x16xf32>,
      %broadcast_in_dim3A_67 = arith.constant 0.000000e+00 : f32
      %broadcast_in_dim3A_68 = vector.broadcast %broadcast_in_dim3A_67 : f32 to vector<16xf32>
      %swap3A_69 = arith.index_cast %add3A_33 : i32 to index
      %swap3A_70 = arith.constant 80 : index
      %swap3A_71 = tpu.vector_load %arg8[%swap3A_69, %swap3A_70] {strides = array<i32>} : memref<128x128xf32, #tpu.memory_space<vmem>>, vector<1x16xf32>,
      %swap3A_72 = vector.shape_cast %swap3A_71 : vector<1x16xf32> to vector<16xf32>
      %swap3A_73 = vector.shape_cast %broadcast_in_dim3A_68 : vector<16xf32> to vector<1x16xf32>
      tpu.vector_store %arg8[%swap3A_69, %swap3A_70], %swap3A_73 {strides = array<i32>} : memref<128x128xf32, #tpu.memory_space<vmem>>, vector<1x16xf32>,
      %broadcast_in_dim3A_74 = arith.constant 0.000000e+00 : f32
      %broadcast_in_dim3A_75 = vector.broadcast %broadcast_in_dim3A_74 : f32 to vector<16xf32>
      %swap3A_76 = arith.index_cast %add3A_33 : i32 to index
      %swap3A_77 = arith.constant 96 : index
      %swap3A_78 = tpu.vector_load %arg8[%swap3A_76, %swap3A_77] {strides = array<i32>} : memref<128x128xf32, #tpu.memory_space<vmem>>, vector<1x16xf32>,
      %swap3A_79 = vector.shape_cast %swap3A_78 : vector<1x16xf32> to vector<16xf32>
      %swap3A_80 = vector.shape_cast %broadcast_in_dim3A_75 : vector<16xf32> to vector<1x16xf32>
      tpu.vector_store %arg8[%swap3A_76, %swap3A_77], %swap3A_80 {strides = array<i32>} : memref<128x128xf32, #tpu.memory_space<vmem>>, vector<1x16xf32>,
      %broadcast_in_dim3A_81 = arith.constant 0.000000e+00 : f32
      %broadcast_in_dim3A_82 = vector.broadcast %broadcast_in_dim3A_81 : f32 to vector<16xf32>
      %swap3A_83 = arith.index_cast %add3A_33 : i32 to index
      %swap3A_84 = arith.constant 112 : index
      %swap3A_85 = tpu.vector_load %arg8[%swap3A_83, %swap3A_84] {strides = array<i32>} : memref<128x128xf32, #tpu.memory_space<vmem>>, vector<1x16xf32>,
      %swap3A_86 = vector.shape_cast %swap3A_85 : vector<1x16xf32> to vector<16xf32>
      %swap3A_87 = vector.shape_cast %broadcast_in_dim3A_82 : vector<16xf32> to vector<1x16xf32>
      tpu.vector_store %arg8[%swap3A_83, %swap3A_84], %swap3A_87 {strides = array<i32>} : memref<128x128xf32, #tpu.memory_space<vmem>>, vector<1x16xf32>,
    }
    %scan3A_4 = arith.constant 128 : i32
    %mul3A_5 = arith.constant 632 : i32
    %mul3A_6 = arith.muli %arg1, %mul3A_5 : i32
    %scan3A_7 = arith.constant 0 : i32
    %scan3A_8 = arith.constant 4 : i32
    %scan3A_9 = arith.addi %scan3A_7, %scan3A_8 : i32
    %scan3A_10 = arith.constant 1 : i32
    scf.for %scan3A_29 = %scan3A_7 to %scan3A_9 step %scan3A_10  : i32 {
      %mul3A_30 = arith.constant 1 : i32
      %mul3A_31 = arith.muli %scan3A_29, %mul3A_30 : i32
      %add3A_32 = arith.constant 0 : i32
      %add3A_33 = arith.addi %add3A_32, %mul3A_31 : i32
      %mul3A_34 = arith.constant 128 : i32
      %mul3A_35 = arith.muli %add3A_33, %mul3A_34 : i32
      %add3A_36 = arith.addi %mul3A_6, %mul3A_35 : i32
      "tpu.region"() ({
        %run_scoped3A = tpu.sem_alloc : memref<!tpu.dma_semaphore, #tpu.memory_space<semaphore_mem>>
        %dma_start3A = arith.constant 0 : i32
        %dma_start3A_37 = tpu.memref_slice %arg9[%add3A_36, %dma_start3A] : memref<10112x128xf32, #tpu.memory_space<vmem_shared>> -> memref<128x128xf32, #tpu.memory_space<vmem_shared>>
        %dma_start3A_38 = arith.constant 0 : i32
        %dma_start3A_39 = tpu.memref_slice %arg9[%add3A_36, %dma_start3A_38] : memref<10112x128xf32, #tpu.memory_space<vmem_shared>> -> memref<128x128xf32, #tpu.memory_space<vmem_shared>>
        tpu.enqueue_dma source(%arg8 : memref<128x128xf32, #tpu.memory_space<vmem>>) target(%dma_start3A_39 : memref<128x128xf32, #tpu.memory_space<vmem_shared>>) target_semaphore(%run_scoped3A : memref<!tpu.dma_semaphore, #tpu.memory_space<semaphore_mem>>)
        %dma_wait3A = arith.constant 0 : i32
        %dma_wait3A_40 = tpu.memref_slice %arg9[%add3A_36, %dma_wait3A] : memref<10112x128xf32, #tpu.memory_space<vmem_shared>> -> memref<128x128xf32, #tpu.memory_space<vmem_shared>>
        %dma_wait3A_41 = arith.constant 0 : i32
        %dma_wait3A_42 = tpu.memref_slice %arg9[%add3A_36, %dma_wait3A_41] : memref<10112x128xf32, #tpu.memory_space<vmem_shared>> -> memref<128x128xf32, #tpu.memory_space<vmem_shared>>
        tpu.wait_dma2 semaphore(%run_scoped3A : memref<!tpu.dma_semaphore, #tpu.memory_space<semaphore_mem>>) src(%arg8 : memref<128x128xf32, #tpu.memory_space<vmem>>) dst(%dma_wait3A_42 : memref<128x128xf32, #tpu.memory_space<vmem_shared>>)
        tpu.yield
      }) : () -> ()
    }
    %scan3A_11 = arith.constant 4 : i32
    %add3A_12 = arith.constant 512 : i32
    %add3A_13 = arith.addi %mul3A_6, %add3A_12 : i32
    "tpu.region"() ({
      %run_scoped3A = tpu.sem_alloc : memref<!tpu.dma_semaphore, #tpu.memory_space<semaphore_mem>>
      %dma_start3A = arith.constant 0 : i32
      %dma_start3A_29 = arith.constant 0 : i32
      %dma_start3A_30 = tpu.memref_slice %arg8[%dma_start3A, %dma_start3A_29] : memref<128x128xf32, #tpu.memory_space<vmem>> -> memref<120x128xf32, #tpu.memory_space<vmem>>
      %dma_start3A_31 = arith.constant 0 : i32
      %dma_start3A_32 = tpu.memref_slice %arg9[%add3A_13, %dma_start3A_31] : memref<10112x128xf32, #tpu.memory_space<vmem_shared>> -> memref<120x128xf32, #tpu.memory_space<vmem_shared>>
      %dma_start3A_33 = arith.constant 0 : i32
      %dma_start3A_34 = tpu.memref_slice %arg9[%add3A_13, %dma_start3A_33] : memref<10112x128xf32, #tpu.memory_space<vmem_shared>> -> memref<120x128xf32, #tpu.memory_space<vmem_shared>>
      %dma_start3A_35 = arith.constant 0 : i32
      %dma_start3A_36 = arith.constant 0 : i32
      %dma_start3A_37 = tpu.memref_slice %arg8[%dma_start3A_35, %dma_start3A_36] : memref<128x128xf32, #tpu.memory_space<vmem>> -> memref<120x128xf32, #tpu.memory_space<vmem>>
      tpu.enqueue_dma source(%dma_start3A_37 : memref<120x128xf32, #tpu.memory_space<vmem>>) target(%dma_start3A_34 : memref<120x128xf32, #tpu.memory_space<vmem_shared>>) target_semaphore(%run_scoped3A : memref<!tpu.dma_semaphore, #tpu.memory_space<semaphore_mem>>)
      %dma_wait3A = arith.constant 0 : i32
      %dma_wait3A_38 = arith.constant 0 : i32
      %dma_wait3A_39 = tpu.memref_slice %arg8[%dma_wait3A, %dma_wait3A_38] : memref<128x128xf32, #tpu.memory_space<vmem>> -> memref<120x128xf32, #tpu.memory_space<vmem>>
      %dma_wait3A_40 = arith.constant 0 : i32
      %dma_wait3A_41 = tpu.memref_slice %arg9[%add3A_13, %dma_wait3A_40] : memref<10112x128xf32, #tpu.memory_space<vmem_shared>> -> memref<120x128xf32, #tpu.memory_space<vmem_shared>>
      %dma_wait3A_42 = arith.constant 0 : i32
      %dma_wait3A_43 = tpu.memref_slice %arg9[%add3A_13, %dma_wait3A_42] : memref<10112x128xf32, #tpu.memory_space<vmem_shared>> -> memref<120x128xf32, #tpu.memory_space<vmem_shared>>
      %dma_wait3A_44 = arith.constant 0 : i32
      %dma_wait3A_45 = arith.constant 0 : i32
      %dma_wait3A_46 = tpu.memref_slice %arg8[%dma_wait3A_44, %dma_wait3A_45] : memref<128x128xf32, #tpu.memory_space<vmem>> -> memref<120x128xf32, #tpu.memory_space<vmem>>
      tpu.wait_dma2 semaphore(%run_scoped3A : memref<!tpu.dma_semaphore, #tpu.memory_space<semaphore_mem>>) src(%dma_wait3A_46 : memref<120x128xf32, #tpu.memory_space<vmem>>) dst(%dma_wait3A_43 : memref<120x128xf32, #tpu.memory_space<vmem_shared>>)
      tpu.yield
    }) : () -> ()
    "tpu.region"() ({
      %run_scoped3A = tpu.sem_alloc : memref<!tpu.dma_semaphore, #tpu.memory_space<semaphore_mem>>
      %dma_start3A = arith.constant 0 : i32
      %dma_start3A_29 = arith.constant 0 : i32
      %dma_start3A_30 = tpu.memref_slice %arg3[%add3A, %dma_start3A, %dma_start3A_29] : memref<32x79x128xi32, #tpu.memory_space<hbm>> -> memref<1x79x128xi32, #tpu.memory_space<hbm>>
      %dma_start3A_31 = tpu.memref_squeeze %dma_start3A_30 : memref<1x79x128xi32, #tpu.memory_space<hbm>> -> memref<79x128xi32, #tpu.memory_space<hbm>>
      %dma_start3A_32 = arith.constant 0 : i32
      %dma_start3A_33 = arith.constant 0 : i32
      %dma_start3A_34 = tpu.memref_slice %arg3[%add3A, %dma_start3A_32, %dma_start3A_33] : memref<32x79x128xi32, #tpu.memory_space<hbm>> -> memref<1x79x128xi32, #tpu.memory_space<hbm>>
      %dma_start3A_35 = tpu.memref_squeeze %dma_start3A_34 : memref<1x79x128xi32, #tpu.memory_space<hbm>> -> memref<79x128xi32, #tpu.memory_space<hbm>>
      tpu.enqueue_dma source(%dma_start3A_35 : memref<79x128xi32, #tpu.memory_space<hbm>>) target(%arg6 : memref<79x128xi32, #tpu.memory_space<vmem>>) target_semaphore(%run_scoped3A : memref<!tpu.dma_semaphore, #tpu.memory_space<semaphore_mem>>)
      %dma_wait3A = arith.constant 0 : i32
      %dma_wait3A_36 = arith.constant 0 : i32
      %dma_wait3A_37 = tpu.memref_slice %arg3[%add3A, %dma_wait3A, %dma_wait3A_36] : memref<32x79x128xi32, #tpu.memory_space<hbm>> -> memref<1x79x128xi32, #tpu.memory_space<hbm>>
      %dma_wait3A_38 = tpu.memref_squeeze %dma_wait3A_37 : memref<1x79x128xi32, #tpu.memory_space<hbm>> -> memref<79x128xi32, #tpu.memory_space<hbm>>
      %dma_wait3A_39 = arith.constant 0 : i32
      %dma_wait3A_40 = arith.constant 0 : i32
      %dma_wait3A_41 = tpu.memref_slice %arg3[%add3A, %dma_wait3A_39, %dma_wait3A_40] : memref<32x79x128xi32, #tpu.memory_space<hbm>> -> memref<1x79x128xi32, #tpu.memory_space<hbm>>
      %dma_wait3A_42 = tpu.memref_squeeze %dma_wait3A_41 : memref<1x79x128xi32, #tpu.memory_space<hbm>> -> memref<79x128xi32, #tpu.memory_space<hbm>>
      tpu.wait_dma2 semaphore(%run_scoped3A : memref<!tpu.dma_semaphore, #tpu.memory_space<semaphore_mem>>) src(%dma_wait3A_42 : memref<79x128xi32, #tpu.memory_space<hbm>>) dst(%arg6 : memref<79x128xi32, #tpu.memory_space<vmem>>)
      tpu.yield
    }) : () -> ()
    "tpu.region"() ({
      %run_scoped3A = tpu.sem_alloc : memref<!tpu.dma_semaphore, #tpu.memory_space<semaphore_mem>>
      %dma_start3A = arith.constant 0 : i32
      %dma_start3A_29 = arith.constant 0 : i32
      %dma_start3A_30 = tpu.memref_slice %arg4[%add3A, %dma_start3A, %dma_start3A_29] : memref<32x79x128xi32, #tpu.memory_space<hbm>> -> memref<1x79x128xi32, #tpu.memory_space<hbm>>
      %dma_start3A_31 = tpu.memref_squeeze %dma_start3A_30 : memref<1x79x128xi32, #tpu.memory_space<hbm>> -> memref<79x128xi32, #tpu.memory_space<hbm>>
      %dma_start3A_32 = arith.constant 0 : i32
      %dma_start3A_33 = arith.constant 0 : i32
      %dma_start3A_34 = tpu.memref_slice %arg4[%add3A, %dma_start3A_32, %dma_start3A_33] : memref<32x79x128xi32, #tpu.memory_space<hbm>> -> memref<1x79x128xi32, #tpu.memory_space<hbm>>
      %dma_start3A_35 = tpu.memref_squeeze %dma_start3A_34 : memref<1x79x128xi32, #tpu.memory_space<hbm>> -> memref<79x128xi32, #tpu.memory_space<hbm>>
      tpu.enqueue_dma source(%dma_start3A_35 : memref<79x128xi32, #tpu.memory_space<hbm>>) target(%arg7 : memref<79x128xi32, #tpu.memory_space<vmem>>) target_semaphore(%run_scoped3A : memref<!tpu.dma_semaphore, #tpu.memory_space<semaphore_mem>>)
      %dma_wait3A = arith.constant 0 : i32
      %dma_wait3A_36 = arith.constant 0 : i32
      %dma_wait3A_37 = tpu.memref_slice %arg4[%add3A, %dma_wait3A, %dma_wait3A_36] : memref<32x79x128xi32, #tpu.memory_space<hbm>> -> memref<1x79x128xi32, #tpu.memory_space<hbm>>
      %dma_wait3A_38 = tpu.memref_squeeze %dma_wait3A_37 : memref<1x79x128xi32, #tpu.memory_space<hbm>> -> memref<79x128xi32, #tpu.memory_space<hbm>>
      %dma_wait3A_39 = arith.constant 0 : i32
      %dma_wait3A_40 = arith.constant 0 : i32
      %dma_wait3A_41 = tpu.memref_slice %arg4[%add3A, %dma_wait3A_39, %dma_wait3A_40] : memref<32x79x128xi32, #tpu.memory_space<hbm>> -> memref<1x79x128xi32, #tpu.memory_space<hbm>>
      %dma_wait3A_42 = tpu.memref_squeeze %dma_wait3A_41 : memref<1x79x128xi32, #tpu.memory_space<hbm>> -> memref<79x128xi32, #tpu.memory_space<hbm>>
      tpu.wait_dma2 semaphore(%run_scoped3A : memref<!tpu.dma_semaphore, #tpu.memory_space<semaphore_mem>>) src(%dma_wait3A_42 : memref<79x128xi32, #tpu.memory_space<hbm>>) dst(%arg7 : memref<79x128xi32, #tpu.memory_space<vmem>>)
      tpu.yield
    }) : () -> ()
    %barrier3A = arith.constant 0 : index
    tpu.barrier barrier_id(%barrier3A)
    %scan3A_14 = arith.constant 0 : i32
    %scan3A_15 = arith.constant 79 : i32
    %scan3A_16 = arith.addi %scan3A_14, %scan3A_15 : i32
    %scan3A_17 = arith.constant 1 : i32
    scf.for %scan3A_29 = %scan3A_14 to %scan3A_16 step %scan3A_17  : i32 {
      %mul3A_30 = arith.constant 1 : i32
      %mul3A_31 = arith.muli %scan3A_29, %mul3A_30 : i32
      %add3A_32 = arith.constant 0 : i32
      %add3A_33 = arith.addi %add3A_32, %mul3A_31 : i32
      "tpu.region"() ({
        %run_scoped3A = tpu.sem_alloc : memref<!tpu.dma_semaphore, #tpu.memory_space<semaphore_mem>>
        %dma_start3A = arith.constant 0 : i32
        %dma_start3A_34 = tpu.memref_slice %arg6[%add3A_33, %dma_start3A] : memref<79x128xi32, #tpu.memory_space<vmem>> -> memref<1x128xi32, #tpu.memory_space<vmem>>
        %dma_start3A_35 = tpu.memref_squeeze %dma_start3A_34 : memref<1x128xi32, #tpu.memory_space<vmem>> -> memref<128xi32, #tpu.memory_space<vmem>>
        %dma_start3A_36 = arith.constant 0 : i32
        %dma_start3A_37 = arith.constant 0 : i32
        %dma_start3A_38 = tpu.memref_slice %arg2[%dma_start3A_36, %dma_start3A_37] : memref<10112x128xf32, #tpu.memory_space<hbm>> -> memref<10112x128xf32, #tpu.memory_space<hbm>>
        tpu.enqueue_indirect_dma source(%dma_start3A_38 : memref<10112x128xf32, #tpu.memory_space<hbm>>) target(%arg8 : memref<128x128xf32, #tpu.memory_space<vmem>>) offsets(%dma_start3A_35 : memref<128xi32, #tpu.memory_space<vmem>>) semaphore(%run_scoped3A : memref<!tpu.dma_semaphore, #tpu.memory_space<semaphore_mem>>)
        %dma_wait3A = arith.constant 0 : i32
        %dma_wait3A_39 = tpu.memref_slice %arg6[%add3A_33, %dma_wait3A] : memref<79x128xi32, #tpu.memory_space<vmem>> -> memref<1x128xi32, #tpu.memory_space<vmem>>
        %dma_wait3A_40 = tpu.memref_squeeze %dma_wait3A_39 : memref<1x128xi32, #tpu.memory_space<vmem>> -> memref<128xi32, #tpu.memory_space<vmem>>
        %dma_wait3A_41 = arith.constant 0 : i32
        %dma_wait3A_42 = arith.constant 0 : i32
        %dma_wait3A_43 = tpu.memref_slice %arg2[%dma_wait3A_41, %dma_wait3A_42] : memref<10112x128xf32, #tpu.memory_space<hbm>> -> memref<10112x128xf32, #tpu.memory_space<hbm>>
        tpu.wait_indirect_dma semaphore(%run_scoped3A : memref<!tpu.dma_semaphore, #tpu.memory_space<semaphore_mem>>) src(%dma_wait3A_43 : memref<10112x128xf32, #tpu.memory_space<hbm>>) dst(%arg8 : memref<128x128xf32, #tpu.memory_space<vmem>>)
        tpu.yield
      }) : () -> ()
      "tpu.region"() ({
        %run_scoped3A = tpu.sem_alloc : memref<!tpu.dma_semaphore, #tpu.memory_space<semaphore_mem>>
        %dma_start3A = arith.constant 0 : i32
        %dma_start3A_34 = tpu.memref_slice %arg7[%add3A_33, %dma_start3A] : memref<79x128xi32, #tpu.memory_space<vmem>> -> memref<1x128xi32, #tpu.memory_space<vmem>>
        %dma_start3A_35 = tpu.memref_squeeze %dma_start3A_34 : memref<1x128xi32, #tpu.memory_space<vmem>> -> memref<128xi32, #tpu.memory_space<vmem>>
        %dma_start3A_36 = arith.constant 0 : i32
        %dma_start3A_37 = arith.constant 0 : i32
        %dma_start3A_38 = tpu.memref_slice %arg9[%dma_start3A_36, %dma_start3A_37] : memref<10112x128xf32, #tpu.memory_space<vmem_shared>> -> memref<10112x128xf32, #tpu.memory_space<vmem_shared>>
        tpu.enqueue_indirect_dma source(%arg8 : memref<128x128xf32, #tpu.memory_space<vmem>>) target(%dma_start3A_38 : memref<10112x128xf32, #tpu.memory_space<vmem_shared>>) offsets(%dma_start3A_35 : memref<128xi32, #tpu.memory_space<vmem>>) semaphore(%run_scoped3A : memref<!tpu.dma_semaphore, #tpu.memory_space<semaphore_mem>>) {add = true}
        %dma_wait3A = arith.constant 0 : i32
        %dma_wait3A_39 = tpu.memref_slice %arg7[%add3A_33, %dma_wait3A] : memref<79x128xi32, #tpu.memory_space<vmem>> -> memref<1x128xi32, #tpu.memory_space<vmem>>
        %dma_wait3A_40 = tpu.memref_squeeze %dma_wait3A_39 : memref<1x128xi32, #tpu.memory_space<vmem>> -> memref<128xi32, #tpu.memory_space<vmem>>
        %dma_wait3A_41 = arith.constant 0 : i32
        %dma_wait3A_42 = arith.constant 0 : i32
        %dma_wait3A_43 = tpu.memref_slice %arg9[%dma_wait3A_41, %dma_wait3A_42] : memref<10112x128xf32, #tpu.memory_space<vmem_shared>> -> memref<10112x128xf32, #tpu.memory_space<vmem_shared>>
        tpu.wait_indirect_dma semaphore(%run_scoped3A : memref<!tpu.dma_semaphore, #tpu.memory_space<semaphore_mem>>) src(%arg8 : memref<128x128xf32, #tpu.memory_space<vmem>>) dst(%dma_wait3A_43 : memref<10112x128xf32, #tpu.memory_space<vmem_shared>>)
        tpu.yield
      }) : () -> ()
    }
    %scan3A_18 = arith.constant 79 : i32
    %barrier3A_19 = arith.constant 0 : index
    tpu.barrier barrier_id(%barrier3A_19)
    %scan3A_20 = arith.constant 0 : i32
    %scan3A_21 = arith.constant 4 : i32
    %scan3A_22 = arith.addi %scan3A_20, %scan3A_21 : i32
    %scan3A_23 = arith.constant 1 : i32
    scf.for %scan3A_29 = %scan3A_20 to %scan3A_22 step %scan3A_23  : i32 {
      %mul3A_30 = arith.constant 1 : i32
      %mul3A_31 = arith.muli %scan3A_29, %mul3A_30 : i32
      %add3A_32 = arith.constant 0 : i32
      %add3A_33 = arith.addi %add3A_32, %mul3A_31 : i32
      %mul3A_34 = arith.constant 128 : i32
      %mul3A_35 = arith.muli %add3A_33, %mul3A_34 : i32
      %add3A_36 = arith.addi %mul3A_6, %mul3A_35 : i32
      %mul3A_37 = arith.constant 128 : i32
      %mul3A_38 = arith.muli %add3A_33, %mul3A_37 : i32
      %add3A_39 = arith.addi %mul3A_6, %mul3A_38 : i32
      "tpu.region"() ({
        %run_scoped3A = tpu.sem_alloc : memref<!tpu.dma_semaphore, #tpu.memory_space<semaphore_mem>>
        %dma_start3A = arith.constant 0 : i32
        %dma_start3A_40 = tpu.memref_slice %arg5[%arg0, %add3A_39, %dma_start3A] : memref<2x10112x128xf32, #tpu.memory_space<hbm>> -> memref<1x128x128xf32, #tpu.memory_space<hbm>>
        %dma_start3A_41 = tpu.memref_squeeze %dma_start3A_40 : memref<1x128x128xf32, #tpu.memory_space<hbm>> -> memref<128x128xf32, #tpu.memory_space<hbm>>
        %dma_start3A_42 = arith.constant 0 : i32
        %dma_start3A_43 = tpu.memref_slice %arg9[%add3A_36, %dma_start3A_42] : memref<10112x128xf32, #tpu.memory_space<vmem_shared>> -> memref<128x128xf32, #tpu.memory_space<vmem_shared>>
        tpu.enqueue_dma source(%dma_start3A_43 : memref<128x128xf32, #tpu.memory_space<vmem_shared>>) target(%dma_start3A_41 : memref<128x128xf32, #tpu.memory_space<hbm>>) target_semaphore(%run_scoped3A : memref<!tpu.dma_semaphore, #tpu.memory_space<semaphore_mem>>)
        %dma_wait3A = arith.constant 0 : i32
        %dma_wait3A_44 = tpu.memref_slice %arg5[%arg0, %add3A_39, %dma_wait3A] : memref<2x10112x128xf32, #tpu.memory_space<hbm>> -> memref<1x128x128xf32, #tpu.memory_space<hbm>>
        %dma_wait3A_45 = tpu.memref_squeeze %dma_wait3A_44 : memref<1x128x128xf32, #tpu.memory_space<hbm>> -> memref<128x128xf32, #tpu.memory_space<hbm>>
        %dma_wait3A_46 = arith.constant 0 : i32
        %dma_wait3A_47 = tpu.memref_slice %arg9[%add3A_36, %dma_wait3A_46] : memref<10112x128xf32, #tpu.memory_space<vmem_shared>> -> memref<128x128xf32, #tpu.memory_space<vmem_shared>>
        tpu.wait_dma2 semaphore(%run_scoped3A : memref<!tpu.dma_semaphore, #tpu.memory_space<semaphore_mem>>) src(%dma_wait3A_47 : memref<128x128xf32, #tpu.memory_space<vmem_shared>>) dst(%dma_wait3A_45 : memref<128x128xf32, #tpu.memory_space<hbm>>)
        tpu.yield
      }) : () -> ()
    }
    %scan3A_24 = arith.constant 4 : i32
    %add3A_25 = arith.constant 512 : i32
    %add3A_26 = arith.addi %mul3A_6, %add3A_25 : i32
    %add3A_27 = arith.constant 512 : i32
    %add3A_28 = arith.addi %mul3A_6, %add3A_27 : i32
    "tpu.region"() ({
      %run_scoped3A = tpu.sem_alloc : memref<!tpu.dma_semaphore, #tpu.memory_space<semaphore_mem>>
      %dma_start3A = arith.constant 0 : i32
      %dma_start3A_29 = tpu.memref_slice %arg5[%arg0, %add3A_28, %dma_start3A] : memref<2x10112x128xf32, #tpu.memory_space<hbm>> -> memref<1x120x128xf32, #tpu.memory_space<hbm>>
      %dma_start3A_30 = tpu.memref_squeeze %dma_start3A_29 : memref<1x120x128xf32, #tpu.memory_space<hbm>> -> memref<120x128xf32, #tpu.memory_space<hbm>>
      %dma_start3A_31 = arith.constant 0 : i32
      %dma_start3A_32 = tpu.memref_slice %arg9[%add3A_26, %dma_start3A_31] : memref<10112x128xf32, #tpu.memory_space<vmem_shared>> -> memref<120x128xf32, #tpu.memory_space<vmem_shared>>
      tpu.enqueue_dma source(%dma_start3A_32 : memref<120x128xf32, #tpu.memory_space<vmem_shared>>) target(%dma_start3A_30 : memref<120x128xf32, #tpu.memory_space<hbm>>) target_semaphore(%run_scoped3A : memref<!tpu.dma_semaphore, #tpu.memory_space<semaphore_mem>>)
      %dma_wait3A = arith.constant 0 : i32
      %dma_wait3A_33 = tpu.memref_slice %arg5[%arg0, %add3A_28, %dma_wait3A] : memref<2x10112x128xf32, #tpu.memory_space<hbm>> -> memref<1x120x128xf32, #tpu.memory_space<hbm>>
      %dma_wait3A_34 = tpu.memref_squeeze %dma_wait3A_33 : memref<1x120x128xf32, #tpu.memory_space<hbm>> -> memref<120x128xf32, #tpu.memory_space<hbm>>
      %dma_wait3A_35 = arith.constant 0 : i32
      %dma_wait3A_36 = tpu.memref_slice %arg9[%add3A_26, %dma_wait3A_35] : memref<10112x128xf32, #tpu.memory_space<vmem_shared>> -> memref<120x128xf32, #tpu.memory_space<vmem_shared>>
      tpu.wait_dma2 semaphore(%run_scoped3A : memref<!tpu.dma_semaphore, #tpu.memory_space<semaphore_mem>>) src(%dma_wait3A_36 : memref<120x128xf32, #tpu.memory_space<vmem_shared>>) dst(%dma_wait3A_34 : memref<120x128xf32, #tpu.memory_space<hbm>>)
      tpu.yield
    }) : () -> ()
    return
  }
}

module attributes {stable_mosaic.version = 14 : i64} {
  func.func @_tc_mm_body(%arg0: i32, %arg1: memref<1264x128xf32, #tpu.memory_space<vmem>>, %arg2: memref<128x128xf32, #tpu.memory_space<vmem>>, %arg3: memref<1264x128xf32, #tpu.memory_space<vmem>>) attributes {dimension_semantics = [#tpu.dimension_semantics<arbitrary>], iteration_bounds = array<i64: 8>, scalar_prefetch = 0 : i64, scratch_operands = 0 : i64, tpu.core_type = #tpu.core_type<tc>, window_params = [{transform_indices = @transform_0, window_bounds = array<i64: 1264, 128>}, {pipeline_mode = #tpu.pipeline_mode<synchronous>, transform_indices = @transform_1, window_bounds = array<i64: 128, 128>}, {transform_indices = @transform_2, window_bounds = array<i64: 1264, 128>}]} {
    %get3A = arith.constant 0 : index
    %get3A_0 = arith.constant 0 : index
    %get3A_1 = vector.load %arg1[%get3A, %get3A_0] : memref<1264x128xf32, #tpu.memory_space<vmem>>, vector<1264x128xf32>
    %get3A_2 = arith.constant 0 : index
    %get3A_3 = arith.constant 0 : index
    %get3A_4 = vector.load %arg2[%get3A_2, %get3A_3] : memref<128x128xf32, #tpu.memory_space<vmem>>, vector<128x128xf32>
    %dot_general3A = arith.constant dense<0.000000e+00> : vector<1264x128xf32>
    %dot_general3A_5 = tpu.matmul %get3A_1, %get3A_4, %dot_general3A {dimension_numbers = #tpu.dot_dimension_numbers<[1], [0], [0], [1], [0, 0, 1, 1], [], []>, transpose_lhs_hint = false} : vector<1264x128xf32>, vector<128x128xf32>, vector<1264x128xf32> -> vector<1264x128xf32>
    %swap3A = arith.constant 0 : index
    %swap3A_6 = arith.constant 0 : index
    %swap3A_7 = vector.load %arg3[%swap3A, %swap3A_6] : memref<1264x128xf32, #tpu.memory_space<vmem>>, vector<1264x128xf32>
    tpu.vector_store %arg3[%swap3A, %swap3A_6], %dot_general3A_5 {strides = array<i32>} : memref<1264x128xf32, #tpu.memory_space<vmem>>, vector<1264x128xf32>,
    return
  }
  func.func @transform_0(%arg0: i32) -> (i32, i32) {
    %c0_i32 = arith.constant 0 : i32
    %c0_i32_0 = arith.constant 0 : i32
    return %arg0, %c0_i32 : i32, i32
  }
  func.func @transform_1(%arg0: i32) -> (i32, i32) {
    %c0_i32 = arith.constant 0 : i32
    %c0_i32_0 = arith.constant 0 : i32
    %c0_i32_1 = arith.constant 0 : i32
    return %c0_i32, %c0_i32_0 : i32, i32
  }
  func.func @transform_2(%arg0: i32) -> (i32, i32) {
    %c0_i32 = arith.constant 0 : i32
    %c0_i32_0 = arith.constant 0 : i32
    return %arg0, %c0_i32 : i32, i32
  }
}

module attributes {stable_mosaic.version = 14 : i64} {
  func.func @_deg_combine_body(%arg0: i32, %arg1: memref<1264x128xf32, #tpu.memory_space<vmem>>, %arg2: memref<1264x128xf32, #tpu.memory_space<vmem>>, %arg3: memref<1264x128xf32, #tpu.memory_space<vmem>>, %arg4: memref<1264x128xf32, #tpu.memory_space<vmem>>, %arg5: memref<1264x128xf32, #tpu.memory_space<vmem>>) attributes {dimension_semantics = [#tpu.dimension_semantics<arbitrary>], iteration_bounds = array<i64: 8>, scalar_prefetch = 0 : i64, scratch_operands = 0 : i64, tpu.core_type = #tpu.core_type<tc>, window_params = [{transform_indices = @transform_0, window_bounds = array<i64: 1264, 128>}, {transform_indices = @transform_1, window_bounds = array<i64: 1264, 128>}, {transform_indices = @transform_2, window_bounds = array<i64: 1264, 128>}, {transform_indices = @transform_3, window_bounds = array<i64: 1264, 128>}, {transform_indices = @transform_4, window_bounds = array<i64: 1264, 128>}]} {
    %get3A = arith.constant 0 : index
    %get3A_0 = arith.constant 0 : index
    %get3A_1 = vector.load %arg1[%get3A, %get3A_0] : memref<1264x128xf32, #tpu.memory_space<vmem>>, vector<1264x128xf32>
    %get3A_2 = arith.constant 0 : index
    %get3A_3 = arith.constant 0 : index
    %get3A_4 = vector.load %arg2[%get3A_2, %get3A_3] : memref<1264x128xf32, #tpu.memory_space<vmem>>, vector<1264x128xf32>
    %add3A = arith.addf %get3A_1, %get3A_4 : vector<1264x128xf32>
    %add3A_5 = arith.constant 1.000000e+00 : f32
    %add3A_6 = vector.broadcast %add3A_5 : f32 to vector<1264x128xf32>
    %add3A_7 = arith.addf %add3A, %add3A_6 : vector<1264x128xf32>
    %rsqrt3A = math.rsqrt %add3A_7 : vector<1264x128xf32>
    %swap3A = arith.constant 0 : index
    %swap3A_8 = arith.constant 0 : index
    %swap3A_9 = vector.load %arg4[%swap3A, %swap3A_8] : memref<1264x128xf32, #tpu.memory_space<vmem>>, vector<1264x128xf32>
    tpu.vector_store %arg4[%swap3A, %swap3A_8], %rsqrt3A {strides = array<i32>} : memref<1264x128xf32, #tpu.memory_space<vmem>>, vector<1264x128xf32>,
    %get3A_10 = arith.constant 0 : index
    %get3A_11 = arith.constant 0 : index
    %get3A_12 = vector.load %arg3[%get3A_10, %get3A_11] : memref<1264x128xf32, #tpu.memory_space<vmem>>, vector<1264x128xf32>
    %mul3A = arith.mulf %rsqrt3A, %get3A_12 : vector<1264x128xf32>
    %swap3A_13 = arith.constant 0 : index
    %swap3A_14 = arith.constant 0 : index
    %swap3A_15 = vector.load %arg5[%swap3A_13, %swap3A_14] : memref<1264x128xf32, #tpu.memory_space<vmem>>, vector<1264x128xf32>
    tpu.vector_store %arg5[%swap3A_13, %swap3A_14], %mul3A {strides = array<i32>} : memref<1264x128xf32, #tpu.memory_space<vmem>>, vector<1264x128xf32>,
    return
  }
  func.func @transform_0(%arg0: i32) -> (i32, i32) {
    %c0_i32 = arith.constant 0 : i32
    %c0_i32_0 = arith.constant 0 : i32
    return %arg0, %c0_i32 : i32, i32
  }
  func.func @transform_1(%arg0: i32) -> (i32, i32) {
    %c0_i32 = arith.constant 0 : i32
    %c0_i32_0 = arith.constant 0 : i32
    return %arg0, %c0_i32 : i32, i32
  }
  func.func @transform_2(%arg0: i32) -> (i32, i32) {
    %c0_i32 = arith.constant 0 : i32
    %c0_i32_0 = arith.constant 0 : i32
    return %arg0, %c0_i32 : i32, i32
  }
  func.func @transform_3(%arg0: i32) -> (i32, i32) {
    %c0_i32 = arith.constant 0 : i32
    %c0_i32_0 = arith.constant 0 : i32
    return %arg0, %c0_i32 : i32, i32
  }
  func.func @transform_4(%arg0: i32) -> (i32, i32) {
    %c0_i32 = arith.constant 0 : i32
    %c0_i32_0 = arith.constant 0 : i32
    return %arg0, %c0_i32 : i32, i32
  }
}

module attributes {stable_mosaic.version = 14 : i64} {
  func.func @_tc_mid_body(%arg0: i32, %arg1: memref<1264x128xf32, #tpu.memory_space<vmem>>, %arg2: memref<1264x128xf32, #tpu.memory_space<vmem>>, %arg3: memref<1264x128xf32, #tpu.memory_space<vmem>>, %arg4: memref<1264x128xf32, #tpu.memory_space<vmem>>, %arg5: memref<1x128xf32, #tpu.memory_space<vmem>>, %arg6: memref<128x128xf32, #tpu.memory_space<vmem>>, %arg7: memref<1264x128xf32, #tpu.memory_space<vmem>>) attributes {dimension_semantics = [#tpu.dimension_semantics<arbitrary>], iteration_bounds = array<i64: 8>, scalar_prefetch = 0 : i64, scratch_operands = 0 : i64, tpu.core_type = #tpu.core_type<tc>, window_params = [{transform_indices = @transform_0, window_bounds = array<i64: 1264, 128>}, {transform_indices = @transform_1, window_bounds = array<i64: 1264, 128>}, {transform_indices = @transform_2, window_bounds = array<i64: 1264, 128>}, {transform_indices = @transform_3, window_bounds = array<i64: 1264, 128>}, {pipeline_mode = #tpu.pipeline_mode<synchronous>, transform_indices = @transform_4, window_bounds = array<i64: 1, 128>}, {pipeline_mode = #tpu.pipeline_mode<synchronous>, transform_indices = @transform_5, window_bounds = array<i64: 128, 128>}, {transform_indices = @transform_6, window_bounds = array<i64: 1264, 128>}]} {
    %get3A = arith.constant 0 : index
    %get3A_0 = arith.constant 0 : index
    %get3A_1 = vector.load %arg4[%get3A, %get3A_0] : memref<1264x128xf32, #tpu.memory_space<vmem>>, vector<1264x128xf32>
    %get3A_2 = arith.constant 0 : index
    %get3A_3 = arith.constant 0 : index
    %get3A_4 = vector.load %arg1[%get3A_2, %get3A_3] : memref<1264x128xf32, #tpu.memory_space<vmem>>, vector<1264x128xf32>
    %get3A_5 = arith.constant 0 : index
    %get3A_6 = arith.constant 0 : index
    %get3A_7 = vector.load %arg2[%get3A_5, %get3A_6] : memref<1264x128xf32, #tpu.memory_space<vmem>>, vector<1264x128xf32>
    %add3A = arith.addf %get3A_4, %get3A_7 : vector<1264x128xf32>
    %get3A_8 = arith.constant 0 : index
    %get3A_9 = arith.constant 0 : index
    %get3A_10 = vector.load %arg3[%get3A_8, %get3A_9] : memref<1264x128xf32, #tpu.memory_space<vmem>>, vector<1264x128xf32>
    %add3A_11 = arith.addf %add3A, %get3A_10 : vector<1264x128xf32>
    %mul3A = arith.mulf %get3A_1, %add3A_11 : vector<1264x128xf32>
    %get3A_12 = arith.constant 0 : index
    %get3A_13 = arith.constant 0 : index
    %get3A_14 = vector.load %arg5[%get3A_12, %get3A_13] : memref<1x128xf32, #tpu.memory_space<vmem>>, vector<1x128xf32>
    %add3A_15 = vector.broadcast %get3A_14 : vector<1x128xf32> to vector<1264x128xf32>
    %add3A_16 = arith.addf %mul3A, %add3A_15 : vector<1264x128xf32>
    %max3A = arith.constant 0.000000e+00 : f32
    %max3A_17 = vector.broadcast %max3A : f32 to vector<1264x128xf32>
    %max3A_18 = arith.maximumf %add3A_16, %max3A_17 : vector<1264x128xf32>
    %get3A_19 = arith.constant 0 : index
    %get3A_20 = arith.constant 0 : index
    %get3A_21 = vector.load %arg6[%get3A_19, %get3A_20] : memref<128x128xf32, #tpu.memory_space<vmem>>, vector<128x128xf32>
    %dot_general3A = arith.constant dense<0.000000e+00> : vector<1264x128xf32>
    %dot_general3A_22 = tpu.matmul %max3A_18, %get3A_21, %dot_general3A {dimension_numbers = #tpu.dot_dimension_numbers<[1], [0], [0], [1], [0, 0, 1, 1], [], []>, transpose_lhs_hint = false} : vector<1264x128xf32>, vector<128x128xf32>, vector<1264x128xf32> -> vector<1264x128xf32>
    %mul3A_23 = arith.mulf %get3A_1, %dot_general3A_22 : vector<1264x128xf32>
    %swap3A = arith.constant 0 : index
    %swap3A_24 = arith.constant 0 : index
    %swap3A_25 = vector.load %arg7[%swap3A, %swap3A_24] : memref<1264x128xf32, #tpu.memory_space<vmem>>, vector<1264x128xf32>
    tpu.vector_store %arg7[%swap3A, %swap3A_24], %mul3A_23 {strides = array<i32>} : memref<1264x128xf32, #tpu.memory_space<vmem>>, vector<1264x128xf32>,
    return
  }
  func.func @transform_0(%arg0: i32) -> (i32, i32) {
    %c0_i32 = arith.constant 0 : i32
    %c0_i32_0 = arith.constant 0 : i32
    return %arg0, %c0_i32 : i32, i32
  }
  func.func @transform_1(%arg0: i32) -> (i32, i32) {
    %c0_i32 = arith.constant 0 : i32
    %c0_i32_0 = arith.constant 0 : i32
    return %arg0, %c0_i32 : i32, i32
  }
  func.func @transform_2(%arg0: i32) -> (i32, i32) {
    %c0_i32 = arith.constant 0 : i32
    %c0_i32_0 = arith.constant 0 : i32
    return %arg0, %c0_i32 : i32, i32
  }
  func.func @transform_3(%arg0: i32) -> (i32, i32) {
    %c0_i32 = arith.constant 0 : i32
    %c0_i32_0 = arith.constant 0 : i32
    return %arg0, %c0_i32 : i32, i32
  }
  func.func @transform_4(%arg0: i32) -> (i32, i32) {
    %c0_i32 = arith.constant 0 : i32
    %c0_i32_0 = arith.constant 0 : i32
    %c0_i32_1 = arith.constant 0 : i32
    return %c0_i32, %c0_i32_0 : i32, i32
  }
  func.func @transform_5(%arg0: i32) -> (i32, i32) {
    %c0_i32 = arith.constant 0 : i32
    %c0_i32_0 = arith.constant 0 : i32
    %c0_i32_1 = arith.constant 0 : i32
    return %c0_i32, %c0_i32_0 : i32, i32
  }
  func.func @transform_6(%arg0: i32) -> (i32, i32) {
    %c0_i32 = arith.constant 0 : i32
    %c0_i32_0 = arith.constant 0 : i32
    return %arg0, %c0_i32 : i32, i32
  }
}

module attributes {stable_mosaic.version = 14 : i64} {
  func.func @_tc_last_body(%arg0: i32, %arg1: memref<1264x128xf32, #tpu.memory_space<vmem>>, %arg2: memref<1264x128xf32, #tpu.memory_space<vmem>>, %arg3: memref<1264x128xf32, #tpu.memory_space<vmem>>, %arg4: memref<1264x128xf32, #tpu.memory_space<vmem>>, %arg5: memref<1x128xf32, #tpu.memory_space<vmem>>, %arg6: memref<1264x128xf32, #tpu.memory_space<vmem>>) attributes {dimension_semantics = [#tpu.dimension_semantics<arbitrary>], iteration_bounds = array<i64: 8>, scalar_prefetch = 0 : i64, scratch_operands = 0 : i64, tpu.core_type = #tpu.core_type<tc>, window_params = [{transform_indices = @transform_0, window_bounds = array<i64: 1264, 128>}, {transform_indices = @transform_1, window_bounds = array<i64: 1264, 128>}, {transform_indices = @transform_2, window_bounds = array<i64: 1264, 128>}, {transform_indices = @transform_3, window_bounds = array<i64: 1264, 128>}, {pipeline_mode = #tpu.pipeline_mode<synchronous>, transform_indices = @transform_4, window_bounds = array<i64: 1, 128>}, {transform_indices = @transform_5, window_bounds = array<i64: 1264, 128>}]} {
    %get3A = arith.constant 0 : index
    %get3A_0 = arith.constant 0 : index
    %get3A_1 = vector.load %arg4[%get3A, %get3A_0] : memref<1264x128xf32, #tpu.memory_space<vmem>>, vector<1264x128xf32>
    %get3A_2 = arith.constant 0 : index
    %get3A_3 = arith.constant 0 : index
    %get3A_4 = vector.load %arg1[%get3A_2, %get3A_3] : memref<1264x128xf32, #tpu.memory_space<vmem>>, vector<1264x128xf32>
    %get3A_5 = arith.constant 0 : index
    %get3A_6 = arith.constant 0 : index
    %get3A_7 = vector.load %arg2[%get3A_5, %get3A_6] : memref<1264x128xf32, #tpu.memory_space<vmem>>, vector<1264x128xf32>
    %add3A = arith.addf %get3A_4, %get3A_7 : vector<1264x128xf32>
    %get3A_8 = arith.constant 0 : index
    %get3A_9 = arith.constant 0 : index
    %get3A_10 = vector.load %arg3[%get3A_8, %get3A_9] : memref<1264x128xf32, #tpu.memory_space<vmem>>, vector<1264x128xf32>
    %add3A_11 = arith.addf %add3A, %get3A_10 : vector<1264x128xf32>
    %mul3A = arith.mulf %get3A_1, %add3A_11 : vector<1264x128xf32>
    %get3A_12 = arith.constant 0 : index
    %get3A_13 = arith.constant 0 : index
    %get3A_14 = vector.load %arg5[%get3A_12, %get3A_13] : memref<1x128xf32, #tpu.memory_space<vmem>>, vector<1x128xf32>
    %add3A_15 = vector.broadcast %get3A_14 : vector<1x128xf32> to vector<1264x128xf32>
    %add3A_16 = arith.addf %mul3A, %add3A_15 : vector<1264x128xf32>
    %swap3A = arith.constant 0 : index
    %swap3A_17 = arith.constant 0 : index
    %swap3A_18 = vector.load %arg6[%swap3A, %swap3A_17] : memref<1264x128xf32, #tpu.memory_space<vmem>>, vector<1264x128xf32>
    tpu.vector_store %arg6[%swap3A, %swap3A_17], %add3A_16 {strides = array<i32>} : memref<1264x128xf32, #tpu.memory_space<vmem>>, vector<1264x128xf32>,
    return
  }
  func.func @transform_0(%arg0: i32) -> (i32, i32) {
    %c0_i32 = arith.constant 0 : i32
    %c0_i32_0 = arith.constant 0 : i32
    return %arg0, %c0_i32 : i32, i32
  }
  func.func @transform_1(%arg0: i32) -> (i32, i32) {
    %c0_i32 = arith.constant 0 : i32
    %c0_i32_0 = arith.constant 0 : i32
    return %arg0, %c0_i32 : i32, i32
  }
  func.func @transform_2(%arg0: i32) -> (i32, i32) {
    %c0_i32 = arith.constant 0 : i32
    %c0_i32_0 = arith.constant 0 : i32
    return %arg0, %c0_i32 : i32, i32
  }
  func.func @transform_3(%arg0: i32) -> (i32, i32) {
    %c0_i32 = arith.constant 0 : i32
    %c0_i32_0 = arith.constant 0 : i32
    return %arg0, %c0_i32 : i32, i32
  }
  func.func @transform_4(%arg0: i32) -> (i32, i32) {
    %c0_i32 = arith.constant 0 : i32
    %c0_i32_0 = arith.constant 0 : i32
    %c0_i32_1 = arith.constant 0 : i32
    return %c0_i32, %c0_i32_0 : i32, i32
  }
  func.func @transform_5(%arg0: i32) -> (i32, i32) {
    %c0_i32 = arith.constant 0 : i32
    %c0_i32_0 = arith.constant 0 : i32
    return %arg0, %c0_i32 : i32, i32
  }
}

</mosaic_0001>

<sc_bundles>
// kernel: kernel.11.cloned.1.call-start
scs
__scs_entry_jumppad:
0x0: {  	(pc) =	sbr.rel $0x88, $3  }
0x1: {  	(tag) =	ssettag $0x0;
	lr =	simm.s32 $0x1  }
0x2: {  	[smem:$0x3F99] =	sst lr;
	_ =	strace $0xD0000000  }
0x3: {  	_ = 	snop  }
0x4: {  	_ = 	snop  }
0x5: {  	_ = 	snop  }
0x6: {  	_ = 	snop  }
0x7: {  	_ = 	snop  }
__scs_overlays_trampoline_lowered:
0x8: {  	[smem:$0x3FA8] =	sst s0  }
0x9: {  	[smem:$0x3FA9] =	sst s1  }
0xa: {  	[smem:$0x3FAA] =	sst s2  }
0xb: {  	[smem:$0x3FAB] =	sst s3  }
0xc: {  	[smem:$0x3FAC] =	sst s4  }
0xd: {  	[smem:$0x3FAD] =	sst s5  }
0xe: {  	[smem:$0x3FAE] =	sst s6  }
0xf: {  	[smem:$0x3FAF] =	sst s7  }
0x10: {  	[smem:$0x3FB0] =	sst s8  }
0x11: {  	[smem:$0x3FB1] =	sst s9;
	s0 =	simm.s32 @!p0 $0x0  }
0x12: {  	s1 =	sld [smem:$0x3F97];
	s0 =	simm.s32 @p0 $0x1  }
0x13: {  	[smem:$0x3FB2] =	sst s0;
	s0 =	simm.s32 @!p1 $0x0  }
0x14: {  	s2 =	sld [smem:$0x3F96];
	s0 =	simm.s32 @p1 $0x1  }
0x15: {  	[smem:$0x3FB3] =	sst s0;
	s0 =	simm.s32 @!p2 $0x0  }
0x16: {  	s3 =	sld [smem:$0x3FDB];
	s0 =	simm.s32 @p2 $0x1  }
0x17: {  	s4 =	simm.s32 $0x1BF5;
	[smem:$0x3FB5] =	sst s0  }
0x18: {  	s0 =	sld [smem:$0x3F98];
	_ =	swait.ge [sflag:s4], $0x0  }
0x19: {  	s7 =	sld [smem:$0x3F99]  }
0x1a: {  	s8 =	sadd.s32 $0xFFFFE003, lr  }
0x1b: {  	s9 =	sadd.s32 $0xFFFFFEF7, lr;
	s5 =	simm.s32 $0xFFFFFFFF;
	p2 =	slt.u32 s8, $0xFFFFF086  }
0x1c: {  	p1 =	slt.u32 s9, $0xF7A;
	s5 =	simm.s32 @!p2 $0x0  }
0x1d: {  	s5 =	simm.s32 @p1 $0x1;
	p0 =	seq.s32 s7, s2  }
0x1e: {  	s7 =	smul.u32 @!p0 $0xF7A, s2;
	p2 =	seq.s32 @!p0 s5, $0x0  }
0x1f: {  	s9 =	smul.u32 $0xF7A, s1;
	s8 =	simm.s32 @!p0 $0x1BF5;
	p2 =	por !p2, p0  }
0x20: {  	[sflag:s8] =	ssyncset.s32 @!p0 $0xFFFFF086;
	s6 =	sadd.s32 @!p0 s3, s7;
	s7 =	simm.s32 @!p0 $0x108  }
0x21: {  	s3 =	sadd.s32 s3, s9;
	s6 =	sadd.s32 @!p0 $0x88, s6;
	s7 =	simm.s32 @p2 $0x1082  }
0x22: {  	[simem:s7], [sflag:s8] =	dma.local @!p0 [hbm:s6], $0xF7A  }
0x23: {  	s9 =	sor.u32 $0xD0000000, s2;
	s6 =	simm.s32 $0x108;
	_ =	swait.ge @!p0 [sflag:s8], $0x0  }
0x24: {  	s3 =	sadd.s32 $0x88, s3;
	s6 =	simm.s32 @!p1 $0x1082;
	[sflag:s4] =	ssyncset.s32 $0xFFFFF086  }
0x25: {  	[simem:s6], [sflag:s4] =	dma.local [hbm:s3], $0xF7A  }
0x26: {  	[smem:$0x3F99] =	sst s1;
	(tag) =	ssettag s2;
	_ =	strace s9  }
0x27: {  	s1 =	sld [smem:$0x3FA9]  }
0x28: {  	s2 =	sld [smem:$0x3FAA]  }
0x29: {  	s4 =	sld [smem:$0x3FAC]  }
0x2a: {  	p0 =	seq.s32 s5, $0x0;
	s5 =	sld [smem:$0x3FAD]  }
0x2b: {  	s6 =	sld [smem:$0x3FAE]  }
0x2c: {  	s7 =	sld [smem:$0x3FAF]  }
0x2d: {  	s3 =	simm.s32 $0x108;
	s8 =	sld [smem:$0x3FB0]  }
0x2e: {  	s3 =	simm.s32 @!p0 $0x1082;
	s9 =	sld [smem:$0x3FB1]  }
0x2f: {  	lr =	sadd.s32 s0, s3;
	s0 =	sld [smem:$0x3FA8]  }
0x30: {  	s3 =	sld [smem:$0x3FAB]  }
0x31: {  	[smem:$0x3FB4] =	sst s10  }
0x32: {  	s10 =	sld [smem:$0x3FB2];
	_ =	sdelay $0x3  }
0x33: {  	p0 =	seq.s32 s10, $0x1;
	s10 =	sld [smem:$0x3FB4];
	_ =	sdelay $0x3  }
0x34: {  	[smem:$0x3FB4] =	sst s10  }
0x35: {  	s10 =	sld [smem:$0x3FB3];
	_ =	sdelay $0x3  }
0x36: {  	p1 =	seq.s32 s10, $0x1;
	s10 =	sld [smem:$0x3FB4];
	_ =	sdelay $0x3  }
0x37: {  	[smem:$0x3FB4] =	sst s10  }
0x38: {  	s10 =	sld [smem:$0x3FB5]  }
0x39: {  	_ = 	snop;
	(pc) =	sbr.ind lr, $3  }
0x3a: {  	_ = 	snop  }
0x3b: {  	_ = 	snop  }
0x3c: {  	p2 =	seq.s32 s10, $0x1;
	s10 =	sld [smem:$0x3FB4]  }
0x3d: {  	_ =	shalt  }
0x3e: {  	_ =	shalt  }
0x3f: {  	_ =	shalt  }
0x40: {  	_ =	shalt  }
0x41: {  	_ =	shalt  }
0x42: {  	_ =	shalt  }
0x43: {  	_ =	shalt  }
0x44: {  	_ =	shalt  }
0x45: {  	_ =	shalt  }
0x46: {  	_ =	shalt  }
0x47: {  	_ =	shalt  }
0x48: {  	_ =	shalt  }
0x49: {  	_ =	shalt  }
0x4a: {  	_ =	shalt  }
0x4b: {  	_ =	shalt  }
0x4c: {  	_ =	shalt  }
0x4d: {  	_ =	shalt  }
0x4e: {  	_ =	shalt  }
0x4f: {  	_ =	shalt  }
0x50: {  	_ =	shalt  }
0x51: {  	_ =	shalt  }
0x52: {  	_ =	shalt  }
0x53: {  	_ =	shalt  }
0x54: {  	_ =	shalt  }
0x55: {  	_ =	shalt  }
0x56: {  	_ =	shalt  }
0x57: {  	_ =	shalt  }
0x58: {  	_ =	shalt  }
0x59: {  	_ =	shalt  }
0x5a: {  	_ =	shalt  }
0x5b: {  	_ =	shalt  }
0x5c: {  	_ =	shalt  }
0x5d: {  	_ =	shalt  }
0x5e: {  	_ =	shalt  }
0x5f: {  	_ =	shalt  }
0x60: {  	_ =	shalt  }
0x61: {  	_ =	shalt  }
0x62: {  	_ =	shalt  }
0x63: {  	_ =	shalt  }
0x64: {  	_ =	shalt  }
0x65: {  	_ =	shalt  }
0x66: {  	_ =	shalt  }
0x67: {  	_ =	shalt  }
0x68: {  	_ =	shalt  }
0x69: {  	_ =	shalt  }
0x6a: {  	_ =	shalt  }
0x6b: {  	_ =	shalt  }
0x6c: {  	_ =	shalt  }
0x6d: {  	_ =	shalt  }
0x6e: {  	_ =	shalt  }
0x6f: {  	_ =	shalt  }
0x70: {  	_ =	shalt  }
0x71: {  	_ =	shalt  }
0x72: {  	_ =	shalt  }
0x73: {  	_ =	shalt  }
0x74: {  	_ =	shalt  }
0x75: {  	_ =	shalt  }
0x76: {  	_ =	shalt  }
0x77: {  	_ =	shalt  }
0x78: {  	_ =	shalt  }
0x79: {  	_ =	shalt  }
0x7a: {  	_ =	shalt  }
0x7b: {  	_ =	shalt  }
0x7c: {  	_ =	shalt  }
0x7d: {  	_ =	shalt  }
0x7e: {  	_ =	shalt  }
0x7f: {  	_ =	shalt  }
0x80: {  	_ =	shalt  }
0x81: {  	_ =	shalt  }
0x82: {  	_ =	shalt  }
0x83: {  	_ =	shalt  }
0x84: {  	_ =	shalt  }
0x85: {  	_ =	shalt  }
0x86: {  	_ =	shalt  }
0x87: {  	_ =	shalt  }
.Lfunc_end0:
.L_simem_size_0:
called_computation_lowered:
.L_overlay_start_0:
0x88: {  	s2 =	sld [smem:$0x3FD9]  }
0x89: {  	s3 =	sld [smem:$0x3FFE];
	_ =	sdelay $0x1  }
0x8a: {  	s1 =	srdreg.scid  }
0x8b: {  	s0 =	sand.u32 $0x1, s1  }
0x8c: {  	s17 =	sshll.u32 s0, $0xA;
	s2 =	sadd.s32 s3, s2  }
0x8d: {  	s2 =	sadd.s32 s2, s17  }
0x8e: {  	[smem:$0x3FC0] =	sst s2  }
0x8f: {  	_ = 	snop  }
0x90: {  	s2 =	sld [smem:$0x3FD0];
	(tm) =	ssettm $0x1  }
0x91: {  	s18 =	sld [smem:$0x3FFB];
	_ =	sdelay $0x3  }
0x92: {  	_ =	strace s18  }
0x93: {  	s3 =	sld [smem:$0x3FFC];
	_ =	sdelay $0x3  }
0x94: {  	_ =	strace s3  }
0x95: {  	s3 =	sld [smem:$0x3FFD];
	_ =	sdelay $0x3  }
0x96: {  	_ =	strace s3  }
0x97: {  	_ =	strace $0x8FFFFFFF  }
0x98: {  	s19 =	sld [smem:$0x3FDB];
	_ =	sdelay $0x1  }
0x99: {  	s4 =	simm.s32 $_scs_section_size  }
0x9a: {  	s5 =	simm.s32 $_size__tile_overlayer_lowered;
	s6 =	simm.s32 $_tile_overlayer_lowered  }
0x9b: {  	s22 =	simm.s32 $0x1BFF;
	s21 =	sshll.u32 s6, $0x1;
	s3 =	sadd.s32 s4, s19  }
0x9c: {  	s7 =	simm.s32 $0x0;
	s20 =	sshll.u32 s5, $0x1;
	s5 =	sadd.s32 s21, s3  }
0x9d: {  	[timem:s7], [sflag:s22] =	dma.local [hbm:s5], s20  }
0x9e: {  	_ =	swait.ge [sflag:s22], s20  }
0x9f: {  	s4 =	ssub.s32 $0x0, s20;
	[sflag:s22] =	ssyncset.done $0x0  }
0xa0: {  	[sflag:s22] =	ssyncadd.s32 s4;
	_ =	sdelay $0x1  }
0xa1: {  	s23 =	simm.s32 $0x1B8B  }
0xa2: {  	_ =	swait.ge [sflag:s23], $0x1  }
0xa3: {  	[sflag:s23] =	ssyncset.done $0x0  }
0xa4: {  	s25 =	simm.s32 $0x1B8E;
	s24 =	sld [smem:$0x3FFE];
	[sflag:s23] =	ssyncadd.s32 $0xFFFFFFFF  }
0xa5: {  	s26 =	simm.s32 $execute0_lowered;
	[smem:$0x3FD2] =	sst s25  }
0xa6: {  	s5 =	sshll.u32 s26, $0x1;
	_ =	strace $0x80000046;
	[dreg:$0x1] =	wrdreg $0xFFFFFFFF  }
0xa7: {  	s28 =	simm.s32 $_size_execute0_lowered;
	s3 =	sadd.s32 s3, s5;
	[dreg:$0x0] =	wrdreg $0x0  }
0xa8: {  	s5 =	sshll.u32 s28, $0x1;
	[dreg:$0x2] =	wrdreg s3  }
0xa9: {  	[dreg:$0x3] =	wrdreg s5  }
0xaa: {  	[dreg:$0x4] =	wrdreg $0xC0  }
0xab: {  	_ =	task [dreg:s7], $0x5FFFF  }
0xac: {  	[dreg:$0x1] =	wrdreg $0xFFFFFFFF  }
0xad: {  	[dreg:$0x0] =	wrdreg $0x60  }
0xae: {  	[dreg:$0x2] =	wrdreg s2  }
0xaf: {  	[dreg:$0x3] =	wrdreg s24  }
0xb0: {  	[dreg:$0x4] =	wrdreg $0x68000  }
0xb1: {  	[dreg:$0x5] =	wrdreg $0x9  }
0xb2: {  	_ =	task.clear_ibuf [dreg:s7], $0x6FFFF;
	_ =	strace $0x90000046  }
0xb3: {  	s29 =	simm.s32 $0x9;
	_ =	strace $0x80000048  }
0xb4: {  	_ =	swait.ge [sflag:s29], $0x1  }
0xb5: {  	[sflag:s29] =	ssyncadd.s32 $0xFFFFFFFF  }
0xb6: {  	_ =	strace $0x90000048  }
0xb7: {  	_ =	sfence  }
0xb8: {  	s30 =	sld [smem:$0x0];
	_ =	sdelay $0x2  }
0xb9: {  	s31 =	sshll.u32 s1, $0xD;
	s1 =	sshrl.u32 s1, $0x2  }
0xba: {  	s3 =	sand.u32 $0x4000, s31;
	s1 =	sadd.s32 s1, s30  }
0xbb: {  	s0 =	sor.u32 s3, s0;
	s1 =	sshll.u32 s1, $0x11  }
0xbc: {  	s0 =	sor.u32 s1, s0  }
0xbd: {  	s0 =	sadd.s32 $0x8F2B, s0  }
0xbe: {  	[sflag:s0] =	ssyncadd.remote.s32 $0x1  }
0xbf: {  	_ =	sfence.sel $0xFFFF  }
0xc0: {  	[dreg:$0x0] =	wrdreg $0xFFFFFFFF;
	(pc) =	sbr.abs _section_cstart, $3  }
0xc1: {  	[dreg:$0x1] =	wrdreg $0xFFFFFFFF  }
0xc2: {  	_ =	task.clear_ibuf [dreg:s7], $0x2FFFF;
	_ =	strace $0x9FFFFFFF  }
0xc3: {  	(tm) =	ssettm $0x7FFFFFFF  }
tec
execute0_lowered:
.L_overlay_start_1:
0x0: {  	(tag) =	ssettag $0x1  }
0x1: {  	s6 =	rddreg [dreg:$0x0]  }
0x2: {  	s4 =	rddreg [dreg:$0x1]  }
0x3: {  	s1 =	rddreg [dreg:$0x2]  }
0x4: {  	s0 =	rddreg [dreg:$0x3];
	s3 =	srdreg.scid  }
0x5: {  	s2 =	simm.s32 $0x0;
	s5 =	sand.u32 $0x1, s3;
	s3 =	stileid.u32  }
0x6: {  	[smem:$0x7FF] =	sst s2;
	s15 =	sadd.s32 $0x4200, s4;
	s8 =	smul.u32 $0x4F000, s3  }
0x7: {  	_ =	strace $0x80000047;
	s7 =	ssub.s32 $0x2, s5;
	s13 =	smul.u32 $0x13C00, s3  }
0x8: {  	s22 =	sshll.u32 s5, $0x4;
	s14 =	smul.u32 $0x13C000, s5;
	s21 =	sshrl.u32 s7, $0x1  }
0x9: {  	s23 =	sor.u32 s3, s22;
	s9 =	ssub.s32 s7, s21;
	s24 =	sshrl.u32 s8, $0x2  }
0xa: {  	s25 =	sadd.s32 $0x10000, s13;
	s7 =	smul.u32 $0x500, s23;
	s10 =	sadd.s32 s14, s13  }
0xb: {  	s16 =	sadd.s32 $0x4000, s13;
	s18 =	sadd.s32 $0x8000, s13;
	s20 =	sadd.s32 $0xC000, s13  }
0xc: {  	s4 =	sadd.s32 s24, s1;
	s5 =	sadd.s32 s25, s1;
	s8 =	sadd.s32 s14, s25  }
0xd: {  	s28 =	sshrl.u32 s10, $0x3;
	s9 =	smax.u32 s9, $0x1;
	s17 =	sadd.s32 s14, s16  }
0xe: {  	s19 =	sadd.s32 s14, s18;
	s30 =	sadd.s32 s14, s20;
	s21 =	sadd.s32 s16, s1  }
0xf: {  	s22 =	sadd.s32 s18, s1;
	s23 =	sadd.s32 s20, s1;
	s16 =	simm.s32 $0x2800  }
0x10: {  	s18 =	simm.s32 $0x80;
	s6 =	sadd.s32 s6, s7;
	s26 =	sshrl.u32 s8, $0x3  }
0x11: {  	s8 =	sadd.s32 s15, s28;
	s10 =	sadd.s32 $0x4000, s4;
	s11 =	sadd.s32 $0x8000, s4  }
0x12: {  	s12 =	sadd.s32 $0xC000, s4;
	s17 =	sshrl.u32 s17, $0x3;
	s29 =	sshrl.u32 s19, $0x3  }
0x13: {  	s31 =	sshrl.u32 s30, $0x3;
	s19 =	sshrl.u32 s21, $0x3;
	s20 =	sshrl.u32 s22, $0x3  }
0x14: {  	s21 =	sshrl.u32 s23, $0x3;
	s7 =	sadd.s32 s15, s26;
	s13 =	sadd.s32 s15, s17  }
0x15: {  	v0 =	vimm.f32 $0.0e+00;
	v1 =	vimm.f32 $1.000000000e+00;
	s14 =	sadd.s32 s15, s29;
	s15 =	sadd.s32 s15, s31;
	s17 =	simm.s32 $0x1  }
.LBB2_1:
0x16: {  	s22 =	simm.s32 $0x0;
	s23 =	simm.s32 $0x200  }
.LBB2_2:
0x17: {  	p0 =	sne.s32 s23, $0xFE00;
	[tilespmem:s22+$0x2870] =	vst v0  }
0x18: {  	[tilespmem:s22+$0x2800] =	vst v0  }
0x19: {  	[tilespmem:s22+$0x2810] =	vst v0  }
.Ltmp0:
0x1a: {  	[tilespmem:s22+$0x2820] =	vst v0;
	(pc) =	sbr.rel @p0 .LBB2_2-.Ltmp0, $4  }
0x1b: {  	[tilespmem:s22+$0x2830] =	vst v0  }
0x1c: {  	[tilespmem:s22+$0x2840] =	vst v0  }
0x1d: {  	[tilespmem:s22+$0x2850] =	vst v0  }
0x1e: {  	[tilespmem:s22+$0x2860] =	vst v0;
	s22 =	sshra.s32 s23, $0x2;
	s23 =	sadd.s32 $0x200, s23  }
0x1f: {  	[tilespmem:s22+$0x2870] =	vst v0  }
0x20: {  	[tilespmem:s22+$0x2800] =	vst v0  }
0x21: {  	[tilespmem:s22+$0x2810] =	vst v0  }
0x22: {  	[tilespmem:s22+$0x2820] =	vst v0  }
0x23: {  	[tilespmem:s22+$0x2830] =	vst v0  }
0x24: {  	[tilespmem:s22+$0x2840] =	vst v0  }
0x25: {  	[tilespmem:s22+$0x2850] =	vst v0  }
0x26: {  	[tilespmem:s22+$0x2860] =	vst v0  }
0x27: {  	[spmem:s4] =	stream.linear.scatter [tilespmem:s16], [sflag:$0x1], $0x4000, $0x38;
	[tilespmem:$0x1A400] =	vst v63  }
0x28: {  	_ =	swait.ge [sflag:s17], $0x4000  }
0x29: {  	[sflag:s17] =	ssyncset.done $0x0  }
0x2a: {  	[sflag:s17] =	ssyncadd.s32 $0xFFFFC000  }
0x2b: {  	[spmem:s10] =	stream.linear.scatter [tilespmem:s16], [sflag:$0x1], $0x4000, $0x38;
	[tilespmem:$0x1A400] =	vst v63  }
0x2c: {  	_ =	swait.ge [sflag:s17], $0x4000  }
0x2d: {  	[sflag:s17] =	ssyncset.done $0x0  }
0x2e: {  	[sflag:s17] =	ssyncadd.s32 $0xFFFFC000  }
0x2f: {  	[spmem:s11] =	stream.linear.scatter [tilespmem:s16], [sflag:$0x1], $0x4000, $0x38;
	[tilespmem:$0x1A400] =	vst v63  }
0x30: {  	_ =	swait.ge [sflag:s17], $0x4000  }
0x31: {  	[sflag:s17] =	ssyncset.done $0x0  }
0x32: {  	[sflag:s17] =	ssyncadd.s32 $0xFFFFC000  }
0x33: {  	[spmem:s12] =	stream.linear.scatter [tilespmem:s16], [sflag:$0x1], $0x4000, $0x38;
	[tilespmem:$0x1A400] =	vst v63  }
0x34: {  	_ =	swait.ge [sflag:s17], $0x4000  }
0x35: {  	[sflag:s17] =	ssyncset.done $0x0  }
0x36: {  	[sflag:s17] =	ssyncadd.s32 $0xFFFFC000  }
0x37: {  	[spmem:s5] =	stream.linear.scatter [tilespmem:s16], [sflag:$0x1], $0x3C00, $0x38;
	[tilespmem:$0x1A400] =	vst v63  }
0x38: {  	_ =	swait.ge [sflag:s17], $0x3C00  }
0x39: {  	[sflag:s17] =	ssyncset.done $0x0  }
0x3a: {  	s22 =	simm.s32 $0x0;
	s23 =	simm.s32 $0x200;
	[sflag:s17] =	ssyncadd.s32 $0xFFFFC400  }
.LBB2_4:
0x3b: {  	p0 =	sne.s32 s23, $0xFE00;
	[tilespmem:s22+$0x2870] =	vst v1  }
0x3c: {  	[tilespmem:s22+$0x2800] =	vst v1  }
0x3d: {  	[tilespmem:s22+$0x2810] =	vst v1  }
.Ltmp1:
0x3e: {  	[tilespmem:s22+$0x2820] =	vst v1;
	(pc) =	sbr.rel @p0 .LBB2_4-.Ltmp1, $4  }
0x3f: {  	[tilespmem:s22+$0x2830] =	vst v1  }
0x40: {  	[tilespmem:s22+$0x2840] =	vst v1  }
0x41: {  	[tilespmem:s22+$0x2850] =	vst v1  }
0x42: {  	[tilespmem:s22+$0x2860] =	vst v1;
	s22 =	sshra.s32 s23, $0x2;
	s23 =	sadd.s32 $0x200, s23  }
0x43: {  	[tilespmem:s22+$0x2870] =	vst v1  }
0x44: {  	[tilespmem:s22+$0x2800] =	vst v1  }
0x45: {  	[tilespmem:s22+$0x2810] =	vst v1  }
0x46: {  	[tilespmem:s22+$0x2820] =	vst v1  }
0x47: {  	[tilespmem:s22+$0x2830] =	vst v1  }
0x48: {  	[tilespmem:s22+$0x2840] =	vst v1  }
0x49: {  	[tilespmem:s22+$0x2850] =	vst v1  }
0x4a: {  	[tilespmem:s22+$0x2860] =	vst v1;
	s30 =	simm.s32 $0x0  }
0x4b: {  	[tilespmem:s30], [sflag:$0x1] =	stream.linear.gather [hbm4b:s6+s30], $0x2780, $0x38;
	[tilespmem:$0x1A400] =	vst v63  }
0x4c: {  	_ =	swait.ge [sflag:s17], $0x2780  }
0x4d: {  	[sflag:s17] =	ssyncset.done $0x0  }
0x4e: {  	[sflag:s17] =	ssyncadd.s32 $0xFFFFD880  }
0x4f: {  	s31 =	simm.s32 $0x0;
	[bflag:$0x0] =	sbarrier.arrive $0xFFFF  }
0x50: {  	[spmem:s1] =	stream.indirect.scatter.add.f32 [tilespmem:s16], [sflag:$0x1], $0x80, s31, s18, $0xb8;
	[tilespmem:$0x1A400] =	vst v63  }
0x51: {  	_ =	swait.ge [sflag:s17], $0x4000  }
0x52: {  	s22 =	simm.s32 $0x200;
	[sflag:s17] =	ssyncset.done $0x0  }
.LBB2_6:
0x53: {  	s23 =	sshra.s32 s22, $0x2;
	[sflag:s17] =	ssyncadd.s32 $0xFFFFC000;
	p0 =	sne.s32 s22, $0x9C00  }
0x54: {  	[spmem:s1] =	stream.indirect.scatter.add.f32 [tilespmem:s16], [sflag:$0x1], $0x80, s23, s18, $0xb8;
	[tilespmem:$0x1A400] =	vst v63  }
.Ltmp2:
0x55: {  	_ = 	snop;
	(pc) =	sbr.rel @p0 .LBB2_6-.Ltmp2, $4  }
0x56: {  	_ = 	snop  }
0x57: {  	s22 =	sadd.s32 $0x200, s22  }
0x58: {  	_ =	swait.ge [sflag:s17], $0x4000  }
0x59: {  	[sflag:s17] =	ssyncset.done $0x0  }
0x5a: {  	[sflag:s17] =	ssyncadd.s32 $0xFFFFC000;
	s22 =	sshll.u32 s3, $0x6  }
0x5b: {  	s23 =	sshrl.u32 s4, $0x3;
	[bflag:$0x0] =	sbarrier.arrive $0xFFFF;
	s22 =	sor.u32 $0x1C01, s22  }
0x5c: {  	[hbm:s8], [sflag:s22] =	dma.local [spmem:s23], $0x800  }
0x5d: {  	_ =	swait.ge [sflag:s17], $0x800  }
0x5e: {  	[sflag:s17] =	ssyncset.done $0x0  }
0x5f: {  	[sflag:s17] =	ssyncadd.s32 $0xFFFFF800  }
0x60: {  	[hbm:s13], [sflag:s22] =	dma.local [spmem:s19], $0x800  }
0x61: {  	_ =	swait.ge [sflag:s17], $0x800  }
0x62: {  	[sflag:s17] =	ssyncset.done $0x0  }
0x63: {  	[sflag:s17] =	ssyncadd.s32 $0xFFFFF800  }
0x64: {  	[hbm:s14], [sflag:s22] =	dma.local [spmem:s20], $0x800  }
0x65: {  	_ =	swait.ge [sflag:s17], $0x800  }
0x66: {  	[sflag:s17] =	ssyncset.done $0x0  }
0x67: {  	[sflag:s17] =	ssyncadd.s32 $0xFFFFF800  }
0x68: {  	[hbm:s15], [sflag:s22] =	dma.local [spmem:s21], $0x800  }
0x69: {  	s2 =	sadd.s32 $0x1, s2;
	_ =	swait.ge [sflag:s17], $0x800  }
0x6a: {  	p0 =	sne.s32 s2, s9;
	[sflag:s17] =	ssyncset.done $0x0  }
.Ltmp3:
0x6b: {  	s31 =	sshrl.u32 s5, $0x3;
	[sflag:s17] =	ssyncadd.s32 $0xFFFFF800;
	(pc) =	sbr.rel @p0 .LBB2_1-.Ltmp3, $4  }
0x6c: {  	[hbm:s7], [sflag:s22] =	dma.local [spmem:s31], $0x780  }
0x6d: {  	_ =	swait.ge [sflag:s17], $0x780  }
0x6e: {  	[sflag:s17] =	ssyncset.done $0x0  }
0x6f: {  	[sflag:s17] =	ssyncadd.s32 $0xFFFFF880  }
0x70: {  	_ =	sfence.sel $0x180000  }
0x71: {  	[bflag:$0x0] =	sbarrier.arrive $0xFFFF  }
0x72: {  	p0 =	sne.s32 s3, $0x0;
	_ =	strace $0x90000047  }
0x73: {  	s0 =	sadd.s32 @!p0 $0x100000, s0;
	[bflag:$0x2] =	sbarrier.arrive $0xFFFF  }
0x74: {  	[sflag:s0] =	ssyncadd.tile.s32 @!p0 $0x1;
	_ =	shalt  }
.Lfunc_end2:
_tile_overlayer_lowered:
.L_overlay_start_2:
0x75: {  	(tag) =	ssettag $0x2  }
0x76: {  	s0 =	rddreg [dreg:$0x0];
	s2 =	stileid.u32  }
0x77: {  	s1 =	rddreg [dreg:$0x1];
	p0 =	sne.s32 s2, $0x0  }
0x78: {  	s3 =	rddreg [dreg:$0x2];
	[bflag:$0x3] =	sbarrier.arrive $0xFFFF;
	s2 =	simm.s32 @!p0 $0x1C01  }
0x79: {  	[timem:s3], [sflag:s2] =	dma.local @!p0 [hbm:s0], s1  }
0x7a: {  	s0 =	simm.s32 @!p0 $0x1  }
0x7b: {  	_ =	swait.ge @!p0 [sflag:s0], s1  }
0x7c: {  	s1 =	ssub.s32 @!p0 $0x0, s1;
	[sflag:s0] =	ssyncset.done @!p0 $0x0  }
0x7d: {  	[sflag:s0] =	ssyncadd.s32 @!p0 s1  }
0x7e: {  	[bflag:$0x3] =	sbarrier.arrive $0xFFFF  }
0x7f: {  	_ =	shalt  }

// kernel: kernel.14.cloned.1.call-start
scs
__scs_entry_jumppad:
0x0: {  	(pc) =	sbr.rel $0x88, $3  }
0x1: {  	(tag) =	ssettag $0x0;
	lr =	simm.s32 $0x1  }
0x2: {  	[smem:$0x3F99] =	sst lr;
	_ =	strace $0xD0000000  }
0x3: {  	_ = 	snop  }
0x4: {  	_ = 	snop  }
0x5: {  	_ = 	snop  }
0x6: {  	_ = 	snop  }
0x7: {  	_ = 	snop  }
__scs_overlays_trampoline_lowered:
0x8: {  	[smem:$0x3FA8] =	sst s0  }
0x9: {  	[smem:$0x3FA9] =	sst s1  }
0xa: {  	[smem:$0x3FAA] =	sst s2  }
0xb: {  	[smem:$0x3FAB] =	sst s3  }
0xc: {  	[smem:$0x3FAC] =	sst s4  }
0xd: {  	[smem:$0x3FAD] =	sst s5  }
0xe: {  	[smem:$0x3FAE] =	sst s6  }
0xf: {  	[smem:$0x3FAF] =	sst s7  }
0x10: {  	[smem:$0x3FB0] =	sst s8  }
0x11: {  	[smem:$0x3FB1] =	sst s9;
	s0 =	simm.s32 @!p0 $0x0  }
0x12: {  	s1 =	sld [smem:$0x3F97];
	s0 =	simm.s32 @p0 $0x1  }
0x13: {  	[smem:$0x3FB2] =	sst s0;
	s0 =	simm.s32 @!p1 $0x0  }
0x14: {  	s2 =	sld [smem:$0x3F96];
	s0 =	simm.s32 @p1 $0x1  }
0x15: {  	[smem:$0x3FB3] =	sst s0;
	s0 =	simm.s32 @!p2 $0x0  }
0x16: {  	s3 =	sld [smem:$0x3FDB];
	s0 =	simm.s32 @p2 $0x1  }
0x17: {  	s4 =	simm.s32 $0x1BF5;
	[smem:$0x3FB5] =	sst s0  }
0x18: {  	s0 =	sld [smem:$0x3F98];
	_ =	swait.ge [sflag:s4], $0x0  }
0x19: {  	s7 =	sld [smem:$0x3F99]  }
0x1a: {  	s8 =	sadd.s32 $0xFFFFE003, lr  }
0x1b: {  	s9 =	sadd.s32 $0xFFFFFEF7, lr;
	s5 =	simm.s32 $0xFFFFFFFF;
	p2 =	slt.u32 s8, $0xFFFFF086  }
0x1c: {  	p1 =	slt.u32 s9, $0xF7A;
	s5 =	simm.s32 @!p2 $0x0  }
0x1d: {  	s5 =	simm.s32 @p1 $0x1;
	p0 =	seq.s32 s7, s2  }
0x1e: {  	s7 =	smul.u32 @!p0 $0xF7A, s2;
	p2 =	seq.s32 @!p0 s5, $0x0  }
0x1f: {  	s9 =	smul.u32 $0xF7A, s1;
	s8 =	simm.s32 @!p0 $0x1BF5;
	p2 =	por !p2, p0  }
0x20: {  	[sflag:s8] =	ssyncset.s32 @!p0 $0xFFFFF086;
	s6 =	sadd.s32 @!p0 s3, s7;
	s7 =	simm.s32 @!p0 $0x108  }
0x21: {  	s3 =	sadd.s32 s3, s9;
	s6 =	sadd.s32 @!p0 $0x88, s6;
	s7 =	simm.s32 @p2 $0x1082  }
0x22: {  	[simem:s7], [sflag:s8] =	dma.local @!p0 [hbm:s6], $0xF7A  }
0x23: {  	s9 =	sor.u32 $0xD0000000, s2;
	s6 =	simm.s32 $0x108;
	_ =	swait.ge @!p0 [sflag:s8], $0x0  }
0x24: {  	s3 =	sadd.s32 $0x88, s3;
	s6 =	simm.s32 @!p1 $0x1082;
	[sflag:s4] =	ssyncset.s32 $0xFFFFF086  }
0x25: {  	[simem:s6], [sflag:s4] =	dma.local [hbm:s3], $0xF7A  }
0x26: {  	[smem:$0x3F99] =	sst s1;
	(tag) =	ssettag s2;
	_ =	strace s9  }
0x27: {  	s1 =	sld [smem:$0x3FA9]  }
0x28: {  	s2 =	sld [smem:$0x3FAA]  }
0x29: {  	s4 =	sld [smem:$0x3FAC]  }
0x2a: {  	p0 =	seq.s32 s5, $0x0;
	s5 =	sld [smem:$0x3FAD]  }
0x2b: {  	s6 =	sld [smem:$0x3FAE]  }
0x2c: {  	s7 =	sld [smem:$0x3FAF]  }
0x2d: {  	s3 =	simm.s32 $0x108;
	s8 =	sld [smem:$0x3FB0]  }
0x2e: {  	s3 =	simm.s32 @!p0 $0x1082;
	s9 =	sld [smem:$0x3FB1]  }
0x2f: {  	lr =	sadd.s32 s0, s3;
	s0 =	sld [smem:$0x3FA8]  }
0x30: {  	s3 =	sld [smem:$0x3FAB]  }
0x31: {  	[smem:$0x3FB4] =	sst s10  }
0x32: {  	s10 =	sld [smem:$0x3FB2];
	_ =	sdelay $0x3  }
0x33: {  	p0 =	seq.s32 s10, $0x1;
	s10 =	sld [smem:$0x3FB4];
	_ =	sdelay $0x3  }
0x34: {  	[smem:$0x3FB4] =	sst s10  }
0x35: {  	s10 =	sld [smem:$0x3FB3];
	_ =	sdelay $0x3  }
0x36: {  	p1 =	seq.s32 s10, $0x1;
	s10 =	sld [smem:$0x3FB4];
	_ =	sdelay $0x3  }
0x37: {  	[smem:$0x3FB4] =	sst s10  }
0x38: {  	s10 =	sld [smem:$0x3FB5]  }
0x39: {  	_ = 	snop;
	(pc) =	sbr.ind lr, $3  }
0x3a: {  	_ = 	snop  }
0x3b: {  	_ = 	snop  }
0x3c: {  	p2 =	seq.s32 s10, $0x1;
	s10 =	sld [smem:$0x3FB4]  }
0x3d: {  	_ =	shalt  }
0x3e: {  	_ =	shalt  }
0x3f: {  	_ =	shalt  }
0x40: {  	_ =	shalt  }
0x41: {  	_ =	shalt  }
0x42: {  	_ =	shalt  }
0x43: {  	_ =	shalt  }
0x44: {  	_ =	shalt  }
0x45: {  	_ =	shalt  }
0x46: {  	_ =	shalt  }
0x47: {  	_ =	shalt  }
0x48: {  	_ =	shalt  }
0x49: {  	_ =	shalt  }
0x4a: {  	_ =	shalt  }
0x4b: {  	_ =	shalt  }
0x4c: {  	_ =	shalt  }
0x4d: {  	_ =	shalt  }
0x4e: {  	_ =	shalt  }
0x4f: {  	_ =	shalt  }
0x50: {  	_ =	shalt  }
0x51: {  	_ =	shalt  }
0x52: {  	_ =	shalt  }
0x53: {  	_ =	shalt  }
0x54: {  	_ =	shalt  }
0x55: {  	_ =	shalt  }
0x56: {  	_ =	shalt  }
0x57: {  	_ =	shalt  }
0x58: {  	_ =	shalt  }
0x59: {  	_ =	shalt  }
0x5a: {  	_ =	shalt  }
0x5b: {  	_ =	shalt  }
0x5c: {  	_ =	shalt  }
0x5d: {  	_ =	shalt  }
0x5e: {  	_ =	shalt  }
0x5f: {  	_ =	shalt  }
0x60: {  	_ =	shalt  }
0x61: {  	_ =	shalt  }
0x62: {  	_ =	shalt  }
0x63: {  	_ =	shalt  }
0x64: {  	_ =	shalt  }
0x65: {  	_ =	shalt  }
0x66: {  	_ =	shalt  }
0x67: {  	_ =	shalt  }
0x68: {  	_ =	shalt  }
0x69: {  	_ =	shalt  }
0x6a: {  	_ =	shalt  }
0x6b: {  	_ =	shalt  }
0x6c: {  	_ =	shalt  }
0x6d: {  	_ =	shalt  }
0x6e: {  	_ =	shalt  }
0x6f: {  	_ =	shalt  }
0x70: {  	_ =	shalt  }
0x71: {  	_ =	shalt  }
0x72: {  	_ =	shalt  }
0x73: {  	_ =	shalt  }
0x74: {  	_ =	shalt  }
0x75: {  	_ =	shalt  }
0x76: {  	_ =	shalt  }
0x77: {  	_ =	shalt  }
0x78: {  	_ =	shalt  }
0x79: {  	_ =	shalt  }
0x7a: {  	_ =	shalt  }
0x7b: {  	_ =	shalt  }
0x7c: {  	_ =	shalt  }
0x7d: {  	_ =	shalt  }
0x7e: {  	_ =	shalt  }
0x7f: {  	_ =	shalt  }
0x80: {  	_ =	shalt  }
0x81: {  	_ =	shalt  }
0x82: {  	_ =	shalt  }
0x83: {  	_ =	shalt  }
0x84: {  	_ =	shalt  }
0x85: {  	_ =	shalt  }
0x86: {  	_ =	shalt  }
0x87: {  	_ =	shalt  }
.Lfunc_end0:
.L_simem_size_0:
called_computation.1_lowered:
.L_overlay_start_0:
0x88: {  	s2 =	sld [smem:$0x3FD9]  }
0x89: {  	s3 =	sld [smem:$0x3FFE];
	_ =	sdelay $0x1  }
0x8a: {  	s1 =	srdreg.scid  }
0x8b: {  	s0 =	sand.u32 $0x1, s1  }
0x8c: {  	s17 =	sshll.u32 s0, $0xA;
	s2 =	sadd.s32 s3, s2  }
0x8d: {  	s2 =	sadd.s32 s2, s17  }
0x8e: {  	[smem:$0x3FC0] =	sst s2  }
0x8f: {  	_ = 	snop  }
0x90: {  	s2 =	sld [smem:$0x3FD0];
	(tm) =	ssettm $0x1  }
0x91: {  	s18 =	sld [smem:$0x3FFB];
	_ =	sdelay $0x3  }
0x92: {  	_ =	strace s18  }
0x93: {  	s3 =	sld [smem:$0x3FFC];
	_ =	sdelay $0x3  }
0x94: {  	_ =	strace s3  }
0x95: {  	s3 =	sld [smem:$0x3FFD];
	_ =	sdelay $0x3  }
0x96: {  	_ =	strace s3  }
0x97: {  	_ =	strace $0x8FFFFFFF  }
0x98: {  	s19 =	sld [smem:$0x3FDB];
	_ =	sdelay $0x1  }
0x99: {  	s4 =	simm.s32 $_scs_section_size  }
0x9a: {  	s5 =	simm.s32 $_size__tile_overlayer_lowered;
	s6 =	simm.s32 $_tile_overlayer_lowered  }
0x9b: {  	s22 =	simm.s32 $0x1BFF;
	s21 =	sshll.u32 s6, $0x1;
	s3 =	sadd.s32 s4, s19  }
0x9c: {  	s7 =	simm.s32 $0x0;
	s20 =	sshll.u32 s5, $0x1;
	s5 =	sadd.s32 s21, s3  }
0x9d: {  	[timem:s7], [sflag:s22] =	dma.local [hbm:s5], s20  }
0x9e: {  	_ =	swait.ge [sflag:s22], s20  }
0x9f: {  	s4 =	ssub.s32 $0x0, s20;
	[sflag:s22] =	ssyncset.done $0x0  }
0xa0: {  	[sflag:s22] =	ssyncadd.s32 s4;
	_ =	sdelay $0x1  }
0xa1: {  	s23 =	simm.s32 $0x1B8B  }
0xa2: {  	_ =	swait.ge [sflag:s23], $0x1  }
0xa3: {  	[sflag:s23] =	ssyncset.done $0x0  }
0xa4: {  	s25 =	simm.s32 $0x1B8E;
	s24 =	sld [smem:$0x3FFE];
	[sflag:s23] =	ssyncadd.s32 $0xFFFFFFFF  }
0xa5: {  	s26 =	simm.s32 $execute0_lowered;
	[smem:$0x3FD2] =	sst s25  }
0xa6: {  	s5 =	sshll.u32 s26, $0x1;
	_ =	strace $0x80000049;
	[dreg:$0x1] =	wrdreg $0xFFFFFFFF  }
0xa7: {  	s28 =	simm.s32 $_size_execute0_lowered;
	s3 =	sadd.s32 s3, s5;
	[dreg:$0x0] =	wrdreg $0x0  }
0xa8: {  	s5 =	sshll.u32 s28, $0x1;
	[dreg:$0x2] =	wrdreg s3  }
0xa9: {  	[dreg:$0x3] =	wrdreg s5  }
0xaa: {  	[dreg:$0x4] =	wrdreg $0xC0  }
0xab: {  	_ =	task [dreg:s7], $0x5FFFF  }
0xac: {  	[dreg:$0x1] =	wrdreg $0xFFFFFFFF  }
0xad: {  	[dreg:$0x0] =	wrdreg $0x60  }
0xae: {  	[dreg:$0x2] =	wrdreg s24  }
0xaf: {  	[dreg:$0x3] =	wrdreg s2  }
0xb0: {  	[dreg:$0x4] =	wrdreg $0x90000  }
0xb1: {  	[dreg:$0x5] =	wrdreg $0x9  }
0xb2: {  	_ =	task.clear_ibuf [dreg:s7], $0x6FFFF;
	_ =	strace $0x90000049  }
0xb3: {  	s29 =	simm.s32 $0x9;
	_ =	strace $0x8000004B  }
0xb4: {  	_ =	swait.ge [sflag:s29], $0x1  }
0xb5: {  	[sflag:s29] =	ssyncadd.s32 $0xFFFFFFFF  }
0xb6: {  	_ =	strace $0x9000004B  }
0xb7: {  	_ =	sfence  }
0xb8: {  	s30 =	sld [smem:$0x0];
	_ =	sdelay $0x2  }
0xb9: {  	s31 =	sshll.u32 s1, $0xD;
	s1 =	sshrl.u32 s1, $0x2  }
0xba: {  	s3 =	sand.u32 $0x4000, s31;
	s1 =	sadd.s32 s1, s30  }
0xbb: {  	s0 =	sor.u32 s3, s0;
	s1 =	sshll.u32 s1, $0x11  }
0xbc: {  	s0 =	sor.u32 s1, s0  }
0xbd: {  	s0 =	sadd.s32 $0x8F2B, s0  }
0xbe: {  	[sflag:s0] =	ssyncadd.remote.s32 $0x1  }
0xbf: {  	_ =	sfence.sel $0xFFFF  }
0xc0: {  	[dreg:$0x0] =	wrdreg $0xFFFFFFFF;
	(pc) =	sbr.abs _section_cstart, $3  }
0xc1: {  	[dreg:$0x1] =	wrdreg $0xFFFFFFFF  }
0xc2: {  	_ =	task.clear_ibuf [dreg:s7], $0x2FFFF;
	_ =	strace $0x9FFFFFFF  }
0xc3: {  	(tm) =	ssettm $0x7FFFFFFF  }
tec
execute0_lowered:
.L_overlay_start_1:
0x0: {  	(tag) =	ssettag $0x1  }
0x1: {  	s5 =	rddreg [dreg:$0x0]  }
0x2: {  	s0 =	srdreg.scid;
	s8 =	rddreg [dreg:$0x1]  }
0x3: {  	s2 =	rddreg [dreg:$0x2];
	s1 =	stileid.u32;
	s3 =	simm.s32 $0x0  }
0x4: {  	s6 =	sand.u32 $0x1, s0;
	s0 =	rddreg [dreg:$0x3];
	s7 =	smul.u32 $0x4F000, s1  }
0x5: {  	[smem:$0x7FF] =	sst s3;
	s16 =	smul.u32 $0x13C00, s1;
	s17 =	sadd.s32 $0x5D200, s5  }
0x6: {  	s4 =	sshll.u32 s6, $0x4;
	_ =	strace $0x8000004A;
	s11 =	ssub.s32 $0x2, s6  }
0x7: {  	s18 =	smul.u32 $0x13C000, s6;
	s4 =	sor.u32 s1, s4;
	s24 =	sshrl.u32 s11, $0x1  }
0x8: {  	s25 =	sshrl.u32 s7, $0x2;
	s26 =	sadd.s32 $0x10000, s16;
	s19 =	sadd.s32 $0x4000, s16  }
0x9: {  	s20 =	sadd.s32 $0x8000, s16;
	s22 =	sadd.s32 $0xC000, s16;
	s9 =	smul.u32 $0x500, s4  }
0xa: {  	s4 =	sadd.s32 $0x4200, s5;
	s11 =	ssub.s32 s11, s24;
	s6 =	sadd.s32 s26, s2  }
0xb: {  	s12 =	sadd.s32 s18, s26;
	s29 =	sadd.s32 s18, s16;
	s15 =	sadd.s32 s18, s19  }
0xc: {  	s21 =	sadd.s32 s18, s20;
	s23 =	sadd.s32 s19, s2;
	s18 =	sadd.s32 s18, s22  }
0xd: {  	s24 =	sadd.s32 s20, s2;
	s19 =	simm.s32 $0x1;
	s20 =	simm.s32 $0x2800  }
0xe: {  	s28 =	sshrl.u32 s12, $0x3;
	s30 =	sshrl.u32 s29, $0x3;
	s11 =	smax.u32 s11, $0x1  }
0xf: {  	s15 =	sshrl.u32 s15, $0x3;
	s31 =	sshrl.u32 s21, $0x3;
	s18 =	sshrl.u32 s18, $0x3  }
0x10: {  	s21 =	simm.s32 $0x80;
	s10 =	sadd.s32 s9, s5;
	s5 =	sadd.s32 s25, s2  }
0x11: {  	s8 =	sadd.s32 s8, s9;
	s9 =	sadd.s32 s17, s28;
	s15 =	sadd.s32 s17, s15  }
0x12: {  	s16 =	sadd.s32 s17, s31;
	s25 =	sadd.s32 s22, s2;
	s22 =	sshrl.u32 s23, $0x3  }
0x13: {  	s23 =	sshrl.u32 s24, $0x3;
	s7 =	sadd.s32 $0x53200, s10;
	s10 =	sadd.s32 s17, s30  }
0x14: {  	s12 =	sadd.s32 $0x4000, s5;
	s13 =	sadd.s32 $0x8000, s5;
	s14 =	sadd.s32 $0xC000, s5  }
0x15: {  	v0 =	vimm.f32 $0.0e+00;
	s17 =	sadd.s32 s17, s18;
	s18 =	simm.s32 $0x5000;
	s24 =	sshrl.u32 s25, $0x3  }
.LBB2_1:
0x16: {  	s25 =	simm.s32 $0x0;
	s26 =	simm.s32 $0x200  }
.LBB2_2:
0x17: {  	p0 =	sne.s32 s26, $0xFE00;
	[tilespmem:s25+$0x5070] =	vst v0  }
0x18: {  	[tilespmem:s25+$0x5000] =	vst v0  }
0x19: {  	[tilespmem:s25+$0x5010] =	vst v0  }
.Ltmp0:
0x1a: {  	[tilespmem:s25+$0x5020] =	vst v0;
	(pc) =	sbr.rel @p0 .LBB2_2-.Ltmp0, $4  }
0x1b: {  	[tilespmem:s25+$0x5030] =	vst v0  }
0x1c: {  	[tilespmem:s25+$0x5040] =	vst v0  }
0x1d: {  	[tilespmem:s25+$0x5050] =	vst v0  }
0x1e: {  	[tilespmem:s25+$0x5060] =	vst v0;
	s25 =	sshra.s32 s26, $0x2;
	s26 =	sadd.s32 $0x200, s26  }
0x1f: {  	[tilespmem:s25+$0x5070] =	vst v0  }
0x20: {  	[tilespmem:s25+$0x5000] =	vst v0  }
0x21: {  	[tilespmem:s25+$0x5010] =	vst v0  }
0x22: {  	[tilespmem:s25+$0x5020] =	vst v0  }
0x23: {  	[tilespmem:s25+$0x5030] =	vst v0  }
0x24: {  	[tilespmem:s25+$0x5040] =	vst v0  }
0x25: {  	[tilespmem:s25+$0x5050] =	vst v0  }
0x26: {  	[tilespmem:s25+$0x5060] =	vst v0  }
0x27: {  	[spmem:s5] =	stream.linear.scatter [tilespmem:s18], [sflag:$0x1], $0x4000, $0x38;
	[tilespmem:$0x1CC00] =	vst v63  }
0x28: {  	_ =	swait.ge [sflag:s19], $0x4000  }
0x29: {  	[sflag:s19] =	ssyncset.done $0x0  }
0x2a: {  	[sflag:s19] =	ssyncadd.s32 $0xFFFFC000  }
0x2b: {  	[spmem:s12] =	stream.linear.scatter [tilespmem:s18], [sflag:$0x1], $0x4000, $0x38;
	[tilespmem:$0x1CC00] =	vst v63  }
0x2c: {  	_ =	swait.ge [sflag:s19], $0x4000  }
0x2d: {  	[sflag:s19] =	ssyncset.done $0x0  }
0x2e: {  	[sflag:s19] =	ssyncadd.s32 $0xFFFFC000  }
0x2f: {  	[spmem:s13] =	stream.linear.scatter [tilespmem:s18], [sflag:$0x1], $0x4000, $0x38;
	[tilespmem:$0x1CC00] =	vst v63  }
0x30: {  	_ =	swait.ge [sflag:s19], $0x4000  }
0x31: {  	[sflag:s19] =	ssyncset.done $0x0  }
0x32: {  	[sflag:s19] =	ssyncadd.s32 $0xFFFFC000  }
0x33: {  	[spmem:s14] =	stream.linear.scatter [tilespmem:s18], [sflag:$0x1], $0x4000, $0x38;
	[tilespmem:$0x1CC00] =	vst v63  }
0x34: {  	_ =	swait.ge [sflag:s19], $0x4000  }
0x35: {  	[sflag:s19] =	ssyncset.done $0x0  }
0x36: {  	[sflag:s19] =	ssyncadd.s32 $0xFFFFC000  }
0x37: {  	[spmem:s6] =	stream.linear.scatter [tilespmem:s18], [sflag:$0x1], $0x3C00, $0x38;
	[tilespmem:$0x1CC00] =	vst v63  }
0x38: {  	_ =	swait.ge [sflag:s19], $0x3C00  }
0x39: {  	[sflag:s19] =	ssyncset.done $0x0  }
0x3a: {  	s29 =	simm.s32 $0x0;
	[sflag:s19] =	ssyncadd.s32 $0xFFFFC400  }
0x3b: {  	[tilespmem:s29], [sflag:$0x1] =	stream.linear.gather [hbm4b:s7+s29], $0x2780, $0x38;
	[tilespmem:$0x1CC00] =	vst v63  }
0x3c: {  	_ =	swait.ge [sflag:s19], $0x2780  }
0x3d: {  	[sflag:s19] =	ssyncset.done $0x0  }
0x3e: {  	[sflag:s19] =	ssyncadd.s32 $0xFFFFD880  }
0x3f: {  	[tilespmem:s20], [sflag:$0x1] =	stream.linear.gather [hbm4b:s8+s29], $0x2780, $0x38;
	[tilespmem:$0x1CC00] =	vst v63  }
0x40: {  	_ =	swait.ge [sflag:s19], $0x2780  }
0x41: {  	[sflag:s19] =	ssyncset.done $0x0  }
0x42: {  	[sflag:s19] =	ssyncadd.s32 $0xFFFFD880  }
0x43: {  	s30 =	simm.s32 $0x0;
	[bflag:$0x0] =	sbarrier.arrive $0xFFFF  }
0x44: {  	[tilespmem:s18], [sflag:$0x1] =	stream.indirect.gather [hbm4b:s4+s21], $0x80, s30, s21, $0xb8;
	[tilespmem:$0x1CC00] =	vst v63  }
0x45: {  	_ =	swait.ge [sflag:s19], $0x4000  }
0x46: {  	[sflag:s19] =	ssyncset.done $0x0  }
0x47: {  	s31 =	simm.s32 $0x2800;
	[sflag:s19] =	ssyncadd.s32 $0xFFFFC000  }
0x48: {  	[spmem:s2] =	stream.indirect.scatter.add.f32 [tilespmem:s18], [sflag:$0x1], $0x80, s31, s21, $0xb8;
	[tilespmem:$0x1CC00] =	vst v63  }
0x49: {  	_ =	swait.ge [sflag:s19], $0x4000  }
0x4a: {  	s25 =	simm.s32 $0x200;
	s26 =	simm.s32 $0x400;
	[sflag:s19] =	ssyncset.done $0x0  }
.LBB2_4:
0x4b: {  	s28 =	sshra.s32 s25, $0x2  }
0x4c: {  	[sflag:s19] =	ssyncadd.s32 $0xFFFFC000;
	s25 =	smov.u32 s26;
	s29 =	sadd.s32 $0x200, s26  }
0x4d: {  	[tilespmem:s18], [sflag:$0x1] =	stream.indirect.gather [hbm4b:s4+s21], $0x80, s28, s21, $0xb8;
	[tilespmem:$0x1CC00] =	vst v63  }
0x4e: {  	p0 =	sne.s32 s26, $0x9C00;
	_ =	swait.ge [sflag:s19], $0x4000  }
.Ltmp1:
0x4f: {  	[sflag:s19] =	ssyncset.done $0x0;
	(pc) =	sbr.rel @p0 .LBB2_4-.Ltmp1, $4  }
0x50: {  	s26 =	sadd.s32 $0x2800, s28;
	[sflag:s19] =	ssyncadd.s32 $0xFFFFC000  }
0x51: {  	[spmem:s2] =	stream.indirect.scatter.add.f32 [tilespmem:s18], [sflag:$0x1], $0x80, s26, s21, $0xb8;
	[tilespmem:$0x1CC00] =	vst v63  }
0x52: {  	_ =	swait.ge [sflag:s19], $0x4000  }
0x53: {  	s26 =	smov.u32 s29;
	[sflag:s19] =	ssyncset.done $0x0  }
0x54: {  	s25 =	sshra.s32 s25, $0x2;
	[sflag:s19] =	ssyncadd.s32 $0xFFFFC000  }
0x55: {  	[tilespmem:s18], [sflag:$0x1] =	stream.indirect.gather [hbm4b:s4+s21], $0x80, s25, s21, $0xb8;
	[tilespmem:$0x1CC00] =	vst v63  }
0x56: {  	_ =	swait.ge [sflag:s19], $0x4000  }
0x57: {  	[sflag:s19] =	ssyncset.done $0x0  }
0x58: {  	s25 =	sadd.s32 $0x2800, s25;
	[sflag:s19] =	ssyncadd.s32 $0xFFFFC000  }
0x59: {  	[spmem:s2] =	stream.indirect.scatter.add.f32 [tilespmem:s18], [sflag:$0x1], $0x80, s25, s21, $0xb8;
	[tilespmem:$0x1CC00] =	vst v63  }
0x5a: {  	_ =	swait.ge [sflag:s19], $0x4000  }
0x5b: {  	[sflag:s19] =	ssyncset.done $0x0  }
0x5c: {  	s30 =	sshll.u32 s1, $0x6;
	[sflag:s19] =	ssyncadd.s32 $0xFFFFC000  }
0x5d: {  	s26 =	sshrl.u32 s5, $0x3;
	s25 =	sor.u32 $0x1C01, s30;
	[bflag:$0x0] =	sbarrier.arrive $0xFFFF  }
0x5e: {  	[hbm:s10], [sflag:s25] =	dma.local [spmem:s26], $0x800  }
0x5f: {  	_ =	swait.ge [sflag:s19], $0x800  }
0x60: {  	[sflag:s19] =	ssyncset.done $0x0  }
0x61: {  	[sflag:s19] =	ssyncadd.s32 $0xFFFFF800  }
0x62: {  	[hbm:s15], [sflag:s25] =	dma.local [spmem:s22], $0x800  }
0x63: {  	_ =	swait.ge [sflag:s19], $0x800  }
0x64: {  	[sflag:s19] =	ssyncset.done $0x0  }
0x65: {  	[sflag:s19] =	ssyncadd.s32 $0xFFFFF800  }
0x66: {  	[hbm:s16], [sflag:s25] =	dma.local [spmem:s23], $0x800  }
0x67: {  	_ =	swait.ge [sflag:s19], $0x800  }
0x68: {  	[sflag:s19] =	ssyncset.done $0x0  }
0x69: {  	[sflag:s19] =	ssyncadd.s32 $0xFFFFF800  }
0x6a: {  	[hbm:s17], [sflag:s25] =	dma.local [spmem:s24], $0x800  }
0x6b: {  	s3 =	sadd.s32 $0x1, s3;
	_ =	swait.ge [sflag:s19], $0x800  }
0x6c: {  	p0 =	sne.s32 s3, s11;
	[sflag:s19] =	ssyncset.done $0x0  }
.Ltmp2:
0x6d: {  	s31 =	sshrl.u32 s6, $0x3;
	[sflag:s19] =	ssyncadd.s32 $0xFFFFF800;
	(pc) =	sbr.rel @p0 .LBB2_1-.Ltmp2, $4  }
0x6e: {  	[hbm:s9], [sflag:s25] =	dma.local [spmem:s31], $0x780  }
0x6f: {  	_ =	swait.ge [sflag:s19], $0x780  }
0x70: {  	[sflag:s19] =	ssyncset.done $0x0  }
0x71: {  	[sflag:s19] =	ssyncadd.s32 $0xFFFFF880  }
0x72: {  	_ =	sfence.sel $0x180000  }
0x73: {  	[bflag:$0x0] =	sbarrier.arrive $0xFFFF  }
0x74: {  	p0 =	sne.s32 s1, $0x0;
	_ =	strace $0x9000004A  }
0x75: {  	s0 =	sadd.s32 @!p0 $0x100000, s0;
	[bflag:$0x2] =	sbarrier.arrive $0xFFFF  }
0x76: {  	[sflag:s0] =	ssyncadd.tile.s32 @!p0 $0x1;
	_ =	shalt  }
.Lfunc_end2:
_tile_overlayer_lowered:
.L_overlay_start_2:
0x77: {  	(tag) =	ssettag $0x2  }
0x78: {  	s0 =	rddreg [dreg:$0x0];
	s2 =	stileid.u32  }
0x79: {  	s1 =	rddreg [dreg:$0x1];
	p0 =	sne.s32 s2, $0x0  }
0x7a: {  	s3 =	rddreg [dreg:$0x2];
	[bflag:$0x3] =	sbarrier.arrive $0xFFFF;
	s2 =	simm.s32 @!p0 $0x1C01  }
0x7b: {  	[timem:s3], [sflag:s2] =	dma.local @!p0 [hbm:s0], s1  }
0x7c: {  	s0 =	simm.s32 @!p0 $0x1  }
0x7d: {  	_ =	swait.ge @!p0 [sflag:s0], s1  }
0x7e: {  	s1 =	ssub.s32 @!p0 $0x0, s1;
	[sflag:s0] =	ssyncset.done @!p0 $0x0  }
0x7f: {  	[sflag:s0] =	ssyncadd.s32 @!p0 s1  }
0x80: {  	[bflag:$0x3] =	sbarrier.arrive $0xFFFF  }
0x81: {  	_ =	shalt  }

// kernel: kernel.17.cloned.1.call-start
scs
__scs_entry_jumppad:
0x0: {  	(pc) =	sbr.rel $0x88, $3  }
0x1: {  	(tag) =	ssettag $0x0;
	lr =	simm.s32 $0x1  }
0x2: {  	[smem:$0x3F99] =	sst lr;
	_ =	strace $0xD0000000  }
0x3: {  	_ = 	snop  }
0x4: {  	_ = 	snop  }
0x5: {  	_ = 	snop  }
0x6: {  	_ = 	snop  }
0x7: {  	_ = 	snop  }
__scs_overlays_trampoline_lowered:
0x8: {  	[smem:$0x3FA8] =	sst s0  }
0x9: {  	[smem:$0x3FA9] =	sst s1  }
0xa: {  	[smem:$0x3FAA] =	sst s2  }
0xb: {  	[smem:$0x3FAB] =	sst s3  }
0xc: {  	[smem:$0x3FAC] =	sst s4  }
0xd: {  	[smem:$0x3FAD] =	sst s5  }
0xe: {  	[smem:$0x3FAE] =	sst s6  }
0xf: {  	[smem:$0x3FAF] =	sst s7  }
0x10: {  	[smem:$0x3FB0] =	sst s8  }
0x11: {  	[smem:$0x3FB1] =	sst s9;
	s0 =	simm.s32 @!p0 $0x0  }
0x12: {  	s1 =	sld [smem:$0x3F97];
	s0 =	simm.s32 @p0 $0x1  }
0x13: {  	[smem:$0x3FB2] =	sst s0;
	s0 =	simm.s32 @!p1 $0x0  }
0x14: {  	s2 =	sld [smem:$0x3F96];
	s0 =	simm.s32 @p1 $0x1  }
0x15: {  	[smem:$0x3FB3] =	sst s0;
	s0 =	simm.s32 @!p2 $0x0  }
0x16: {  	s3 =	sld [smem:$0x3FDB];
	s0 =	simm.s32 @p2 $0x1  }
0x17: {  	s4 =	simm.s32 $0x1BF5;
	[smem:$0x3FB5] =	sst s0  }
0x18: {  	s0 =	sld [smem:$0x3F98];
	_ =	swait.ge [sflag:s4], $0x0  }
0x19: {  	s7 =	sld [smem:$0x3F99]  }
0x1a: {  	s8 =	sadd.s32 $0xFFFFE003, lr  }
0x1b: {  	s9 =	sadd.s32 $0xFFFFFEF7, lr;
	s5 =	simm.s32 $0xFFFFFFFF;
	p2 =	slt.u32 s8, $0xFFFFF086  }
0x1c: {  	p1 =	slt.u32 s9, $0xF7A;
	s5 =	simm.s32 @!p2 $0x0  }
0x1d: {  	s5 =	simm.s32 @p1 $0x1;
	p0 =	seq.s32 s7, s2  }
0x1e: {  	s7 =	smul.u32 @!p0 $0xF7A, s2;
	p2 =	seq.s32 @!p0 s5, $0x0  }
0x1f: {  	s9 =	smul.u32 $0xF7A, s1;
	s8 =	simm.s32 @!p0 $0x1BF5;
	p2 =	por !p2, p0  }
0x20: {  	[sflag:s8] =	ssyncset.s32 @!p0 $0xFFFFF086;
	s6 =	sadd.s32 @!p0 s3, s7;
	s7 =	simm.s32 @!p0 $0x108  }
0x21: {  	s3 =	sadd.s32 s3, s9;
	s6 =	sadd.s32 @!p0 $0x88, s6;
	s7 =	simm.s32 @p2 $0x1082  }
0x22: {  	[simem:s7], [sflag:s8] =	dma.local @!p0 [hbm:s6], $0xF7A  }
0x23: {  	s9 =	sor.u32 $0xD0000000, s2;
	s6 =	simm.s32 $0x108;
	_ =	swait.ge @!p0 [sflag:s8], $0x0  }
0x24: {  	s3 =	sadd.s32 $0x88, s3;
	s6 =	simm.s32 @!p1 $0x1082;
	[sflag:s4] =	ssyncset.s32 $0xFFFFF086  }
0x25: {  	[simem:s6], [sflag:s4] =	dma.local [hbm:s3], $0xF7A  }
0x26: {  	[smem:$0x3F99] =	sst s1;
	(tag) =	ssettag s2;
	_ =	strace s9  }
0x27: {  	s1 =	sld [smem:$0x3FA9]  }
0x28: {  	s2 =	sld [smem:$0x3FAA]  }
0x29: {  	s4 =	sld [smem:$0x3FAC]  }
0x2a: {  	p0 =	seq.s32 s5, $0x0;
	s5 =	sld [smem:$0x3FAD]  }
0x2b: {  	s6 =	sld [smem:$0x3FAE]  }
0x2c: {  	s7 =	sld [smem:$0x3FAF]  }
0x2d: {  	s3 =	simm.s32 $0x108;
	s8 =	sld [smem:$0x3FB0]  }
0x2e: {  	s3 =	simm.s32 @!p0 $0x1082;
	s9 =	sld [smem:$0x3FB1]  }
0x2f: {  	lr =	sadd.s32 s0, s3;
	s0 =	sld [smem:$0x3FA8]  }
0x30: {  	s3 =	sld [smem:$0x3FAB]  }
0x31: {  	[smem:$0x3FB4] =	sst s10  }
0x32: {  	s10 =	sld [smem:$0x3FB2];
	_ =	sdelay $0x3  }
0x33: {  	p0 =	seq.s32 s10, $0x1;
	s10 =	sld [smem:$0x3FB4];
	_ =	sdelay $0x3  }
0x34: {  	[smem:$0x3FB4] =	sst s10  }
0x35: {  	s10 =	sld [smem:$0x3FB3];
	_ =	sdelay $0x3  }
0x36: {  	p1 =	seq.s32 s10, $0x1;
	s10 =	sld [smem:$0x3FB4];
	_ =	sdelay $0x3  }
0x37: {  	[smem:$0x3FB4] =	sst s10  }
0x38: {  	s10 =	sld [smem:$0x3FB5]  }
0x39: {  	_ = 	snop;
	(pc) =	sbr.ind lr, $3  }
0x3a: {  	_ = 	snop  }
0x3b: {  	_ = 	snop  }
0x3c: {  	p2 =	seq.s32 s10, $0x1;
	s10 =	sld [smem:$0x3FB4]  }
0x3d: {  	_ =	shalt  }
0x3e: {  	_ =	shalt  }
0x3f: {  	_ =	shalt  }
0x40: {  	_ =	shalt  }
0x41: {  	_ =	shalt  }
0x42: {  	_ =	shalt  }
0x43: {  	_ =	shalt  }
0x44: {  	_ =	shalt  }
0x45: {  	_ =	shalt  }
0x46: {  	_ =	shalt  }
0x47: {  	_ =	shalt  }
0x48: {  	_ =	shalt  }
0x49: {  	_ =	shalt  }
0x4a: {  	_ =	shalt  }
0x4b: {  	_ =	shalt  }
0x4c: {  	_ =	shalt  }
0x4d: {  	_ =	shalt  }
0x4e: {  	_ =	shalt  }
0x4f: {  	_ =	shalt  }
0x50: {  	_ =	shalt  }
0x51: {  	_ =	shalt  }
0x52: {  	_ =	shalt  }
0x53: {  	_ =	shalt  }
0x54: {  	_ =	shalt  }
0x55: {  	_ =	shalt  }
0x56: {  	_ =	shalt  }
0x57: {  	_ =	shalt  }
0x58: {  	_ =	shalt  }
0x59: {  	_ =	shalt  }
0x5a: {  	_ =	shalt  }
0x5b: {  	_ =	shalt  }
0x5c: {  	_ =	shalt  }
0x5d: {  	_ =	shalt  }
0x5e: {  	_ =	shalt  }
0x5f: {  	_ =	shalt  }
0x60: {  	_ =	shalt  }
0x61: {  	_ =	shalt  }
0x62: {  	_ =	shalt  }
0x63: {  	_ =	shalt  }
0x64: {  	_ =	shalt  }
0x65: {  	_ =	shalt  }
0x66: {  	_ =	shalt  }
0x67: {  	_ =	shalt  }
0x68: {  	_ =	shalt  }
0x69: {  	_ =	shalt  }
0x6a: {  	_ =	shalt  }
0x6b: {  	_ =	shalt  }
0x6c: {  	_ =	shalt  }
0x6d: {  	_ =	shalt  }
0x6e: {  	_ =	shalt  }
0x6f: {  	_ =	shalt  }
0x70: {  	_ =	shalt  }
0x71: {  	_ =	shalt  }
0x72: {  	_ =	shalt  }
0x73: {  	_ =	shalt  }
0x74: {  	_ =	shalt  }
0x75: {  	_ =	shalt  }
0x76: {  	_ =	shalt  }
0x77: {  	_ =	shalt  }
0x78: {  	_ =	shalt  }
0x79: {  	_ =	shalt  }
0x7a: {  	_ =	shalt  }
0x7b: {  	_ =	shalt  }
0x7c: {  	_ =	shalt  }
0x7d: {  	_ =	shalt  }
0x7e: {  	_ =	shalt  }
0x7f: {  	_ =	shalt  }
0x80: {  	_ =	shalt  }
0x81: {  	_ =	shalt  }
0x82: {  	_ =	shalt  }
0x83: {  	_ =	shalt  }
0x84: {  	_ =	shalt  }
0x85: {  	_ =	shalt  }
0x86: {  	_ =	shalt  }
0x87: {  	_ =	shalt  }
.Lfunc_end0:
.L_simem_size_0:
called_computation.2_lowered:
.L_overlay_start_0:
0x88: {  	s2 =	sld [smem:$0x3FD9]  }
0x89: {  	s3 =	sld [smem:$0x3FFE];
	_ =	sdelay $0x1  }
0x8a: {  	s1 =	srdreg.scid  }
0x8b: {  	s0 =	sand.u32 $0x1, s1  }
0x8c: {  	s17 =	sshll.u32 s0, $0xA;
	s2 =	sadd.s32 s3, s2  }
0x8d: {  	s2 =	sadd.s32 s2, s17  }
0x8e: {  	[smem:$0x3FC0] =	sst s2  }
0x8f: {  	_ = 	snop  }
0x90: {  	s2 =	sld [smem:$0x3FD0];
	(tm) =	ssettm $0x1  }
0x91: {  	s18 =	sld [smem:$0x3FFB];
	_ =	sdelay $0x3  }
0x92: {  	_ =	strace s18  }
0x93: {  	s3 =	sld [smem:$0x3FFC];
	_ =	sdelay $0x3  }
0x94: {  	_ =	strace s3  }
0x95: {  	s3 =	sld [smem:$0x3FFD];
	_ =	sdelay $0x3  }
0x96: {  	_ =	strace s3  }
0x97: {  	_ =	strace $0x8FFFFFFF  }
0x98: {  	s19 =	sld [smem:$0x3FDB];
	_ =	sdelay $0x1  }
0x99: {  	s4 =	simm.s32 $_scs_section_size  }
0x9a: {  	s5 =	simm.s32 $_size__tile_overlayer_lowered;
	s6 =	simm.s32 $_tile_overlayer_lowered  }
0x9b: {  	s22 =	simm.s32 $0x1BFF;
	s21 =	sshll.u32 s6, $0x1;
	s3 =	sadd.s32 s4, s19  }
0x9c: {  	s7 =	simm.s32 $0x0;
	s20 =	sshll.u32 s5, $0x1;
	s5 =	sadd.s32 s21, s3  }
0x9d: {  	[timem:s7], [sflag:s22] =	dma.local [hbm:s5], s20  }
0x9e: {  	_ =	swait.ge [sflag:s22], s20  }
0x9f: {  	s4 =	ssub.s32 $0x0, s20;
	[sflag:s22] =	ssyncset.done $0x0  }
0xa0: {  	[sflag:s22] =	ssyncadd.s32 s4;
	_ =	sdelay $0x1  }
0xa1: {  	s23 =	simm.s32 $0x1B8B  }
0xa2: {  	_ =	swait.ge [sflag:s23], $0x1  }
0xa3: {  	[sflag:s23] =	ssyncset.done $0x0  }
0xa4: {  	s25 =	simm.s32 $0x1B8E;
	s24 =	sld [smem:$0x3FFE];
	[sflag:s23] =	ssyncadd.s32 $0xFFFFFFFF  }
0xa5: {  	s26 =	simm.s32 $execute0_lowered;
	[smem:$0x3FD2] =	sst s25  }
0xa6: {  	s5 =	sshll.u32 s26, $0x1;
	_ =	strace $0x8000004C;
	[dreg:$0x1] =	wrdreg $0xFFFFFFFF  }
0xa7: {  	s28 =	simm.s32 $_size_execute0_lowered;
	s3 =	sadd.s32 s3, s5;
	[dreg:$0x0] =	wrdreg $0x0  }
0xa8: {  	s5 =	sshll.u32 s28, $0x1;
	[dreg:$0x2] =	wrdreg s3  }
0xa9: {  	[dreg:$0x3] =	wrdreg s5  }
0xaa: {  	[dreg:$0x4] =	wrdreg $0xC0  }
0xab: {  	_ =	task [dreg:s7], $0x5FFFF  }
0xac: {  	[dreg:$0x1] =	wrdreg $0xFFFFFFFF  }
0xad: {  	[dreg:$0x0] =	wrdreg $0x60  }
0xae: {  	[dreg:$0x2] =	wrdreg s24  }
0xaf: {  	[dreg:$0x3] =	wrdreg s2  }
0xb0: {  	[dreg:$0x4] =	wrdreg $0x90000  }
0xb1: {  	[dreg:$0x5] =	wrdreg $0x9  }
0xb2: {  	_ =	task.clear_ibuf [dreg:s7], $0x6FFFF;
	_ =	strace $0x9000004C  }
0xb3: {  	s29 =	simm.s32 $0x9;
	_ =	strace $0x8000004E  }
0xb4: {  	_ =	swait.ge [sflag:s29], $0x1  }
0xb5: {  	[sflag:s29] =	ssyncadd.s32 $0xFFFFFFFF  }
0xb6: {  	_ =	strace $0x9000004E  }
0xb7: {  	_ =	sfence  }
0xb8: {  	s30 =	sld [smem:$0x0];
	_ =	sdelay $0x2  }
0xb9: {  	s31 =	sshll.u32 s1, $0xD;
	s1 =	sshrl.u32 s1, $0x2  }
0xba: {  	s3 =	sand.u32 $0x4000, s31;
	s1 =	sadd.s32 s1, s30  }
0xbb: {  	s0 =	sor.u32 s3, s0;
	s1 =	sshll.u32 s1, $0x11  }
0xbc: {  	s0 =	sor.u32 s1, s0  }
0xbd: {  	s0 =	sadd.s32 $0x8F2B, s0  }
0xbe: {  	[sflag:s0] =	ssyncadd.remote.s32 $0x1  }
0xbf: {  	_ =	sfence.sel $0xFFFF  }
0xc0: {  	[dreg:$0x0] =	wrdreg $0xFFFFFFFF;
	(pc) =	sbr.abs _section_cstart, $3  }
0xc1: {  	[dreg:$0x1] =	wrdreg $0xFFFFFFFF  }
0xc2: {  	_ =	task.clear_ibuf [dreg:s7], $0x2FFFF;
	_ =	strace $0x9FFFFFFF  }
0xc3: {  	(tm) =	ssettm $0x7FFFFFFF  }
tec
execute0_lowered:
.L_overlay_start_1:
0x0: {  	(tag) =	ssettag $0x1  }
0x1: {  	s5 =	rddreg [dreg:$0x0]  }
0x2: {  	s0 =	srdreg.scid;
	s8 =	rddreg [dreg:$0x1]  }
0x3: {  	s2 =	rddreg [dreg:$0x2];
	s1 =	stileid.u32;
	s3 =	simm.s32 $0x0  }
0x4: {  	s6 =	sand.u32 $0x1, s0;
	s0 =	rddreg [dreg:$0x3];
	s7 =	smul.u32 $0x4F000, s1  }
0x5: {  	[smem:$0x7FF] =	sst s3;
	s16 =	smul.u32 $0x13C00, s1;
	s17 =	sadd.s32 $0x5D200, s5  }
0x6: {  	s4 =	sshll.u32 s6, $0x4;
	_ =	strace $0x8000004D;
	s11 =	ssub.s32 $0x2, s6  }
0x7: {  	s18 =	smul.u32 $0x13C000, s6;
	s4 =	sor.u32 s1, s4;
	s24 =	sshrl.u32 s11, $0x1  }
0x8: {  	s25 =	sshrl.u32 s7, $0x2;
	s26 =	sadd.s32 $0x10000, s16;
	s19 =	sadd.s32 $0x4000, s16  }
0x9: {  	s20 =	sadd.s32 $0x8000, s16;
	s22 =	sadd.s32 $0xC000, s16;
	s9 =	smul.u32 $0x500, s4  }
0xa: {  	s4 =	sadd.s32 $0x4200, s5;
	s11 =	ssub.s32 s11, s24;
	s6 =	sadd.s32 s26, s2  }
0xb: {  	s12 =	sadd.s32 s18, s26;
	s29 =	sadd.s32 s18, s16;
	s15 =	sadd.s32 s18, s19  }
0xc: {  	s21 =	sadd.s32 s18, s20;
	s23 =	sadd.s32 s19, s2;
	s18 =	sadd.s32 s18, s22  }
0xd: {  	s24 =	sadd.s32 s20, s2;
	s19 =	simm.s32 $0x1;
	s20 =	simm.s32 $0x2800  }
0xe: {  	s28 =	sshrl.u32 s12, $0x3;
	s30 =	sshrl.u32 s29, $0x3;
	s11 =	smax.u32 s11, $0x1  }
0xf: {  	s15 =	sshrl.u32 s15, $0x3;
	s31 =	sshrl.u32 s21, $0x3;
	s18 =	sshrl.u32 s18, $0x3  }
0x10: {  	s21 =	simm.s32 $0x80;
	s10 =	sadd.s32 s9, s5;
	s5 =	sadd.s32 s25, s2  }
0x11: {  	s8 =	sadd.s32 s8, s9;
	s9 =	sadd.s32 s17, s28;
	s15 =	sadd.s32 s17, s15  }
0x12: {  	s16 =	sadd.s32 s17, s31;
	s25 =	sadd.s32 s22, s2;
	s22 =	sshrl.u32 s23, $0x3  }
0x13: {  	s23 =	sshrl.u32 s24, $0x3;
	s7 =	sadd.s32 $0x53200, s10;
	s10 =	sadd.s32 s17, s30  }
0x14: {  	s12 =	sadd.s32 $0x4000, s5;
	s13 =	sadd.s32 $0x8000, s5;
	s14 =	sadd.s32 $0xC000, s5  }
0x15: {  	v0 =	vimm.f32 $0.0e+00;
	s17 =	sadd.s32 s17, s18;
	s18 =	simm.s32 $0x5000;
	s24 =	sshrl.u32 s25, $0x3  }
.LBB2_1:
0x16: {  	s25 =	simm.s32 $0x0;
	s26 =	simm.s32 $0x200  }
.LBB2_2:
0x17: {  	p0 =	sne.s32 s26, $0xFE00;
	[tilespmem:s25+$0x5070] =	vst v0  }
0x18: {  	[tilespmem:s25+$0x5000] =	vst v0  }
0x19: {  	[tilespmem:s25+$0x5010] =	vst v0  }
.Ltmp0:
0x1a: {  	[tilespmem:s25+$0x5020] =	vst v0;
	(pc) =	sbr.rel @p0 .LBB2_2-.Ltmp0, $4  }
0x1b: {  	[tilespmem:s25+$0x5030] =	vst v0  }
0x1c: {  	[tilespmem:s25+$0x5040] =	vst v0  }
0x1d: {  	[tilespmem:s25+$0x5050] =	vst v0  }
0x1e: {  	[tilespmem:s25+$0x5060] =	vst v0;
	s25 =	sshra.s32 s26, $0x2;
	s26 =	sadd.s32 $0x200, s26  }
0x1f: {  	[tilespmem:s25+$0x5070] =	vst v0  }
0x20: {  	[tilespmem:s25+$0x5000] =	vst v0  }
0x21: {  	[tilespmem:s25+$0x5010] =	vst v0  }
0x22: {  	[tilespmem:s25+$0x5020] =	vst v0  }
0x23: {  	[tilespmem:s25+$0x5030] =	vst v0  }
0x24: {  	[tilespmem:s25+$0x5040] =	vst v0  }
0x25: {  	[tilespmem:s25+$0x5050] =	vst v0  }
0x26: {  	[tilespmem:s25+$0x5060] =	vst v0  }
0x27: {  	[spmem:s5] =	stream.linear.scatter [tilespmem:s18], [sflag:$0x1], $0x4000, $0x38;
	[tilespmem:$0x1CC00] =	vst v63  }
0x28: {  	_ =	swait.ge [sflag:s19], $0x4000  }
0x29: {  	[sflag:s19] =	ssyncset.done $0x0  }
0x2a: {  	[sflag:s19] =	ssyncadd.s32 $0xFFFFC000  }
0x2b: {  	[spmem:s12] =	stream.linear.scatter [tilespmem:s18], [sflag:$0x1], $0x4000, $0x38;
	[tilespmem:$0x1CC00] =	vst v63  }
0x2c: {  	_ =	swait.ge [sflag:s19], $0x4000  }
0x2d: {  	[sflag:s19] =	ssyncset.done $0x0  }
0x2e: {  	[sflag:s19] =	ssyncadd.s32 $0xFFFFC000  }
0x2f: {  	[spmem:s13] =	stream.linear.scatter [tilespmem:s18], [sflag:$0x1], $0x4000, $0x38;
	[tilespmem:$0x1CC00] =	vst v63  }
0x30: {  	_ =	swait.ge [sflag:s19], $0x4000  }
0x31: {  	[sflag:s19] =	ssyncset.done $0x0  }
0x32: {  	[sflag:s19] =	ssyncadd.s32 $0xFFFFC000  }
0x33: {  	[spmem:s14] =	stream.linear.scatter [tilespmem:s18], [sflag:$0x1], $0x4000, $0x38;
	[tilespmem:$0x1CC00] =	vst v63  }
0x34: {  	_ =	swait.ge [sflag:s19], $0x4000  }
0x35: {  	[sflag:s19] =	ssyncset.done $0x0  }
0x36: {  	[sflag:s19] =	ssyncadd.s32 $0xFFFFC000  }
0x37: {  	[spmem:s6] =	stream.linear.scatter [tilespmem:s18], [sflag:$0x1], $0x3C00, $0x38;
	[tilespmem:$0x1CC00] =	vst v63  }
0x38: {  	_ =	swait.ge [sflag:s19], $0x3C00  }
0x39: {  	[sflag:s19] =	ssyncset.done $0x0  }
0x3a: {  	s29 =	simm.s32 $0x0;
	[sflag:s19] =	ssyncadd.s32 $0xFFFFC400  }
0x3b: {  	[tilespmem:s29], [sflag:$0x1] =	stream.linear.gather [hbm4b:s7+s29], $0x2780, $0x38;
	[tilespmem:$0x1CC00] =	vst v63  }
0x3c: {  	_ =	swait.ge [sflag:s19], $0x2780  }
0x3d: {  	[sflag:s19] =	ssyncset.done $0x0  }
0x3e: {  	[sflag:s19] =	ssyncadd.s32 $0xFFFFD880  }
0x3f: {  	[tilespmem:s20], [sflag:$0x1] =	stream.linear.gather [hbm4b:s8+s29], $0x2780, $0x38;
	[tilespmem:$0x1CC00] =	vst v63  }
0x40: {  	_ =	swait.ge [sflag:s19], $0x2780  }
0x41: {  	[sflag:s19] =	ssyncset.done $0x0  }
0x42: {  	[sflag:s19] =	ssyncadd.s32 $0xFFFFD880  }
0x43: {  	s30 =	simm.s32 $0x0;
	[bflag:$0x0] =	sbarrier.arrive $0xFFFF  }
0x44: {  	[tilespmem:s18], [sflag:$0x1] =	stream.indirect.gather [hbm4b:s4+s21], $0x80, s30, s21, $0xb8;
	[tilespmem:$0x1CC00] =	vst v63  }
0x45: {  	_ =	swait.ge [sflag:s19], $0x4000  }
0x46: {  	[sflag:s19] =	ssyncset.done $0x0  }
0x47: {  	s31 =	simm.s32 $0x2800;
	[sflag:s19] =	ssyncadd.s32 $0xFFFFC000  }
0x48: {  	[spmem:s2] =	stream.indirect.scatter.add.f32 [tilespmem:s18], [sflag:$0x1], $0x80, s31, s21, $0xb8;
	[tilespmem:$0x1CC00] =	vst v63  }
0x49: {  	_ =	swait.ge [sflag:s19], $0x4000  }
0x4a: {  	s25 =	simm.s32 $0x200;
	s26 =	simm.s32 $0x400;
	[sflag:s19] =	ssyncset.done $0x0  }
.LBB2_4:
0x4b: {  	s28 =	sshra.s32 s25, $0x2  }
0x4c: {  	[sflag:s19] =	ssyncadd.s32 $0xFFFFC000;
	s25 =	smov.u32 s26;
	s29 =	sadd.s32 $0x200, s26  }
0x4d: {  	[tilespmem:s18], [sflag:$0x1] =	stream.indirect.gather [hbm4b:s4+s21], $0x80, s28, s21, $0xb8;
	[tilespmem:$0x1CC00] =	vst v63  }
0x4e: {  	p0 =	sne.s32 s26, $0x9C00;
	_ =	swait.ge [sflag:s19], $0x4000  }
.Ltmp1:
0x4f: {  	[sflag:s19] =	ssyncset.done $0x0;
	(pc) =	sbr.rel @p0 .LBB2_4-.Ltmp1, $4  }
0x50: {  	s26 =	sadd.s32 $0x2800, s28;
	[sflag:s19] =	ssyncadd.s32 $0xFFFFC000  }
0x51: {  	[spmem:s2] =	stream.indirect.scatter.add.f32 [tilespmem:s18], [sflag:$0x1], $0x80, s26, s21, $0xb8;
	[tilespmem:$0x1CC00] =	vst v63  }
0x52: {  	_ =	swait.ge [sflag:s19], $0x4000  }
0x53: {  	s26 =	smov.u32 s29;
	[sflag:s19] =	ssyncset.done $0x0  }
0x54: {  	s25 =	sshra.s32 s25, $0x2;
	[sflag:s19] =	ssyncadd.s32 $0xFFFFC000  }
0x55: {  	[tilespmem:s18], [sflag:$0x1] =	stream.indirect.gather [hbm4b:s4+s21], $0x80, s25, s21, $0xb8;
	[tilespmem:$0x1CC00] =	vst v63  }
0x56: {  	_ =	swait.ge [sflag:s19], $0x4000  }
0x57: {  	[sflag:s19] =	ssyncset.done $0x0  }
0x58: {  	s25 =	sadd.s32 $0x2800, s25;
	[sflag:s19] =	ssyncadd.s32 $0xFFFFC000  }
0x59: {  	[spmem:s2] =	stream.indirect.scatter.add.f32 [tilespmem:s18], [sflag:$0x1], $0x80, s25, s21, $0xb8;
	[tilespmem:$0x1CC00] =	vst v63  }
0x5a: {  	_ =	swait.ge [sflag:s19], $0x4000  }
0x5b: {  	[sflag:s19] =	ssyncset.done $0x0  }
0x5c: {  	s30 =	sshll.u32 s1, $0x6;
	[sflag:s19] =	ssyncadd.s32 $0xFFFFC000  }
0x5d: {  	s26 =	sshrl.u32 s5, $0x3;
	s25 =	sor.u32 $0x1C01, s30;
	[bflag:$0x0] =	sbarrier.arrive $0xFFFF  }
0x5e: {  	[hbm:s10], [sflag:s25] =	dma.local [spmem:s26], $0x800  }
0x5f: {  	_ =	swait.ge [sflag:s19], $0x800  }
0x60: {  	[sflag:s19] =	ssyncset.done $0x0  }
0x61: {  	[sflag:s19] =	ssyncadd.s32 $0xFFFFF800  }
0x62: {  	[hbm:s15], [sflag:s25] =	dma.local [spmem:s22], $0x800  }
0x63: {  	_ =	swait.ge [sflag:s19], $0x800  }
0x64: {  	[sflag:s19] =	ssyncset.done $0x0  }
0x65: {  	[sflag:s19] =	ssyncadd.s32 $0xFFFFF800  }
0x66: {  	[hbm:s16], [sflag:s25] =	dma.local [spmem:s23], $0x800  }
0x67: {  	_ =	swait.ge [sflag:s19], $0x800  }
0x68: {  	[sflag:s19] =	ssyncset.done $0x0  }
0x69: {  	[sflag:s19] =	ssyncadd.s32 $0xFFFFF800  }
0x6a: {  	[hbm:s17], [sflag:s25] =	dma.local [spmem:s24], $0x800  }
0x6b: {  	s3 =	sadd.s32 $0x1, s3;
	_ =	swait.ge [sflag:s19], $0x800  }
0x6c: {  	p0 =	sne.s32 s3, s11;
	[sflag:s19] =	ssyncset.done $0x0  }
.Ltmp2:
0x6d: {  	s31 =	sshrl.u32 s6, $0x3;
	[sflag:s19] =	ssyncadd.s32 $0xFFFFF800;
	(pc) =	sbr.rel @p0 .LBB2_1-.Ltmp2, $4  }
0x6e: {  	[hbm:s9], [sflag:s25] =	dma.local [spmem:s31], $0x780  }
0x6f: {  	_ =	swait.ge [sflag:s19], $0x780  }
0x70: {  	[sflag:s19] =	ssyncset.done $0x0  }
0x71: {  	[sflag:s19] =	ssyncadd.s32 $0xFFFFF880  }
0x72: {  	_ =	sfence.sel $0x180000  }
0x73: {  	[bflag:$0x0] =	sbarrier.arrive $0xFFFF  }
0x74: {  	p0 =	sne.s32 s1, $0x0;
	_ =	strace $0x9000004D  }
0x75: {  	s0 =	sadd.s32 @!p0 $0x100000, s0;
	[bflag:$0x2] =	sbarrier.arrive $0xFFFF  }
0x76: {  	[sflag:s0] =	ssyncadd.tile.s32 @!p0 $0x1;
	_ =	shalt  }
.Lfunc_end2:
_tile_overlayer_lowered:
.L_overlay_start_2:
0x77: {  	(tag) =	ssettag $0x2  }
0x78: {  	s0 =	rddreg [dreg:$0x0];
	s2 =	stileid.u32  }
0x79: {  	s1 =	rddreg [dreg:$0x1];
	p0 =	sne.s32 s2, $0x0  }
0x7a: {  	s3 =	rddreg [dreg:$0x2];
	[bflag:$0x3] =	sbarrier.arrive $0xFFFF;
	s2 =	simm.s32 @!p0 $0x1C01  }
0x7b: {  	[timem:s3], [sflag:s2] =	dma.local @!p0 [hbm:s0], s1  }
0x7c: {  	s0 =	simm.s32 @!p0 $0x1  }
0x7d: {  	_ =	swait.ge @!p0 [sflag:s0], s1  }
0x7e: {  	s1 =	ssub.s32 @!p0 $0x0, s1;
	[sflag:s0] =	ssyncset.done @!p0 $0x0  }
0x7f: {  	[sflag:s0] =	ssyncadd.s32 @!p0 s1  }
0x80: {  	[bflag:$0x3] =	sbarrier.arrive $0xFFFF  }
0x81: {  	_ =	shalt  }

// kernel: kernel.20.cloned.1.call-start
scs
__scs_entry_jumppad:
0x0: {  	(pc) =	sbr.rel $0x88, $3  }
0x1: {  	(tag) =	ssettag $0x0;
	lr =	simm.s32 $0x1  }
0x2: {  	[smem:$0x3F99] =	sst lr;
	_ =	strace $0xD0000000  }
0x3: {  	_ = 	snop  }
0x4: {  	_ = 	snop  }
0x5: {  	_ = 	snop  }
0x6: {  	_ = 	snop  }
0x7: {  	_ = 	snop  }
__scs_overlays_trampoline_lowered:
0x8: {  	[smem:$0x3FA8] =	sst s0  }
0x9: {  	[smem:$0x3FA9] =	sst s1  }
0xa: {  	[smem:$0x3FAA] =	sst s2  }
0xb: {  	[smem:$0x3FAB] =	sst s3  }
0xc: {  	[smem:$0x3FAC] =	sst s4  }
0xd: {  	[smem:$0x3FAD] =	sst s5  }
0xe: {  	[smem:$0x3FAE] =	sst s6  }
0xf: {  	[smem:$0x3FAF] =	sst s7  }
0x10: {  	[smem:$0x3FB0] =	sst s8  }
0x11: {  	[smem:$0x3FB1] =	sst s9;
	s0 =	simm.s32 @!p0 $0x0  }
0x12: {  	s1 =	sld [smem:$0x3F97];
	s0 =	simm.s32 @p0 $0x1  }
0x13: {  	[smem:$0x3FB2] =	sst s0;
	s0 =	simm.s32 @!p1 $0x0  }
0x14: {  	s2 =	sld [smem:$0x3F96];
	s0 =	simm.s32 @p1 $0x1  }
0x15: {  	[smem:$0x3FB3] =	sst s0;
	s0 =	simm.s32 @!p2 $0x0  }
0x16: {  	s3 =	sld [smem:$0x3FDB];
	s0 =	simm.s32 @p2 $0x1  }
0x17: {  	s4 =	simm.s32 $0x1BF5;
	[smem:$0x3FB5] =	sst s0  }
0x18: {  	s0 =	sld [smem:$0x3F98];
	_ =	swait.ge [sflag:s4], $0x0  }
0x19: {  	s7 =	sld [smem:$0x3F99]  }
0x1a: {  	s8 =	sadd.s32 $0xFFFFE003, lr  }
0x1b: {  	s9 =	sadd.s32 $0xFFFFFEF7, lr;
	s5 =	simm.s32 $0xFFFFFFFF;
	p2 =	slt.u32 s8, $0xFFFFF086  }
0x1c: {  	p1 =	slt.u32 s9, $0xF7A;
	s5 =	simm.s32 @!p2 $0x0  }
0x1d: {  	s5 =	simm.s32 @p1 $0x1;
	p0 =	seq.s32 s7, s2  }
0x1e: {  	s7 =	smul.u32 @!p0 $0xF7A, s2;
	p2 =	seq.s32 @!p0 s5, $0x0  }
0x1f: {  	s9 =	smul.u32 $0xF7A, s1;
	s8 =	simm.s32 @!p0 $0x1BF5;
	p2 =	por !p2, p0  }
0x20: {  	[sflag:s8] =	ssyncset.s32 @!p0 $0xFFFFF086;
	s6 =	sadd.s32 @!p0 s3, s7;
	s7 =	simm.s32 @!p0 $0x108  }
0x21: {  	s3 =	sadd.s32 s3, s9;
	s6 =	sadd.s32 @!p0 $0x88, s6;
	s7 =	simm.s32 @p2 $0x1082  }
0x22: {  	[simem:s7], [sflag:s8] =	dma.local @!p0 [hbm:s6], $0xF7A  }
0x23: {  	s9 =	sor.u32 $0xD0000000, s2;
	s6 =	simm.s32 $0x108;
	_ =	swait.ge @!p0 [sflag:s8], $0x0  }
0x24: {  	s3 =	sadd.s32 $0x88, s3;
	s6 =	simm.s32 @!p1 $0x1082;
	[sflag:s4] =	ssyncset.s32 $0xFFFFF086  }
0x25: {  	[simem:s6], [sflag:s4] =	dma.local [hbm:s3], $0xF7A  }
0x26: {  	[smem:$0x3F99] =	sst s1;
	(tag) =	ssettag s2;
	_ =	strace s9  }
0x27: {  	s1 =	sld [smem:$0x3FA9]  }
0x28: {  	s2 =	sld [smem:$0x3FAA]  }
0x29: {  	s4 =	sld [smem:$0x3FAC]  }
0x2a: {  	p0 =	seq.s32 s5, $0x0;
	s5 =	sld [smem:$0x3FAD]  }
0x2b: {  	s6 =	sld [smem:$0x3FAE]  }
0x2c: {  	s7 =	sld [smem:$0x3FAF]  }
0x2d: {  	s3 =	simm.s32 $0x108;
	s8 =	sld [smem:$0x3FB0]  }
0x2e: {  	s3 =	simm.s32 @!p0 $0x1082;
	s9 =	sld [smem:$0x3FB1]  }
0x2f: {  	lr =	sadd.s32 s0, s3;
	s0 =	sld [smem:$0x3FA8]  }
0x30: {  	s3 =	sld [smem:$0x3FAB]  }
0x31: {  	[smem:$0x3FB4] =	sst s10  }
0x32: {  	s10 =	sld [smem:$0x3FB2];
	_ =	sdelay $0x3  }
0x33: {  	p0 =	seq.s32 s10, $0x1;
	s10 =	sld [smem:$0x3FB4];
	_ =	sdelay $0x3  }
0x34: {  	[smem:$0x3FB4] =	sst s10  }
0x35: {  	s10 =	sld [smem:$0x3FB3];
	_ =	sdelay $0x3  }
0x36: {  	p1 =	seq.s32 s10, $0x1;
	s10 =	sld [smem:$0x3FB4];
	_ =	sdelay $0x3  }
0x37: {  	[smem:$0x3FB4] =	sst s10  }
0x38: {  	s10 =	sld [smem:$0x3FB5]  }
0x39: {  	_ = 	snop;
	(pc) =	sbr.ind lr, $3  }
0x3a: {  	_ = 	snop  }
0x3b: {  	_ = 	snop  }
0x3c: {  	p2 =	seq.s32 s10, $0x1;
	s10 =	sld [smem:$0x3FB4]  }
0x3d: {  	_ =	shalt  }
0x3e: {  	_ =	shalt  }
0x3f: {  	_ =	shalt  }
0x40: {  	_ =	shalt  }
0x41: {  	_ =	shalt  }
0x42: {  	_ =	shalt  }
0x43: {  	_ =	shalt  }
0x44: {  	_ =	shalt  }
0x45: {  	_ =	shalt  }
0x46: {  	_ =	shalt  }
0x47: {  	_ =	shalt  }
0x48: {  	_ =	shalt  }
0x49: {  	_ =	shalt  }
0x4a: {  	_ =	shalt  }
0x4b: {  	_ =	shalt  }
0x4c: {  	_ =	shalt  }
0x4d: {  	_ =	shalt  }
0x4e: {  	_ =	shalt  }
0x4f: {  	_ =	shalt  }
0x50: {  	_ =	shalt  }
0x51: {  	_ =	shalt  }
0x52: {  	_ =	shalt  }
0x53: {  	_ =	shalt  }
0x54: {  	_ =	shalt  }
0x55: {  	_ =	shalt  }
0x56: {  	_ =	shalt  }
0x57: {  	_ =	shalt  }
0x58: {  	_ =	shalt  }
0x59: {  	_ =	shalt  }
0x5a: {  	_ =	shalt  }
0x5b: {  	_ =	shalt  }
0x5c: {  	_ =	shalt  }
0x5d: {  	_ =	shalt  }
0x5e: {  	_ =	shalt  }
0x5f: {  	_ =	shalt  }
0x60: {  	_ =	shalt  }
0x61: {  	_ =	shalt  }
0x62: {  	_ =	shalt  }
0x63: {  	_ =	shalt  }
0x64: {  	_ =	shalt  }
0x65: {  	_ =	shalt  }
0x66: {  	_ =	shalt  }
0x67: {  	_ =	shalt  }
0x68: {  	_ =	shalt  }
0x69: {  	_ =	shalt  }
0x6a: {  	_ =	shalt  }
0x6b: {  	_ =	shalt  }
0x6c: {  	_ =	shalt  }
0x6d: {  	_ =	shalt  }
0x6e: {  	_ =	shalt  }
0x6f: {  	_ =	shalt  }
0x70: {  	_ =	shalt  }
0x71: {  	_ =	shalt  }
0x72: {  	_ =	shalt  }
0x73: {  	_ =	shalt  }
0x74: {  	_ =	shalt  }
0x75: {  	_ =	shalt  }
0x76: {  	_ =	shalt  }
0x77: {  	_ =	shalt  }
0x78: {  	_ =	shalt  }
0x79: {  	_ =	shalt  }
0x7a: {  	_ =	shalt  }
0x7b: {  	_ =	shalt  }
0x7c: {  	_ =	shalt  }
0x7d: {  	_ =	shalt  }
0x7e: {  	_ =	shalt  }
0x7f: {  	_ =	shalt  }
0x80: {  	_ =	shalt  }
0x81: {  	_ =	shalt  }
0x82: {  	_ =	shalt  }
0x83: {  	_ =	shalt  }
0x84: {  	_ =	shalt  }
0x85: {  	_ =	shalt  }
0x86: {  	_ =	shalt  }
0x87: {  	_ =	shalt  }
.Lfunc_end0:
.L_simem_size_0:
called_computation.3_lowered:
.L_overlay_start_0:
0x88: {  	s2 =	sld [smem:$0x3FD9]  }
0x89: {  	s3 =	sld [smem:$0x3FFE];
	_ =	sdelay $0x1  }
0x8a: {  	s1 =	srdreg.scid  }
0x8b: {  	s0 =	sand.u32 $0x1, s1  }
0x8c: {  	s17 =	sshll.u32 s0, $0xA;
	s2 =	sadd.s32 s3, s2  }
0x8d: {  	s2 =	sadd.s32 s2, s17  }
0x8e: {  	[smem:$0x3FC0] =	sst s2  }
0x8f: {  	_ = 	snop  }
0x90: {  	s2 =	sld [smem:$0x3FD0];
	(tm) =	ssettm $0x1  }
0x91: {  	s18 =	sld [smem:$0x3FFB];
	_ =	sdelay $0x3  }
0x92: {  	_ =	strace s18  }
0x93: {  	s3 =	sld [smem:$0x3FFC];
	_ =	sdelay $0x3  }
0x94: {  	_ =	strace s3  }
0x95: {  	s3 =	sld [smem:$0x3FFD];
	_ =	sdelay $0x3  }
0x96: {  	_ =	strace s3  }
0x97: {  	_ =	strace $0x8FFFFFFF  }
0x98: {  	s19 =	sld [smem:$0x3FDB];
	_ =	sdelay $0x1  }
0x99: {  	s4 =	simm.s32 $_scs_section_size  }
0x9a: {  	s5 =	simm.s32 $_size__tile_overlayer_lowered;
	s6 =	simm.s32 $_tile_overlayer_lowered  }
0x9b: {  	s22 =	simm.s32 $0x1BFF;
	s21 =	sshll.u32 s6, $0x1;
	s3 =	sadd.s32 s4, s19  }
0x9c: {  	s7 =	simm.s32 $0x0;
	s20 =	sshll.u32 s5, $0x1;
	s5 =	sadd.s32 s21, s3  }
0x9d: {  	[timem:s7], [sflag:s22] =	dma.local [hbm:s5], s20  }
0x9e: {  	_ =	swait.ge [sflag:s22], s20  }
0x9f: {  	s4 =	ssub.s32 $0x0, s20;
	[sflag:s22] =	ssyncset.done $0x0  }
0xa0: {  	[sflag:s22] =	ssyncadd.s32 s4;
	_ =	sdelay $0x1  }
0xa1: {  	s23 =	simm.s32 $0x1B8B  }
0xa2: {  	_ =	swait.ge [sflag:s23], $0x1  }
0xa3: {  	[sflag:s23] =	ssyncset.done $0x0  }
0xa4: {  	s25 =	simm.s32 $0x1B8E;
	s24 =	sld [smem:$0x3FFE];
	[sflag:s23] =	ssyncadd.s32 $0xFFFFFFFF  }
0xa5: {  	s26 =	simm.s32 $execute0_lowered;
	[smem:$0x3FD2] =	sst s25  }
0xa6: {  	s5 =	sshll.u32 s26, $0x1;
	_ =	strace $0x8000004F;
	[dreg:$0x1] =	wrdreg $0xFFFFFFFF  }
0xa7: {  	s28 =	simm.s32 $_size_execute0_lowered;
	s3 =	sadd.s32 s3, s5;
	[dreg:$0x0] =	wrdreg $0x0  }
0xa8: {  	s5 =	sshll.u32 s28, $0x1;
	[dreg:$0x2] =	wrdreg s3  }
0xa9: {  	[dreg:$0x3] =	wrdreg s5  }
0xaa: {  	[dreg:$0x4] =	wrdreg $0xC0  }
0xab: {  	_ =	task [dreg:s7], $0x5FFFF  }
0xac: {  	[dreg:$0x1] =	wrdreg $0xFFFFFFFF  }
0xad: {  	[dreg:$0x0] =	wrdreg $0x60  }
0xae: {  	[dreg:$0x2] =	wrdreg s24  }
0xaf: {  	[dreg:$0x3] =	wrdreg s2  }
0xb0: {  	[dreg:$0x4] =	wrdreg $0x90000  }
0xb1: {  	[dreg:$0x5] =	wrdreg $0x9  }
0xb2: {  	_ =	task.clear_ibuf [dreg:s7], $0x6FFFF;
	_ =	strace $0x9000004F  }
0xb3: {  	s29 =	simm.s32 $0x9;
	_ =	strace $0x80000051  }
0xb4: {  	_ =	swait.ge [sflag:s29], $0x1  }
0xb5: {  	[sflag:s29] =	ssyncadd.s32 $0xFFFFFFFF  }
0xb6: {  	_ =	strace $0x90000051  }
0xb7: {  	_ =	sfence  }
0xb8: {  	s30 =	sld [smem:$0x0];
	_ =	sdelay $0x2  }
0xb9: {  	s31 =	sshll.u32 s1, $0xD;
	s1 =	sshrl.u32 s1, $0x2  }
0xba: {  	s3 =	sand.u32 $0x4000, s31;
	s1 =	sadd.s32 s1, s30  }
0xbb: {  	s0 =	sor.u32 s3, s0;
	s1 =	sshll.u32 s1, $0x11  }
0xbc: {  	s0 =	sor.u32 s1, s0  }
0xbd: {  	s0 =	sadd.s32 $0x8F2B, s0  }
0xbe: {  	[sflag:s0] =	ssyncadd.remote.s32 $0x1  }
0xbf: {  	_ =	sfence.sel $0xFFFF  }
0xc0: {  	[dreg:$0x0] =	wrdreg $0xFFFFFFFF;
	(pc) =	sbr.abs _section_cstart, $3  }
0xc1: {  	[dreg:$0x1] =	wrdreg $0xFFFFFFFF  }
0xc2: {  	_ =	task.clear_ibuf [dreg:s7], $0x2FFFF;
	_ =	strace $0x9FFFFFFF  }
0xc3: {  	(tm) =	ssettm $0x7FFFFFFF  }
tec
execute0_lowered:
.L_overlay_start_1:
0x0: {  	(tag) =	ssettag $0x1  }
0x1: {  	s5 =	rddreg [dreg:$0x0]  }
0x2: {  	s0 =	srdreg.scid;
	s8 =	rddreg [dreg:$0x1]  }
0x3: {  	s2 =	rddreg [dreg:$0x2];
	s1 =	stileid.u32;
	s3 =	simm.s32 $0x0  }
0x4: {  	s6 =	sand.u32 $0x1, s0;
	s0 =	rddreg [dreg:$0x3];
	s7 =	smul.u32 $0x4F000, s1  }
0x5: {  	[smem:$0x7FF] =	sst s3;
	s16 =	smul.u32 $0x13C00, s1;
	s17 =	sadd.s32 $0x5D200, s5  }
0x6: {  	s4 =	sshll.u32 s6, $0x4;
	_ =	strace $0x80000050;
	s11 =	ssub.s32 $0x2, s6  }
0x7: {  	s18 =	smul.u32 $0x13C000, s6;
	s4 =	sor.u32 s1, s4;
	s24 =	sshrl.u32 s11, $0x1  }
0x8: {  	s25 =	sshrl.u32 s7, $0x2;
	s26 =	sadd.s32 $0x10000, s16;
	s19 =	sadd.s32 $0x4000, s16  }
0x9: {  	s20 =	sadd.s32 $0x8000, s16;
	s22 =	sadd.s32 $0xC000, s16;
	s9 =	smul.u32 $0x500, s4  }
0xa: {  	s4 =	sadd.s32 $0x4200, s5;
	s11 =	ssub.s32 s11, s24;
	s6 =	sadd.s32 s26, s2  }
0xb: {  	s12 =	sadd.s32 s18, s26;
	s29 =	sadd.s32 s18, s16;
	s15 =	sadd.s32 s18, s19  }
0xc: {  	s21 =	sadd.s32 s18, s20;
	s23 =	sadd.s32 s19, s2;
	s18 =	sadd.s32 s18, s22  }
0xd: {  	s24 =	sadd.s32 s20, s2;
	s19 =	simm.s32 $0x1;
	s20 =	simm.s32 $0x2800  }
0xe: {  	s28 =	sshrl.u32 s12, $0x3;
	s30 =	sshrl.u32 s29, $0x3;
	s11 =	smax.u32 s11, $0x1  }
0xf: {  	s15 =	sshrl.u32 s15, $0x3;
	s31 =	sshrl.u32 s21, $0x3;
	s18 =	sshrl.u32 s18, $0x3  }
0x10: {  	s21 =	simm.s32 $0x80;
	s10 =	sadd.s32 s9, s5;
	s5 =	sadd.s32 s25, s2  }
0x11: {  	s8 =	sadd.s32 s8, s9;
	s9 =	sadd.s32 s17, s28;
	s15 =	sadd.s32 s17, s15  }
0x12: {  	s16 =	sadd.s32 s17, s31;
	s25 =	sadd.s32 s22, s2;
	s22 =	sshrl.u32 s23, $0x3  }
0x13: {  	s23 =	sshrl.u32 s24, $0x3;
	s7 =	sadd.s32 $0x53200, s10;
	s10 =	sadd.s32 s17, s30  }
0x14: {  	s12 =	sadd.s32 $0x4000, s5;
	s13 =	sadd.s32 $0x8000, s5;
	s14 =	sadd.s32 $0xC000, s5  }
0x15: {  	v0 =	vimm.f32 $0.0e+00;
	s17 =	sadd.s32 s17, s18;
	s18 =	simm.s32 $0x5000;
	s24 =	sshrl.u32 s25, $0x3  }
.LBB2_1:
0x16: {  	s25 =	simm.s32 $0x0;
	s26 =	simm.s32 $0x200  }
.LBB2_2:
0x17: {  	p0 =	sne.s32 s26, $0xFE00;
	[tilespmem:s25+$0x5070] =	vst v0  }
0x18: {  	[tilespmem:s25+$0x5000] =	vst v0  }
0x19: {  	[tilespmem:s25+$0x5010] =	vst v0  }
.Ltmp0:
0x1a: {  	[tilespmem:s25+$0x5020] =	vst v0;
	(pc) =	sbr.rel @p0 .LBB2_2-.Ltmp0, $4  }
0x1b: {  	[tilespmem:s25+$0x5030] =	vst v0  }
0x1c: {  	[tilespmem:s25+$0x5040] =	vst v0  }
0x1d: {  	[tilespmem:s25+$0x5050] =	vst v0  }
0x1e: {  	[tilespmem:s25+$0x5060] =	vst v0;
	s25 =	sshra.s32 s26, $0x2;
	s26 =	sadd.s32 $0x200, s26  }
0x1f: {  	[tilespmem:s25+$0x5070] =	vst v0  }
0x20: {  	[tilespmem:s25+$0x5000] =	vst v0  }
0x21: {  	[tilespmem:s25+$0x5010] =	vst v0  }
0x22: {  	[tilespmem:s25+$0x5020] =	vst v0  }
0x23: {  	[tilespmem:s25+$0x5030] =	vst v0  }
0x24: {  	[tilespmem:s25+$0x5040] =	vst v0  }
0x25: {  	[tilespmem:s25+$0x5050] =	vst v0  }
0x26: {  	[tilespmem:s25+$0x5060] =	vst v0  }
0x27: {  	[spmem:s5] =	stream.linear.scatter [tilespmem:s18], [sflag:$0x1], $0x4000, $0x38;
	[tilespmem:$0x1CC00] =	vst v63  }
0x28: {  	_ =	swait.ge [sflag:s19], $0x4000  }
0x29: {  	[sflag:s19] =	ssyncset.done $0x0  }
0x2a: {  	[sflag:s19] =	ssyncadd.s32 $0xFFFFC000  }
0x2b: {  	[spmem:s12] =	stream.linear.scatter [tilespmem:s18], [sflag:$0x1], $0x4000, $0x38;
	[tilespmem:$0x1CC00] =	vst v63  }
0x2c: {  	_ =	swait.ge [sflag:s19], $0x4000  }
0x2d: {  	[sflag:s19] =	ssyncset.done $0x0  }
0x2e: {  	[sflag:s19] =	ssyncadd.s32 $0xFFFFC000  }
0x2f: {  	[spmem:s13] =	stream.linear.scatter [tilespmem:s18], [sflag:$0x1], $0x4000, $0x38;
	[tilespmem:$0x1CC00] =	vst v63  }
0x30: {  	_ =	swait.ge [sflag:s19], $0x4000  }
0x31: {  	[sflag:s19] =	ssyncset.done $0x0  }
0x32: {  	[sflag:s19] =	ssyncadd.s32 $0xFFFFC000  }
0x33: {  	[spmem:s14] =	stream.linear.scatter [tilespmem:s18], [sflag:$0x1], $0x4000, $0x38;
	[tilespmem:$0x1CC00] =	vst v63  }
0x34: {  	_ =	swait.ge [sflag:s19], $0x4000  }
0x35: {  	[sflag:s19] =	ssyncset.done $0x0  }
0x36: {  	[sflag:s19] =	ssyncadd.s32 $0xFFFFC000  }
0x37: {  	[spmem:s6] =	stream.linear.scatter [tilespmem:s18], [sflag:$0x1], $0x3C00, $0x38;
	[tilespmem:$0x1CC00] =	vst v63  }
0x38: {  	_ =	swait.ge [sflag:s19], $0x3C00  }
0x39: {  	[sflag:s19] =	ssyncset.done $0x0  }
0x3a: {  	s29 =	simm.s32 $0x0;
	[sflag:s19] =	ssyncadd.s32 $0xFFFFC400  }
0x3b: {  	[tilespmem:s29], [sflag:$0x1] =	stream.linear.gather [hbm4b:s7+s29], $0x2780, $0x38;
	[tilespmem:$0x1CC00] =	vst v63  }
0x3c: {  	_ =	swait.ge [sflag:s19], $0x2780  }
0x3d: {  	[sflag:s19] =	ssyncset.done $0x0  }
0x3e: {  	[sflag:s19] =	ssyncadd.s32 $0xFFFFD880  }
0x3f: {  	[tilespmem:s20], [sflag:$0x1] =	stream.linear.gather [hbm4b:s8+s29], $0x2780, $0x38;
	[tilespmem:$0x1CC00] =	vst v63  }
0x40: {  	_ =	swait.ge [sflag:s19], $0x2780  }
0x41: {  	[sflag:s19] =	ssyncset.done $0x0  }
0x42: {  	[sflag:s19] =	ssyncadd.s32 $0xFFFFD880  }
0x43: {  	s30 =	simm.s32 $0x0;
	[bflag:$0x0] =	sbarrier.arrive $0xFFFF  }
0x44: {  	[tilespmem:s18], [sflag:$0x1] =	stream.indirect.gather [hbm4b:s4+s21], $0x80, s30, s21, $0xb8;
	[tilespmem:$0x1CC00] =	vst v63  }
0x45: {  	_ =	swait.ge [sflag:s19], $0x4000  }
0x46: {  	[sflag:s19] =	ssyncset.done $0x0  }
0x47: {  	s31 =	simm.s32 $0x2800;
	[sflag:s19] =	ssyncadd.s32 $0xFFFFC000  }
0x48: {  	[spmem:s2] =	stream.indirect.scatter.add.f32 [tilespmem:s18], [sflag:$0x1], $0x80, s31, s21, $0xb8;
	[tilespmem:$0x1CC00] =	vst v63  }
0x49: {  	_ =	swait.ge [sflag:s19], $0x4000  }
0x4a: {  	s25 =	simm.s32 $0x200;
	s26 =	simm.s32 $0x400;
	[sflag:s19] =	ssyncset.done $0x0  }
.LBB2_4:
0x4b: {  	s28 =	sshra.s32 s25, $0x2  }
0x4c: {  	[sflag:s19] =	ssyncadd.s32 $0xFFFFC000;
	s25 =	smov.u32 s26;
	s29 =	sadd.s32 $0x200, s26  }
0x4d: {  	[tilespmem:s18], [sflag:$0x1] =	stream.indirect.gather [hbm4b:s4+s21], $0x80, s28, s21, $0xb8;
	[tilespmem:$0x1CC00] =	vst v63  }
0x4e: {  	p0 =	sne.s32 s26, $0x9C00;
	_ =	swait.ge [sflag:s19], $0x4000  }
.Ltmp1:
0x4f: {  	[sflag:s19] =	ssyncset.done $0x0;
	(pc) =	sbr.rel @p0 .LBB2_4-.Ltmp1, $4  }
0x50: {  	s26 =	sadd.s32 $0x2800, s28;
	[sflag:s19] =	ssyncadd.s32 $0xFFFFC000  }
0x51: {  	[spmem:s2] =	stream.indirect.scatter.add.f32 [tilespmem:s18], [sflag:$0x1], $0x80, s26, s21, $0xb8;
	[tilespmem:$0x1CC00] =	vst v63  }
0x52: {  	_ =	swait.ge [sflag:s19], $0x4000  }
0x53: {  	s26 =	smov.u32 s29;
	[sflag:s19] =	ssyncset.done $0x0  }
0x54: {  	s25 =	sshra.s32 s25, $0x2;
	[sflag:s19] =	ssyncadd.s32 $0xFFFFC000  }
0x55: {  	[tilespmem:s18], [sflag:$0x1] =	stream.indirect.gather [hbm4b:s4+s21], $0x80, s25, s21, $0xb8;
	[tilespmem:$0x1CC00] =	vst v63  }
0x56: {  	_ =	swait.ge [sflag:s19], $0x4000  }
0x57: {  	[sflag:s19] =	ssyncset.done $0x0  }
0x58: {  	s25 =	sadd.s32 $0x2800, s25;
	[sflag:s19] =	ssyncadd.s32 $0xFFFFC000  }
0x59: {  	[spmem:s2] =	stream.indirect.scatter.add.f32 [tilespmem:s18], [sflag:$0x1], $0x80, s25, s21, $0xb8;
	[tilespmem:$0x1CC00] =	vst v63  }
0x5a: {  	_ =	swait.ge [sflag:s19], $0x4000  }
0x5b: {  	[sflag:s19] =	ssyncset.done $0x0  }
0x5c: {  	s30 =	sshll.u32 s1, $0x6;
	[sflag:s19] =	ssyncadd.s32 $0xFFFFC000  }
0x5d: {  	s26 =	sshrl.u32 s5, $0x3;
	s25 =	sor.u32 $0x1C01, s30;
	[bflag:$0x0] =	sbarrier.arrive $0xFFFF  }
0x5e: {  	[hbm:s10], [sflag:s25] =	dma.local [spmem:s26], $0x800  }
0x5f: {  	_ =	swait.ge [sflag:s19], $0x800  }
0x60: {  	[sflag:s19] =	ssyncset.done $0x0  }
0x61: {  	[sflag:s19] =	ssyncadd.s32 $0xFFFFF800  }
0x62: {  	[hbm:s15], [sflag:s25] =	dma.local [spmem:s22], $0x800  }
0x63: {  	_ =	swait.ge [sflag:s19], $0x800  }
0x64: {  	[sflag:s19] =	ssyncset.done $0x0  }
0x65: {  	[sflag:s19] =	ssyncadd.s32 $0xFFFFF800  }
0x66: {  	[hbm:s16], [sflag:s25] =	dma.local [spmem:s23], $0x800  }
0x67: {  	_ =	swait.ge [sflag:s19], $0x800  }
0x68: {  	[sflag:s19] =	ssyncset.done $0x0  }
0x69: {  	[sflag:s19] =	ssyncadd.s32 $0xFFFFF800  }
0x6a: {  	[hbm:s17], [sflag:s25] =	dma.local [spmem:s24], $0x800  }
0x6b: {  	s3 =	sadd.s32 $0x1, s3;
	_ =	swait.ge [sflag:s19], $0x800  }
0x6c: {  	p0 =	sne.s32 s3, s11;
	[sflag:s19] =	ssyncset.done $0x0  }
.Ltmp2:
0x6d: {  	s31 =	sshrl.u32 s6, $0x3;
	[sflag:s19] =	ssyncadd.s32 $0xFFFFF800;
	(pc) =	sbr.rel @p0 .LBB2_1-.Ltmp2, $4  }
0x6e: {  	[hbm:s9], [sflag:s25] =	dma.local [spmem:s31], $0x780  }
0x6f: {  	_ =	swait.ge [sflag:s19], $0x780  }
0x70: {  	[sflag:s19] =	ssyncset.done $0x0  }
0x71: {  	[sflag:s19] =	ssyncadd.s32 $0xFFFFF880  }
0x72: {  	_ =	sfence.sel $0x180000  }
0x73: {  	[bflag:$0x0] =	sbarrier.arrive $0xFFFF  }
0x74: {  	p0 =	sne.s32 s1, $0x0;
	_ =	strace $0x90000050  }
0x75: {  	s0 =	sadd.s32 @!p0 $0x100000, s0;
	[bflag:$0x2] =	sbarrier.arrive $0xFFFF  }
0x76: {  	[sflag:s0] =	ssyncadd.tile.s32 @!p0 $0x1;
	_ =	shalt  }
.Lfunc_end2:
_tile_overlayer_lowered:
.L_overlay_start_2:
0x77: {  	(tag) =	ssettag $0x2  }
0x78: {  	s0 =	rddreg [dreg:$0x0];
	s2 =	stileid.u32  }
0x79: {  	s1 =	rddreg [dreg:$0x1];
	p0 =	sne.s32 s2, $0x0  }
0x7a: {  	s3 =	rddreg [dreg:$0x2];
	[bflag:$0x3] =	sbarrier.arrive $0xFFFF;
	s2 =	simm.s32 @!p0 $0x1C01  }
0x7b: {  	[timem:s3], [sflag:s2] =	dma.local @!p0 [hbm:s0], s1  }
0x7c: {  	s0 =	simm.s32 @!p0 $0x1  }
0x7d: {  	_ =	swait.ge @!p0 [sflag:s0], s1  }
0x7e: {  	s1 =	ssub.s32 @!p0 $0x0, s1;
	[sflag:s0] =	ssyncset.done @!p0 $0x0  }
0x7f: {  	[sflag:s0] =	ssyncadd.s32 @!p0 s1  }
0x80: {  	[bflag:$0x3] =	sbarrier.arrive $0xFFFF  }
0x81: {  	_ =	shalt  }

</sc_bundles>
